<compile_context>
chip_gen: v7x
topology: tpu7x:2x2x1
jax: 0.10.2.dev20260603
libtpu: 0.0.44.dev20260713+nightly
codegen_flags: <defaults>
</compile_context>

<pallas_src>
import jax
import jax.numpy as jnp
from jax import lax
from jax.experimental import pallas as pl
from jax.experimental.pallas import tpu as pltpu
from jax.experimental.pallas import tpu_sc as plsc

_N = 1024
_D = 256
_L = 16
_C = _N // _L
_MC = _C // _L
_ROWS_PER_TILE = _N // 16
_BIG = 2**30
_SH_SIZES = (128, 128, 128, 128, 128, 128, 128)
_SH_STARTS = (0, 128, 256, 384, 512, 640, 768)
_SH_BUFS = len(_SH_SIZES)
_SH_ROWS = 896


def _cost_body(x_ref, y_ref, out_ref):
    x = x_ref[...]
    y = y_ref[...]
    xx = jnp.sum(x * x, axis=1)[:, None]
    yy = jnp.sum(y * y, axis=1)[None, :]
    xy = lax.dot_general(x, y, (((1,), (1,)), ((), ())),
                         preferred_element_type=jnp.float32)
    d2 = xx + yy - 2.0 * xy
    out_ref[...] = jnp.maximum(d2, 0.0)


def _cost_matrix(x, y):
    return pl.pallas_call(
        _cost_body,
        out_shape=jax.ShapeDtypeStruct((_N, _N), jnp.float32),
    )(x, y)


def _lanes():
    return lax.iota(jnp.int32, 16)


_GDN = lax.GatherDimensionNumbers(
    offset_dims=(), collapsed_slice_dims=(0,), start_index_map=(0,))


def _perm(v, idx):
    return lax.gather(v, idx[:, None], _GDN, (1,),
                      mode=lax.GatherScatterMode.PROMISE_IN_BOUNDS)


def _min_splat(v):
    lanes = _lanes()
    for r in (8, 4, 2, 1):
        v = jnp.minimum(v, _perm(v, (lanes + r) & 15))
    return v


def _ffs_vec(mask):
    r = plsc.all_reduce_ffs(mask)
    return jnp.broadcast_to(r, (16,)) if r.ndim == 0 else r


def _argmin_chunks(read_chunk, n_chunks=_C, unroll=8):
    lanes = _lanes()

    def body(c, carry):
        bv, bi = carry
        v = read_chunk(c)
        idx = lanes + c * _L
        better = v < bv
        return (jnp.where(better, v, bv), jnp.where(better, idx, bi))

    bv, bi = lax.fori_loop(
        0, n_chunks, body,
        (jnp.full((16,), jnp.inf, jnp.float32),
         jnp.full((16,), _BIG, jnp.int32)),
        unroll=unroll)
    mv = _min_splat(bv)
    fv = _min_splat_i(jnp.where(bv == mv, bi, _BIG))
    return mv, fv


def _min_splat_i(v):
    lanes = _lanes()
    for r in (8, 4, 2, 1):
        v = jnp.minimum(v, _perm(v, (lanes + r) & 15))
    return v


def _hi(fv):
    return lax.shift_right_logical(fv, 4)


def _lo(fv):
    return fv & (_L - 1)


def _scatter1v(ref, flat_vec, val_vec):
    plsc.store_scatter(ref, [_hi(flat_vec), _lo(flat_vec)], val_vec,
                       mask=_lanes() == 0)


def _match_body(cost_hbm, out_hbm, initbuf, part_v, part_c, *rest):
    cost_sh = rest[:_SH_BUFS]
    (rmv_sh, rmc_sh,
     rmv_v, rmc_v, colpen_v, r2c_v, rowbuf, sem_a, sem_b) = rest[_SH_BUFS:]
    cid = lax.axis_index("c")
    sid = lax.axis_index("s")

    @pl.when(cid == 0)
    def _init():
        base = sid * _ROWS_PER_TILE
        pltpu.sync_copy(cost_hbm.at[pl.ds(base, _ROWS_PER_TILE)], initbuf)
        for bb in range(_SH_BUFS):
            st, nr = _SH_STARTS[bb], _SH_SIZES[bb]
            ncopy = min(_ROWS_PER_TILE, nr)

            @pl.when((base >= st) & (base < st + nr))
            def _stage(bb=bb, st=st, ncopy=ncopy):
                pltpu.sync_copy(initbuf.at[pl.ds(0, ncopy)],
                                cost_sh[bb].at[pl.ds(base - st, ncopy)])

        def per_row(r, _):
            mv, fv = _argmin_chunks(lambda c: initbuf[r, c])
            rv = jnp.full((16,), r, jnp.int32)
            _scatter1v(part_v, rv, mv)
            _scatter1v(part_c, rv, fv)
            return 0

        lax.fori_loop(0, _ROWS_PER_TILE, per_row, 0)
        nch = _ROWS_PER_TILE // _L
        pltpu.sync_copy(part_v, rmv_sh.at[pl.ds(sid * nch, nch)])
        pltpu.sync_copy(part_c, rmc_sh.at[pl.ds(sid * nch, nch)])

    plsc.subcore_barrier()

    @pl.when((cid == 0) & (sid == 0))
    def _greedy():
        pltpu.sync_copy(rmv_sh, rmv_v)
        pltpu.sync_copy(rmc_sh, rmc_v)

        lanes = _lanes()
        inf16 = jnp.full((16,), jnp.inf, jnp.float32)
        _HC = _C // 2

        def upd_cm(cms, khi, klo, newmin):
            return tuple(
                jnp.where((khi == mc) & (lanes == klo), newmin, cms[mc])
                for mc in range(_MC))

        def init_aux(c, cms):
            colpen_v[c] = jnp.zeros((16,), jnp.float32)
            return upd_cm(cms, c // _L, c % _L, _min_splat(rmv_v[c]))

        cm0 = lax.fori_loop(0, _C, init_aux, (inf16,) * _MC, unroll=8)

        def cond(carry):
            return carry[0] < _N

        def step(carry):
            a = carry[0]
            cms = carry[1:]
            bv = cms[0]
            bi = lanes
            for mc in range(1, _MC):
                better = cms[mc] < bv
                bv = jnp.where(better, cms[mc], bv)
                bi = jnp.where(better, lanes + mc * _L, bi)
            mv = _min_splat(bv)
            kv = _min_splat_i(jnp.where(bv == mv, bi, _BIG))
            v = plsc.load_gather(rmv_v, [kv, lanes])
            lane_v = _ffs_vec(v == mv)
            iv = (kv << 4) | lane_v
            jv = plsc.load_gather(rmc_v, [kv, lane_v])
            pv = plsc.load_gather(colpen_v, [_hi(jv), _lo(jv)])
            pen_j = pv[0]
            khi = _hi(kv)
            klo = _lo(kv)

            def assign(c):
                a, cms = c[0], c[1:]
                _scatter1v(r2c_v, iv, jv)
                nv = jnp.where(lanes == lane_v, jnp.inf, v)
                plsc.store_scatter(rmv_v, [kv, lanes], nv)
                _scatter1v(colpen_v, jv, inf16)
                return (a + 1,) + upd_cm(cms, khi, klo, _min_splat(nv))

            def rescan(c):
                a, cms = c[0], c[1:]
                i = iv[0]
                for bb in range(_SH_BUFS):
                    st, nr = _SH_STARTS[bb], _SH_SIZES[bb]

                    @pl.when((i >= st) & (i < st + nr))
                    def _fast(bb=bb, st=st):
                        pltpu.async_copy(
                            cost_sh[bb].at[i - st, pl.ds(0, _HC)],
                            rowbuf.at[pl.ds(0, _HC)], sem_a)
                        pltpu.async_copy(
                            cost_sh[bb].at[i - st, pl.ds(_HC, _HC)],
                            rowbuf.at[pl.ds(_HC, _HC)], sem_b)

                @pl.when(i >= _SH_ROWS)
                def _slow():
                    pltpu.async_copy(cost_hbm.at[i, pl.ds(0, _HC)],
                                     rowbuf.at[pl.ds(0, _HC)], sem_a)
                    pltpu.async_copy(cost_hbm.at[i, pl.ds(_HC, _HC)],
                                     rowbuf.at[pl.ds(_HC, _HC)], sem_b)

                def body(cc, bcarry):
                    sbv, sbi = bcarry
                    eff = rowbuf[cc] + colpen_v[cc]
                    idx = lanes + cc * _L
                    better = eff < sbv
                    return (jnp.where(better, eff, sbv),
                            jnp.where(better, idx, sbi))

                pltpu.make_async_copy(cost_hbm.at[0, pl.ds(0, _HC)],
                                      rowbuf.at[pl.ds(0, _HC)], sem_a).wait()
                half = lax.fori_loop(
                    0, _HC, body,
                    (inf16, jnp.full((16,), _BIG, jnp.int32)), unroll=16)
                pltpu.make_async_copy(cost_hbm.at[0, pl.ds(_HC, _HC)],
                                      rowbuf.at[pl.ds(_HC, _HC)],
                                      sem_b).wait()
                sbv, sbi = lax.fori_loop(_HC, _C, body, half, unroll=16)
                nmv = _min_splat(sbv)
                ncv = _min_splat_i(jnp.where(sbv == nmv, sbi, _BIG))
                nv = jnp.where(lanes == lane_v, nmv, v)
                plsc.store_scatter(rmv_v, [kv, lanes], nv)
                _scatter1v(rmc_v, iv, ncv)
                return (a,) + upd_cm(cms, khi, klo, _min_splat(nv))

            return lax.cond(pen_j == 0.0, assign, rescan, carry)

        lax.while_loop(cond, step, (jnp.int32(0),) + cm0)
        pltpu.sync_copy(r2c_v, out_hbm)


def _greedy_match_sc(cost3):
    mesh = plsc.VectorSubcoreMesh(core_axis_name="c", subcore_axis_name="s",
                                  num_cores=1, num_subcores=16)
    nch = _ROWS_PER_TILE // _L
    k = pl.kernel(
        _match_body,
        out_type=jax.ShapeDtypeStruct((_C, _L), jnp.int32),
        mesh=mesh,
        scratch_types=[
            pltpu.VMEM((_ROWS_PER_TILE, _C, _L), jnp.float32),
            pltpu.VMEM((nch, _L), jnp.float32),
            pltpu.VMEM((nch, _L), jnp.int32),
            *[pltpu.VMEM_SHARED((nr, _C, _L), jnp.float32)
              for nr in _SH_SIZES],
            pltpu.VMEM_SHARED((_C, _L), jnp.float32),
            pltpu.VMEM_SHARED((_C, _L), jnp.int32),
            pltpu.VMEM((_C, _L), jnp.float32),
            pltpu.VMEM((_C, _L), jnp.int32),
            pltpu.VMEM((_C, _L), jnp.float32),
            pltpu.VMEM((_C, _L), jnp.int32),
            pltpu.VMEM((_C, _L), jnp.float32),
            pltpu.SemaphoreType.DMA,
            pltpu.SemaphoreType.DMA,
        ],
        compiler_params=pltpu.CompilerParams(needs_layout_passes=False,
                                             use_tc_tiling_on_sc=False),
    )
    return k(cost3)


def kernel(xINP, yINP):
    cost = _cost_matrix(xINP, yINP)
    r2c = _greedy_match_sc(cost.reshape(_N, _C, _L))
    return r2c.reshape(_N)

# --- scband reference (transcript-rebuilt; emitter-appended) ---
"""Pipeline reference for scband-bipartate-matching-17549236371825 (READ-ONLY COPY).

The authoritative reference and input builder live on the scoring server;
editing this copy changes nothing except your own understanding.
"""

import jax, jax.numpy as jnp
import numpy as np

N = 1024
D = 256


def setup_inputs(seed: int = 0) -> dict:
    key = jax.random.key(seed)
    k1, k2 = jax.random.split(key)
    xINP = jax.random.normal(k1, (N, D), dtype=jnp.float32)
    yINP = jax.random.normal(k2, (N, D), dtype=jnp.float32)
    return {"xINP": xINP, "yINP": yINP}


def _pairwise_euclidean(x, y):
    # scipy.spatial.distance_matrix with p=2 (euclidean)
    d2 = (jnp.sum(x * x, axis=1)[:, None]
          + jnp.sum(y * y, axis=1)[None, :]
          - 2.0 * (x @ y.T))
    return jnp.sqrt(jnp.maximum(d2, 0.0))


def _greedy_match(cost, n):
    t = cost.reshape(-1)
    ind = jnp.argsort(t)  # ascending, stable (matches python sorted)
    def body(k, carry):
        r2c, c2r = carry
        idx = ind[k]
        i = idx // n
        j = idx % n
        free = (r2c[i] == -1) & (c2r[j] == -1)
        r2c = r2c.at[i].set(jnp.where(free, j.astype(jnp.int32), r2c[i]))
        c2r = c2r.at[j].set(jnp.where(free, i.astype(jnp.int32), c2r[j]))
        return (r2c, c2r)
    init = (jnp.full((n,), -1, dtype=jnp.int32),
            jnp.full((n,), -1, dtype=jnp.int32))
    r2c, _ = jax.lax.fori_loop(0, n * n, body, init)
    return r2c


def reference(xINP, yINP):
    cost = _pairwise_euclidean(xINP, yINP)
    row_to_col_match_vec = _greedy_match(cost, N)
    return row_to_col_match_vec

if __name__ == "__main__":
    import jax
    _d = setup_inputs()
    print(jax.jit(kernel)(*tuple(_d.values())))

</pallas_src>

<mosaic_0001>
#map = affine_map<(d0, d1) -> (0, 0, 0)>
#map1 = affine_map<(d0, d1) -> (0, 0)>
module attributes {stable_mosaic.version = 14 : i64} {
  func.func @_match_body(%arg0: i32, %arg1: i32, %arg2: memref<1024x64x16xf32, #tpu.memory_space<hbm>>, %arg3: memref<64x16xi32, #tpu.memory_space<hbm>>, %arg4: memref<64x64x16xf32, #tpu.memory_space<vmem>>, %arg5: memref<4x16xf32, #tpu.memory_space<vmem>>, %arg6: memref<4x16xi32, #tpu.memory_space<vmem>>, %arg7: memref<128x64x16xf32, #tpu.memory_space<vmem_shared>>, %arg8: memref<128x64x16xf32, #tpu.memory_space<vmem_shared>>, %arg9: memref<128x64x16xf32, #tpu.memory_space<vmem_shared>>, %arg10: memref<128x64x16xf32, #tpu.memory_space<vmem_shared>>, %arg11: memref<128x64x16xf32, #tpu.memory_space<vmem_shared>>, %arg12: memref<128x64x16xf32, #tpu.memory_space<vmem_shared>>, %arg13: memref<128x64x16xf32, #tpu.memory_space<vmem_shared>>, %arg14: memref<64x16xf32, #tpu.memory_space<vmem_shared>>, %arg15: memref<64x16xi32, #tpu.memory_space<vmem_shared>>, %arg16: memref<64x16xf32, #tpu.memory_space<vmem>>, %arg17: memref<64x16xi32, #tpu.memory_space<vmem>>, %arg18: memref<64x16xf32, #tpu.memory_space<vmem>>, %arg19: memref<64x16xi32, #tpu.memory_space<vmem>>, %arg20: memref<64x16xf32, #tpu.memory_space<vmem>>, %arg21: memref<!tpu.dma_semaphore, #tpu.memory_space<semaphore_mem>>, %arg22: memref<!tpu.dma_semaphore, #tpu.memory_space<semaphore_mem>>) attributes {dimension_semantics = [#tpu.dimension_semantics<core_parallel>, #tpu.dimension_semantics<subcore_parallel>], iteration_bounds = array<i64: 1, 16>, scalar_prefetch = 0 : i64, scratch_operands = 19 : i64, tpu.core_type = #tpu.core_type<sc_vector_subcore>, window_params = [{transform_indices = #map}, {transform_indices = #map1}]} {
    %eq3A = arith.constant 0 : i32
    %eq3A_0 = arith.cmpi eq, %arg0, %eq3A : i32
    %convert_element_type3A = arith.extui %eq3A_0 : i1 to i32
    %cond3A = arith.constant 0 : i32
    %cond3A_1 = arith.cmpi ne, %convert_element_type3A, %cond3A : i32
    scf.if %cond3A_1 {
      %mul3A = arith.constant 64 : i32
      %mul3A_9 = arith.muli %arg1, %mul3A : i32
      "tpu.region"() ({
        %run_scoped3A = tpu.sem_alloc : memref<!tpu.dma_semaphore, #tpu.memory_space<semaphore_mem>>
        %dma_start3A = arith.constant 0 : i32
        %dma_start3A_74 = arith.constant 0 : i32
        %dma_start3A_75 = tpu.memref_slice %arg2[%mul3A_9, %dma_start3A, %dma_start3A_74] : memref<1024x64x16xf32, #tpu.memory_space<hbm>> -> memref<64x64x16xf32, #tpu.memory_space<hbm>>
        %dma_start3A_76 = arith.constant 0 : i32
        %dma_start3A_77 = arith.constant 0 : i32
        %dma_start3A_78 = tpu.memref_slice %arg2[%mul3A_9, %dma_start3A_76, %dma_start3A_77] : memref<1024x64x16xf32, #tpu.memory_space<hbm>> -> memref<64x64x16xf32, #tpu.memory_space<hbm>>
        tpu.enqueue_dma source(%dma_start3A_78 : memref<64x64x16xf32, #tpu.memory_space<hbm>>) target(%arg4 : memref<64x64x16xf32, #tpu.memory_space<vmem>>) target_semaphore(%run_scoped3A : memref<!tpu.dma_semaphore, #tpu.memory_space<semaphore_mem>>)
        %dma_wait3A = arith.constant 0 : i32
        %dma_wait3A_79 = arith.constant 0 : i32
        %dma_wait3A_80 = tpu.memref_slice %arg2[%mul3A_9, %dma_wait3A, %dma_wait3A_79] : memref<1024x64x16xf32, #tpu.memory_space<hbm>> -> memref<64x64x16xf32, #tpu.memory_space<hbm>>
        %dma_wait3A_81 = arith.constant 0 : i32
        %dma_wait3A_82 = arith.constant 0 : i32
        %dma_wait3A_83 = tpu.memref_slice %arg2[%mul3A_9, %dma_wait3A_81, %dma_wait3A_82] : memref<1024x64x16xf32, #tpu.memory_space<hbm>> -> memref<64x64x16xf32, #tpu.memory_space<hbm>>
        tpu.wait_dma2 semaphore(%run_scoped3A : memref<!tpu.dma_semaphore, #tpu.memory_space<semaphore_mem>>) src(%dma_wait3A_83 : memref<64x64x16xf32, #tpu.memory_space<hbm>>) dst(%arg4 : memref<64x64x16xf32, #tpu.memory_space<vmem>>)
        tpu.yield
      }) : () -> ()
      %ge3A = arith.constant 0 : i32
      %ge3A_10 = arith.cmpi sge, %mul3A_9, %ge3A : i32
      %lt3A = arith.constant 128 : i32
      %lt3A_11 = arith.cmpi slt, %mul3A_9, %lt3A : i32
      %and3A_12 = arith.andi %ge3A_10, %lt3A_11 : i1
      %convert_element_type3A_13 = arith.extui %and3A_12 : i1 to i32
      %cond3A_14 = arith.constant 0 : i32
      %cond3A_15 = arith.cmpi ne, %convert_element_type3A_13, %cond3A_14 : i32
      scf.if %cond3A_15 {
        %sub3A = arith.constant 0 : i32
        %sub3A_74 = arith.subi %mul3A_9, %sub3A : i32
        "tpu.region"() ({
          %run_scoped3A = tpu.sem_alloc : memref<!tpu.dma_semaphore, #tpu.memory_space<semaphore_mem>>
          %dma_start3A = arith.constant 0 : i32
          %dma_start3A_75 = arith.constant 0 : i32
          %dma_start3A_76 = arith.constant 0 : i32
          %dma_start3A_77 = tpu.memref_slice %arg4[%dma_start3A, %dma_start3A_75, %dma_start3A_76] : memref<64x64x16xf32, #tpu.memory_space<vmem>> -> memref<64x64x16xf32, #tpu.memory_space<vmem>>
          %dma_start3A_78 = arith.constant 0 : i32
          %dma_start3A_79 = arith.constant 0 : i32
          %dma_start3A_80 = tpu.memref_slice %arg7[%sub3A_74, %dma_start3A_78, %dma_start3A_79] : memref<128x64x16xf32, #tpu.memory_space<vmem_shared>> -> memref<64x64x16xf32, #tpu.memory_space<vmem_shared>>
          %dma_start3A_81 = arith.constant 0 : i32
          %dma_start3A_82 = arith.constant 0 : i32
          %dma_start3A_83 = tpu.memref_slice %arg7[%sub3A_74, %dma_start3A_81, %dma_start3A_82] : memref<128x64x16xf32, #tpu.memory_space<vmem_shared>> -> memref<64x64x16xf32, #tpu.memory_space<vmem_shared>>
          %dma_start3A_84 = arith.constant 0 : i32
          %dma_start3A_85 = arith.constant 0 : i32
          %dma_start3A_86 = arith.constant 0 : i32
          %dma_start3A_87 = tpu.memref_slice %arg4[%dma_start3A_84, %dma_start3A_85, %dma_start3A_86] : memref<64x64x16xf32, #tpu.memory_space<vmem>> -> memref<64x64x16xf32, #tpu.memory_space<vmem>>
          tpu.enqueue_dma source(%dma_start3A_87 : memref<64x64x16xf32, #tpu.memory_space<vmem>>) target(%dma_start3A_83 : memref<64x64x16xf32, #tpu.memory_space<vmem_shared>>) target_semaphore(%run_scoped3A : memref<!tpu.dma_semaphore, #tpu.memory_space<semaphore_mem>>)
          %dma_wait3A = arith.constant 0 : i32
          %dma_wait3A_88 = arith.constant 0 : i32
          %dma_wait3A_89 = arith.constant 0 : i32
          %dma_wait3A_90 = tpu.memref_slice %arg4[%dma_wait3A, %dma_wait3A_88, %dma_wait3A_89] : memref<64x64x16xf32, #tpu.memory_space<vmem>> -> memref<64x64x16xf32, #tpu.memory_space<vmem>>
          %dma_wait3A_91 = arith.constant 0 : i32
          %dma_wait3A_92 = arith.constant 0 : i32
          %dma_wait3A_93 = tpu.memref_slice %arg7[%sub3A_74, %dma_wait3A_91, %dma_wait3A_92] : memref<128x64x16xf32, #tpu.memory_space<vmem_shared>> -> memref<64x64x16xf32, #tpu.memory_space<vmem_shared>>
          %dma_wait3A_94 = arith.constant 0 : i32
          %dma_wait3A_95 = arith.constant 0 : i32
          %dma_wait3A_96 = tpu.memref_slice %arg7[%sub3A_74, %dma_wait3A_94, %dma_wait3A_95] : memref<128x64x16xf32, #tpu.memory_space<vmem_shared>> -> memref<64x64x16xf32, #tpu.memory_space<vmem_shared>>
          %dma_wait3A_97 = arith.constant 0 : i32
          %dma_wait3A_98 = arith.constant 0 : i32
          %dma_wait3A_99 = arith.constant 0 : i32
          %dma_wait3A_100 = tpu.memref_slice %arg4[%dma_wait3A_97, %dma_wait3A_98, %dma_wait3A_99] : memref<64x64x16xf32, #tpu.memory_space<vmem>> -> memref<64x64x16xf32, #tpu.memory_space<vmem>>
          tpu.wait_dma2 semaphore(%run_scoped3A : memref<!tpu.dma_semaphore, #tpu.memory_space<semaphore_mem>>) src(%dma_wait3A_100 : memref<64x64x16xf32, #tpu.memory_space<vmem>>) dst(%dma_wait3A_96 : memref<64x64x16xf32, #tpu.memory_space<vmem_shared>>)
          tpu.yield
        }) : () -> ()
      } else {
      }
      %ge3A_16 = arith.constant 128 : i32
      %ge3A_17 = arith.cmpi sge, %mul3A_9, %ge3A_16 : i32
      %lt3A_18 = arith.constant 256 : i32
      %lt3A_19 = arith.cmpi slt, %mul3A_9, %lt3A_18 : i32
      %and3A_20 = arith.andi %ge3A_17, %lt3A_19 : i1
      %convert_element_type3A_21 = arith.extui %and3A_20 : i1 to i32
      %cond3A_22 = arith.constant 0 : i32
      %cond3A_23 = arith.cmpi ne, %convert_element_type3A_21, %cond3A_22 : i32
      scf.if %cond3A_23 {
        %sub3A = arith.constant 128 : i32
        %sub3A_74 = arith.subi %mul3A_9, %sub3A : i32
        "tpu.region"() ({
          %run_scoped3A = tpu.sem_alloc : memref<!tpu.dma_semaphore, #tpu.memory_space<semaphore_mem>>
          %dma_start3A = arith.constant 0 : i32
          %dma_start3A_75 = arith.constant 0 : i32
          %dma_start3A_76 = arith.constant 0 : i32
          %dma_start3A_77 = tpu.memref_slice %arg4[%dma_start3A, %dma_start3A_75, %dma_start3A_76] : memref<64x64x16xf32, #tpu.memory_space<vmem>> -> memref<64x64x16xf32, #tpu.memory_space<vmem>>
          %dma_start3A_78 = arith.constant 0 : i32
          %dma_start3A_79 = arith.constant 0 : i32
          %dma_start3A_80 = tpu.memref_slice %arg8[%sub3A_74, %dma_start3A_78, %dma_start3A_79] : memref<128x64x16xf32, #tpu.memory_space<vmem_shared>> -> memref<64x64x16xf32, #tpu.memory_space<vmem_shared>>
          %dma_start3A_81 = arith.constant 0 : i32
          %dma_start3A_82 = arith.constant 0 : i32
          %dma_start3A_83 = tpu.memref_slice %arg8[%sub3A_74, %dma_start3A_81, %dma_start3A_82] : memref<128x64x16xf32, #tpu.memory_space<vmem_shared>> -> memref<64x64x16xf32, #tpu.memory_space<vmem_shared>>
          %dma_start3A_84 = arith.constant 0 : i32
          %dma_start3A_85 = arith.constant 0 : i32
          %dma_start3A_86 = arith.constant 0 : i32
          %dma_start3A_87 = tpu.memref_slice %arg4[%dma_start3A_84, %dma_start3A_85, %dma_start3A_86] : memref<64x64x16xf32, #tpu.memory_space<vmem>> -> memref<64x64x16xf32, #tpu.memory_space<vmem>>
          tpu.enqueue_dma source(%dma_start3A_87 : memref<64x64x16xf32, #tpu.memory_space<vmem>>) target(%dma_start3A_83 : memref<64x64x16xf32, #tpu.memory_space<vmem_shared>>) target_semaphore(%run_scoped3A : memref<!tpu.dma_semaphore, #tpu.memory_space<semaphore_mem>>)
          %dma_wait3A = arith.constant 0 : i32
          %dma_wait3A_88 = arith.constant 0 : i32
          %dma_wait3A_89 = arith.constant 0 : i32
          %dma_wait3A_90 = tpu.memref_slice %arg4[%dma_wait3A, %dma_wait3A_88, %dma_wait3A_89] : memref<64x64x16xf32, #tpu.memory_space<vmem>> -> memref<64x64x16xf32, #tpu.memory_space<vmem>>
          %dma_wait3A_91 = arith.constant 0 : i32
          %dma_wait3A_92 = arith.constant 0 : i32
          %dma_wait3A_93 = tpu.memref_slice %arg8[%sub3A_74, %dma_wait3A_91, %dma_wait3A_92] : memref<128x64x16xf32, #tpu.memory_space<vmem_shared>> -> memref<64x64x16xf32, #tpu.memory_space<vmem_shared>>
          %dma_wait3A_94 = arith.constant 0 : i32
          %dma_wait3A_95 = arith.constant 0 : i32
          %dma_wait3A_96 = tpu.memref_slice %arg8[%sub3A_74, %dma_wait3A_94, %dma_wait3A_95] : memref<128x64x16xf32, #tpu.memory_space<vmem_shared>> -> memref<64x64x16xf32, #tpu.memory_space<vmem_shared>>
          %dma_wait3A_97 = arith.constant 0 : i32
          %dma_wait3A_98 = arith.constant 0 : i32
          %dma_wait3A_99 = arith.constant 0 : i32
          %dma_wait3A_100 = tpu.memref_slice %arg4[%dma_wait3A_97, %dma_wait3A_98, %dma_wait3A_99] : memref<64x64x16xf32, #tpu.memory_space<vmem>> -> memref<64x64x16xf32, #tpu.memory_space<vmem>>
          tpu.wait_dma2 semaphore(%run_scoped3A : memref<!tpu.dma_semaphore, #tpu.memory_space<semaphore_mem>>) src(%dma_wait3A_100 : memref<64x64x16xf32, #tpu.memory_space<vmem>>) dst(%dma_wait3A_96 : memref<64x64x16xf32, #tpu.memory_space<vmem_shared>>)
          tpu.yield
        }) : () -> ()
      } else {
      }
      %ge3A_24 = arith.constant 256 : i32
      %ge3A_25 = arith.cmpi sge, %mul3A_9, %ge3A_24 : i32
      %lt3A_26 = arith.constant 384 : i32
      %lt3A_27 = arith.cmpi slt, %mul3A_9, %lt3A_26 : i32
      %and3A_28 = arith.andi %ge3A_25, %lt3A_27 : i1
      %convert_element_type3A_29 = arith.extui %and3A_28 : i1 to i32
      %cond3A_30 = arith.constant 0 : i32
      %cond3A_31 = arith.cmpi ne, %convert_element_type3A_29, %cond3A_30 : i32
      scf.if %cond3A_31 {
        %sub3A = arith.constant 256 : i32
        %sub3A_74 = arith.subi %mul3A_9, %sub3A : i32
        "tpu.region"() ({
          %run_scoped3A = tpu.sem_alloc : memref<!tpu.dma_semaphore, #tpu.memory_space<semaphore_mem>>
          %dma_start3A = arith.constant 0 : i32
          %dma_start3A_75 = arith.constant 0 : i32
          %dma_start3A_76 = arith.constant 0 : i32
          %dma_start3A_77 = tpu.memref_slice %arg4[%dma_start3A, %dma_start3A_75, %dma_start3A_76] : memref<64x64x16xf32, #tpu.memory_space<vmem>> -> memref<64x64x16xf32, #tpu.memory_space<vmem>>
          %dma_start3A_78 = arith.constant 0 : i32
          %dma_start3A_79 = arith.constant 0 : i32
          %dma_start3A_80 = tpu.memref_slice %arg9[%sub3A_74, %dma_start3A_78, %dma_start3A_79] : memref<128x64x16xf32, #tpu.memory_space<vmem_shared>> -> memref<64x64x16xf32, #tpu.memory_space<vmem_shared>>
          %dma_start3A_81 = arith.constant 0 : i32
          %dma_start3A_82 = arith.constant 0 : i32
          %dma_start3A_83 = tpu.memref_slice %arg9[%sub3A_74, %dma_start3A_81, %dma_start3A_82] : memref<128x64x16xf32, #tpu.memory_space<vmem_shared>> -> memref<64x64x16xf32, #tpu.memory_space<vmem_shared>>
          %dma_start3A_84 = arith.constant 0 : i32
          %dma_start3A_85 = arith.constant 0 : i32
          %dma_start3A_86 = arith.constant 0 : i32
          %dma_start3A_87 = tpu.memref_slice %arg4[%dma_start3A_84, %dma_start3A_85, %dma_start3A_86] : memref<64x64x16xf32, #tpu.memory_space<vmem>> -> memref<64x64x16xf32, #tpu.memory_space<vmem>>
          tpu.enqueue_dma source(%dma_start3A_87 : memref<64x64x16xf32, #tpu.memory_space<vmem>>) target(%dma_start3A_83 : memref<64x64x16xf32, #tpu.memory_space<vmem_shared>>) target_semaphore(%run_scoped3A : memref<!tpu.dma_semaphore, #tpu.memory_space<semaphore_mem>>)
          %dma_wait3A = arith.constant 0 : i32
          %dma_wait3A_88 = arith.constant 0 : i32
          %dma_wait3A_89 = arith.constant 0 : i32
          %dma_wait3A_90 = tpu.memref_slice %arg4[%dma_wait3A, %dma_wait3A_88, %dma_wait3A_89] : memref<64x64x16xf32, #tpu.memory_space<vmem>> -> memref<64x64x16xf32, #tpu.memory_space<vmem>>
          %dma_wait3A_91 = arith.constant 0 : i32
          %dma_wait3A_92 = arith.constant 0 : i32
          %dma_wait3A_93 = tpu.memref_slice %arg9[%sub3A_74, %dma_wait3A_91, %dma_wait3A_92] : memref<128x64x16xf32, #tpu.memory_space<vmem_shared>> -> memref<64x64x16xf32, #tpu.memory_space<vmem_shared>>
          %dma_wait3A_94 = arith.constant 0 : i32
          %dma_wait3A_95 = arith.constant 0 : i32
          %dma_wait3A_96 = tpu.memref_slice %arg9[%sub3A_74, %dma_wait3A_94, %dma_wait3A_95] : memref<128x64x16xf32, #tpu.memory_space<vmem_shared>> -> memref<64x64x16xf32, #tpu.memory_space<vmem_shared>>
          %dma_wait3A_97 = arith.constant 0 : i32
          %dma_wait3A_98 = arith.constant 0 : i32
          %dma_wait3A_99 = arith.constant 0 : i32
          %dma_wait3A_100 = tpu.memref_slice %arg4[%dma_wait3A_97, %dma_wait3A_98, %dma_wait3A_99] : memref<64x64x16xf32, #tpu.memory_space<vmem>> -> memref<64x64x16xf32, #tpu.memory_space<vmem>>
          tpu.wait_dma2 semaphore(%run_scoped3A : memref<!tpu.dma_semaphore, #tpu.memory_space<semaphore_mem>>) src(%dma_wait3A_100 : memref<64x64x16xf32, #tpu.memory_space<vmem>>) dst(%dma_wait3A_96 : memref<64x64x16xf32, #tpu.memory_space<vmem_shared>>)
          tpu.yield
        }) : () -> ()
      } else {
      }
      %ge3A_32 = arith.constant 384 : i32
      %ge3A_33 = arith.cmpi sge, %mul3A_9, %ge3A_32 : i32
      %lt3A_34 = arith.constant 512 : i32
      %lt3A_35 = arith.cmpi slt, %mul3A_9, %lt3A_34 : i32
      %and3A_36 = arith.andi %ge3A_33, %lt3A_35 : i1
      %convert_element_type3A_37 = arith.extui %and3A_36 : i1 to i32
      %cond3A_38 = arith.constant 0 : i32
      %cond3A_39 = arith.cmpi ne, %convert_element_type3A_37, %cond3A_38 : i32
      scf.if %cond3A_39 {
        %sub3A = arith.constant 384 : i32
        %sub3A_74 = arith.subi %mul3A_9, %sub3A : i32
        "tpu.region"() ({
          %run_scoped3A = tpu.sem_alloc : memref<!tpu.dma_semaphore, #tpu.memory_space<semaphore_mem>>
          %dma_start3A = arith.constant 0 : i32
          %dma_start3A_75 = arith.constant 0 : i32
          %dma_start3A_76 = arith.constant 0 : i32
          %dma_start3A_77 = tpu.memref_slice %arg4[%dma_start3A, %dma_start3A_75, %dma_start3A_76] : memref<64x64x16xf32, #tpu.memory_space<vmem>> -> memref<64x64x16xf32, #tpu.memory_space<vmem>>
          %dma_start3A_78 = arith.constant 0 : i32
          %dma_start3A_79 = arith.constant 0 : i32
          %dma_start3A_80 = tpu.memref_slice %arg10[%sub3A_74, %dma_start3A_78, %dma_start3A_79] : memref<128x64x16xf32, #tpu.memory_space<vmem_shared>> -> memref<64x64x16xf32, #tpu.memory_space<vmem_shared>>
          %dma_start3A_81 = arith.constant 0 : i32
          %dma_start3A_82 = arith.constant 0 : i32
          %dma_start3A_83 = tpu.memref_slice %arg10[%sub3A_74, %dma_start3A_81, %dma_start3A_82] : memref<128x64x16xf32, #tpu.memory_space<vmem_shared>> -> memref<64x64x16xf32, #tpu.memory_space<vmem_shared>>
          %dma_start3A_84 = arith.constant 0 : i32
          %dma_start3A_85 = arith.constant 0 : i32
          %dma_start3A_86 = arith.constant 0 : i32
          %dma_start3A_87 = tpu.memref_slice %arg4[%dma_start3A_84, %dma_start3A_85, %dma_start3A_86] : memref<64x64x16xf32, #tpu.memory_space<vmem>> -> memref<64x64x16xf32, #tpu.memory_space<vmem>>
          tpu.enqueue_dma source(%dma_start3A_87 : memref<64x64x16xf32, #tpu.memory_space<vmem>>) target(%dma_start3A_83 : memref<64x64x16xf32, #tpu.memory_space<vmem_shared>>) target_semaphore(%run_scoped3A : memref<!tpu.dma_semaphore, #tpu.memory_space<semaphore_mem>>)
          %dma_wait3A = arith.constant 0 : i32
          %dma_wait3A_88 = arith.constant 0 : i32
          %dma_wait3A_89 = arith.constant 0 : i32
          %dma_wait3A_90 = tpu.memref_slice %arg4[%dma_wait3A, %dma_wait3A_88, %dma_wait3A_89] : memref<64x64x16xf32, #tpu.memory_space<vmem>> -> memref<64x64x16xf32, #tpu.memory_space<vmem>>
          %dma_wait3A_91 = arith.constant 0 : i32
          %dma_wait3A_92 = arith.constant 0 : i32
          %dma_wait3A_93 = tpu.memref_slice %arg10[%sub3A_74, %dma_wait3A_91, %dma_wait3A_92] : memref<128x64x16xf32, #tpu.memory_space<vmem_shared>> -> memref<64x64x16xf32, #tpu.memory_space<vmem_shared>>
          %dma_wait3A_94 = arith.constant 0 : i32
          %dma_wait3A_95 = arith.constant 0 : i32
          %dma_wait3A_96 = tpu.memref_slice %arg10[%sub3A_74, %dma_wait3A_94, %dma_wait3A_95] : memref<128x64x16xf32, #tpu.memory_space<vmem_shared>> -> memref<64x64x16xf32, #tpu.memory_space<vmem_shared>>
          %dma_wait3A_97 = arith.constant 0 : i32
          %dma_wait3A_98 = arith.constant 0 : i32
          %dma_wait3A_99 = arith.constant 0 : i32
          %dma_wait3A_100 = tpu.memref_slice %arg4[%dma_wait3A_97, %dma_wait3A_98, %dma_wait3A_99] : memref<64x64x16xf32, #tpu.memory_space<vmem>> -> memref<64x64x16xf32, #tpu.memory_space<vmem>>
          tpu.wait_dma2 semaphore(%run_scoped3A : memref<!tpu.dma_semaphore, #tpu.memory_space<semaphore_mem>>) src(%dma_wait3A_100 : memref<64x64x16xf32, #tpu.memory_space<vmem>>) dst(%dma_wait3A_96 : memref<64x64x16xf32, #tpu.memory_space<vmem_shared>>)
          tpu.yield
        }) : () -> ()
      } else {
      }
      %ge3A_40 = arith.constant 512 : i32
      %ge3A_41 = arith.cmpi sge, %mul3A_9, %ge3A_40 : i32
      %lt3A_42 = arith.constant 640 : i32
      %lt3A_43 = arith.cmpi slt, %mul3A_9, %lt3A_42 : i32
      %and3A_44 = arith.andi %ge3A_41, %lt3A_43 : i1
      %convert_element_type3A_45 = arith.extui %and3A_44 : i1 to i32
      %cond3A_46 = arith.constant 0 : i32
      %cond3A_47 = arith.cmpi ne, %convert_element_type3A_45, %cond3A_46 : i32
      scf.if %cond3A_47 {
        %sub3A = arith.constant 512 : i32
        %sub3A_74 = arith.subi %mul3A_9, %sub3A : i32
        "tpu.region"() ({
          %run_scoped3A = tpu.sem_alloc : memref<!tpu.dma_semaphore, #tpu.memory_space<semaphore_mem>>
          %dma_start3A = arith.constant 0 : i32
          %dma_start3A_75 = arith.constant 0 : i32
          %dma_start3A_76 = arith.constant 0 : i32
          %dma_start3A_77 = tpu.memref_slice %arg4[%dma_start3A, %dma_start3A_75, %dma_start3A_76] : memref<64x64x16xf32, #tpu.memory_space<vmem>> -> memref<64x64x16xf32, #tpu.memory_space<vmem>>
          %dma_start3A_78 = arith.constant 0 : i32
          %dma_start3A_79 = arith.constant 0 : i32
          %dma_start3A_80 = tpu.memref_slice %arg11[%sub3A_74, %dma_start3A_78, %dma_start3A_79] : memref<128x64x16xf32, #tpu.memory_space<vmem_shared>> -> memref<64x64x16xf32, #tpu.memory_space<vmem_shared>>
          %dma_start3A_81 = arith.constant 0 : i32
          %dma_start3A_82 = arith.constant 0 : i32
          %dma_start3A_83 = tpu.memref_slice %arg11[%sub3A_74, %dma_start3A_81, %dma_start3A_82] : memref<128x64x16xf32, #tpu.memory_space<vmem_shared>> -> memref<64x64x16xf32, #tpu.memory_space<vmem_shared>>
          %dma_start3A_84 = arith.constant 0 : i32
          %dma_start3A_85 = arith.constant 0 : i32
          %dma_start3A_86 = arith.constant 0 : i32
          %dma_start3A_87 = tpu.memref_slice %arg4[%dma_start3A_84, %dma_start3A_85, %dma_start3A_86] : memref<64x64x16xf32, #tpu.memory_space<vmem>> -> memref<64x64x16xf32, #tpu.memory_space<vmem>>
          tpu.enqueue_dma source(%dma_start3A_87 : memref<64x64x16xf32, #tpu.memory_space<vmem>>) target(%dma_start3A_83 : memref<64x64x16xf32, #tpu.memory_space<vmem_shared>>) target_semaphore(%run_scoped3A : memref<!tpu.dma_semaphore, #tpu.memory_space<semaphore_mem>>)
          %dma_wait3A = arith.constant 0 : i32
          %dma_wait3A_88 = arith.constant 0 : i32
          %dma_wait3A_89 = arith.constant 0 : i32
          %dma_wait3A_90 = tpu.memref_slice %arg4[%dma_wait3A, %dma_wait3A_88, %dma_wait3A_89] : memref<64x64x16xf32, #tpu.memory_space<vmem>> -> memref<64x64x16xf32, #tpu.memory_space<vmem>>
          %dma_wait3A_91 = arith.constant 0 : i32
          %dma_wait3A_92 = arith.constant 0 : i32
          %dma_wait3A_93 = tpu.memref_slice %arg11[%sub3A_74, %dma_wait3A_91, %dma_wait3A_92] : memref<128x64x16xf32, #tpu.memory_space<vmem_shared>> -> memref<64x64x16xf32, #tpu.memory_space<vmem_shared>>
          %dma_wait3A_94 = arith.constant 0 : i32
          %dma_wait3A_95 = arith.constant 0 : i32
          %dma_wait3A_96 = tpu.memref_slice %arg11[%sub3A_74, %dma_wait3A_94, %dma_wait3A_95] : memref<128x64x16xf32, #tpu.memory_space<vmem_shared>> -> memref<64x64x16xf32, #tpu.memory_space<vmem_shared>>
          %dma_wait3A_97 = arith.constant 0 : i32
          %dma_wait3A_98 = arith.constant 0 : i32
          %dma_wait3A_99 = arith.constant 0 : i32
          %dma_wait3A_100 = tpu.memref_slice %arg4[%dma_wait3A_97, %dma_wait3A_98, %dma_wait3A_99] : memref<64x64x16xf32, #tpu.memory_space<vmem>> -> memref<64x64x16xf32, #tpu.memory_space<vmem>>
          tpu.wait_dma2 semaphore(%run_scoped3A : memref<!tpu.dma_semaphore, #tpu.memory_space<semaphore_mem>>) src(%dma_wait3A_100 : memref<64x64x16xf32, #tpu.memory_space<vmem>>) dst(%dma_wait3A_96 : memref<64x64x16xf32, #tpu.memory_space<vmem_shared>>)
          tpu.yield
        }) : () -> ()
      } else {
      }
      %ge3A_48 = arith.constant 640 : i32
      %ge3A_49 = arith.cmpi sge, %mul3A_9, %ge3A_48 : i32
      %lt3A_50 = arith.constant 768 : i32
      %lt3A_51 = arith.cmpi slt, %mul3A_9, %lt3A_50 : i32
      %and3A_52 = arith.andi %ge3A_49, %lt3A_51 : i1
      %convert_element_type3A_53 = arith.extui %and3A_52 : i1 to i32
      %cond3A_54 = arith.constant 0 : i32
      %cond3A_55 = arith.cmpi ne, %convert_element_type3A_53, %cond3A_54 : i32
      scf.if %cond3A_55 {
        %sub3A = arith.constant 640 : i32
        %sub3A_74 = arith.subi %mul3A_9, %sub3A : i32
        "tpu.region"() ({
          %run_scoped3A = tpu.sem_alloc : memref<!tpu.dma_semaphore, #tpu.memory_space<semaphore_mem>>
          %dma_start3A = arith.constant 0 : i32
          %dma_start3A_75 = arith.constant 0 : i32
          %dma_start3A_76 = arith.constant 0 : i32
          %dma_start3A_77 = tpu.memref_slice %arg4[%dma_start3A, %dma_start3A_75, %dma_start3A_76] : memref<64x64x16xf32, #tpu.memory_space<vmem>> -> memref<64x64x16xf32, #tpu.memory_space<vmem>>
          %dma_start3A_78 = arith.constant 0 : i32
          %dma_start3A_79 = arith.constant 0 : i32
          %dma_start3A_80 = tpu.memref_slice %arg12[%sub3A_74, %dma_start3A_78, %dma_start3A_79] : memref<128x64x16xf32, #tpu.memory_space<vmem_shared>> -> memref<64x64x16xf32, #tpu.memory_space<vmem_shared>>
          %dma_start3A_81 = arith.constant 0 : i32
          %dma_start3A_82 = arith.constant 0 : i32
          %dma_start3A_83 = tpu.memref_slice %arg12[%sub3A_74, %dma_start3A_81, %dma_start3A_82] : memref<128x64x16xf32, #tpu.memory_space<vmem_shared>> -> memref<64x64x16xf32, #tpu.memory_space<vmem_shared>>
          %dma_start3A_84 = arith.constant 0 : i32
          %dma_start3A_85 = arith.constant 0 : i32
          %dma_start3A_86 = arith.constant 0 : i32
          %dma_start3A_87 = tpu.memref_slice %arg4[%dma_start3A_84, %dma_start3A_85, %dma_start3A_86] : memref<64x64x16xf32, #tpu.memory_space<vmem>> -> memref<64x64x16xf32, #tpu.memory_space<vmem>>
          tpu.enqueue_dma source(%dma_start3A_87 : memref<64x64x16xf32, #tpu.memory_space<vmem>>) target(%dma_start3A_83 : memref<64x64x16xf32, #tpu.memory_space<vmem_shared>>) target_semaphore(%run_scoped3A : memref<!tpu.dma_semaphore, #tpu.memory_space<semaphore_mem>>)
          %dma_wait3A = arith.constant 0 : i32
          %dma_wait3A_88 = arith.constant 0 : i32
          %dma_wait3A_89 = arith.constant 0 : i32
          %dma_wait3A_90 = tpu.memref_slice %arg4[%dma_wait3A, %dma_wait3A_88, %dma_wait3A_89] : memref<64x64x16xf32, #tpu.memory_space<vmem>> -> memref<64x64x16xf32, #tpu.memory_space<vmem>>
          %dma_wait3A_91 = arith.constant 0 : i32
          %dma_wait3A_92 = arith.constant 0 : i32
          %dma_wait3A_93 = tpu.memref_slice %arg12[%sub3A_74, %dma_wait3A_91, %dma_wait3A_92] : memref<128x64x16xf32, #tpu.memory_space<vmem_shared>> -> memref<64x64x16xf32, #tpu.memory_space<vmem_shared>>
          %dma_wait3A_94 = arith.constant 0 : i32
          %dma_wait3A_95 = arith.constant 0 : i32
          %dma_wait3A_96 = tpu.memref_slice %arg12[%sub3A_74, %dma_wait3A_94, %dma_wait3A_95] : memref<128x64x16xf32, #tpu.memory_space<vmem_shared>> -> memref<64x64x16xf32, #tpu.memory_space<vmem_shared>>
          %dma_wait3A_97 = arith.constant 0 : i32
          %dma_wait3A_98 = arith.constant 0 : i32
          %dma_wait3A_99 = arith.constant 0 : i32
          %dma_wait3A_100 = tpu.memref_slice %arg4[%dma_wait3A_97, %dma_wait3A_98, %dma_wait3A_99] : memref<64x64x16xf32, #tpu.memory_space<vmem>> -> memref<64x64x16xf32, #tpu.memory_space<vmem>>
          tpu.wait_dma2 semaphore(%run_scoped3A : memref<!tpu.dma_semaphore, #tpu.memory_space<semaphore_mem>>) src(%dma_wait3A_100 : memref<64x64x16xf32, #tpu.memory_space<vmem>>) dst(%dma_wait3A_96 : memref<64x64x16xf32, #tpu.memory_space<vmem_shared>>)
          tpu.yield
        }) : () -> ()
      } else {
      }
      %ge3A_56 = arith.constant 768 : i32
      %ge3A_57 = arith.cmpi sge, %mul3A_9, %ge3A_56 : i32
      %lt3A_58 = arith.constant 896 : i32
      %lt3A_59 = arith.cmpi slt, %mul3A_9, %lt3A_58 : i32
      %and3A_60 = arith.andi %ge3A_57, %lt3A_59 : i1
      %convert_element_type3A_61 = arith.extui %and3A_60 : i1 to i32
      %cond3A_62 = arith.constant 0 : i32
      %cond3A_63 = arith.cmpi ne, %convert_element_type3A_61, %cond3A_62 : i32
      scf.if %cond3A_63 {
        %sub3A = arith.constant 768 : i32
        %sub3A_74 = arith.subi %mul3A_9, %sub3A : i32
        "tpu.region"() ({
          %run_scoped3A = tpu.sem_alloc : memref<!tpu.dma_semaphore, #tpu.memory_space<semaphore_mem>>
          %dma_start3A = arith.constant 0 : i32
          %dma_start3A_75 = arith.constant 0 : i32
          %dma_start3A_76 = arith.constant 0 : i32
          %dma_start3A_77 = tpu.memref_slice %arg4[%dma_start3A, %dma_start3A_75, %dma_start3A_76] : memref<64x64x16xf32, #tpu.memory_space<vmem>> -> memref<64x64x16xf32, #tpu.memory_space<vmem>>
          %dma_start3A_78 = arith.constant 0 : i32
          %dma_start3A_79 = arith.constant 0 : i32
          %dma_start3A_80 = tpu.memref_slice %arg13[%sub3A_74, %dma_start3A_78, %dma_start3A_79] : memref<128x64x16xf32, #tpu.memory_space<vmem_shared>> -> memref<64x64x16xf32, #tpu.memory_space<vmem_shared>>
          %dma_start3A_81 = arith.constant 0 : i32
          %dma_start3A_82 = arith.constant 0 : i32
          %dma_start3A_83 = tpu.memref_slice %arg13[%sub3A_74, %dma_start3A_81, %dma_start3A_82] : memref<128x64x16xf32, #tpu.memory_space<vmem_shared>> -> memref<64x64x16xf32, #tpu.memory_space<vmem_shared>>
          %dma_start3A_84 = arith.constant 0 : i32
          %dma_start3A_85 = arith.constant 0 : i32
          %dma_start3A_86 = arith.constant 0 : i32
          %dma_start3A_87 = tpu.memref_slice %arg4[%dma_start3A_84, %dma_start3A_85, %dma_start3A_86] : memref<64x64x16xf32, #tpu.memory_space<vmem>> -> memref<64x64x16xf32, #tpu.memory_space<vmem>>
          tpu.enqueue_dma source(%dma_start3A_87 : memref<64x64x16xf32, #tpu.memory_space<vmem>>) target(%dma_start3A_83 : memref<64x64x16xf32, #tpu.memory_space<vmem_shared>>) target_semaphore(%run_scoped3A : memref<!tpu.dma_semaphore, #tpu.memory_space<semaphore_mem>>)
          %dma_wait3A = arith.constant 0 : i32
          %dma_wait3A_88 = arith.constant 0 : i32
          %dma_wait3A_89 = arith.constant 0 : i32
          %dma_wait3A_90 = tpu.memref_slice %arg4[%dma_wait3A, %dma_wait3A_88, %dma_wait3A_89] : memref<64x64x16xf32, #tpu.memory_space<vmem>> -> memref<64x64x16xf32, #tpu.memory_space<vmem>>
          %dma_wait3A_91 = arith.constant 0 : i32
          %dma_wait3A_92 = arith.constant 0 : i32
          %dma_wait3A_93 = tpu.memref_slice %arg13[%sub3A_74, %dma_wait3A_91, %dma_wait3A_92] : memref<128x64x16xf32, #tpu.memory_space<vmem_shared>> -> memref<64x64x16xf32, #tpu.memory_space<vmem_shared>>
          %dma_wait3A_94 = arith.constant 0 : i32
          %dma_wait3A_95 = arith.constant 0 : i32
          %dma_wait3A_96 = tpu.memref_slice %arg13[%sub3A_74, %dma_wait3A_94, %dma_wait3A_95] : memref<128x64x16xf32, #tpu.memory_space<vmem_shared>> -> memref<64x64x16xf32, #tpu.memory_space<vmem_shared>>
          %dma_wait3A_97 = arith.constant 0 : i32
          %dma_wait3A_98 = arith.constant 0 : i32
          %dma_wait3A_99 = arith.constant 0 : i32
          %dma_wait3A_100 = tpu.memref_slice %arg4[%dma_wait3A_97, %dma_wait3A_98, %dma_wait3A_99] : memref<64x64x16xf32, #tpu.memory_space<vmem>> -> memref<64x64x16xf32, #tpu.memory_space<vmem>>
          tpu.wait_dma2 semaphore(%run_scoped3A : memref<!tpu.dma_semaphore, #tpu.memory_space<semaphore_mem>>) src(%dma_wait3A_100 : memref<64x64x16xf32, #tpu.memory_space<vmem>>) dst(%dma_wait3A_96 : memref<64x64x16xf32, #tpu.memory_space<vmem_shared>>)
          tpu.yield
        }) : () -> ()
      } else {
      }
      %scan3A = arith.constant 0 : i32
      %scan3A_64 = arith.constant 0 : i32
      %scan3A_65 = arith.constant 64 : i32
      %scan3A_66 = arith.addi %scan3A_64, %scan3A_65 : i32
      %scan3A_67 = arith.constant 1 : i32
      %scan3A_68 = scf.for %scan3A_74 = %scan3A_64 to %scan3A_66 step %scan3A_67 iter_args(%scan3A_75 = %scan3A) -> (i32)  : i32 {
        %iota3A = tpu.iota {dimensions = array<i32: 0>} : vector<16xi32>
        %broadcast_in_dim3A = arith.constant 0x7F800000 : f32
        %broadcast_in_dim3A_76 = vector.broadcast %broadcast_in_dim3A : f32 to vector<16xf32>
        %broadcast_in_dim3A_77 = arith.constant 1073741824 : i32
        %broadcast_in_dim3A_78 = vector.broadcast %broadcast_in_dim3A_77 : i32 to vector<16xi32>
        %scan3A_79 = arith.constant 0 : i32
        %scan3A_80 = arith.constant 64 : i32
        %scan3A_81 = arith.addi %scan3A_79, %scan3A_80 : i32
        %scan3A_82 = arith.constant 8 : i32
        %scan3A_83:2 = scf.for %scan3A_187 = %scan3A_79 to %scan3A_81 step %scan3A_82 iter_args(%scan3A_188 = %broadcast_in_dim3A_76, %scan3A_189 = %broadcast_in_dim3A_78) -> (vector<16xf32>, vector<16xi32>)  : i32 {
          %get3A = arith.index_cast %scan3A_74 : i32 to index
          %get3A_190 = arith.index_cast %scan3A_187 : i32 to index
          %get3A_191 = arith.constant 0 : index
          %get3A_192 = tpu.vector_load %arg4[%get3A, %get3A_190, %get3A_191] {strides = array<i32>} : memref<64x64x16xf32, #tpu.memory_space<vmem>>, vector<16xf32>,
          %mul3A_193 = arith.constant 16 : i32
          %mul3A_194 = arith.muli %scan3A_187, %mul3A_193 : i32
          %add3A_195 = vector.broadcast %mul3A_194 : i32 to vector<16xi32>
          %add3A_196 = arith.addi %iota3A, %add3A_195 : vector<16xi32>
          %lt3A_197 = arith.cmpf olt, %get3A_192, %scan3A_188 : vector<16xf32>
          %select_n3A_198 = arith.select %lt3A_197, %get3A_192, %scan3A_188 : vector<16xi1>, vector<16xf32>
          %select_n3A_199 = arith.select %lt3A_197, %add3A_196, %scan3A_189 : vector<16xi1>, vector<16xi32>
          %scan3A_200 = arith.constant 1 : i32
          %scan3A_201 = arith.addi %scan3A_187, %scan3A_200 : i32
          %get3A_202 = arith.index_cast %scan3A_74 : i32 to index
          %get3A_203 = arith.index_cast %scan3A_201 : i32 to index
          %get3A_204 = arith.constant 0 : index
          %get3A_205 = tpu.vector_load %arg4[%get3A_202, %get3A_203, %get3A_204] {strides = array<i32>} : memref<64x64x16xf32, #tpu.memory_space<vmem>>, vector<16xf32>,
          %mul3A_206 = arith.constant 16 : i32
          %mul3A_207 = arith.muli %scan3A_201, %mul3A_206 : i32
          %add3A_208 = vector.broadcast %mul3A_207 : i32 to vector<16xi32>
          %add3A_209 = arith.addi %iota3A, %add3A_208 : vector<16xi32>
          %lt3A_210 = arith.cmpf olt, %get3A_205, %select_n3A_198 : vector<16xf32>
          %select_n3A_211 = arith.select %lt3A_210, %get3A_205, %select_n3A_198 : vector<16xi1>, vector<16xf32>
          %select_n3A_212 = arith.select %lt3A_210, %add3A_209, %select_n3A_199 : vector<16xi1>, vector<16xi32>
          %scan3A_213 = arith.constant 2 : i32
          %scan3A_214 = arith.addi %scan3A_187, %scan3A_213 : i32
          %get3A_215 = arith.index_cast %scan3A_74 : i32 to index
          %get3A_216 = arith.index_cast %scan3A_214 : i32 to index
          %get3A_217 = arith.constant 0 : index
          %get3A_218 = tpu.vector_load %arg4[%get3A_215, %get3A_216, %get3A_217] {strides = array<i32>} : memref<64x64x16xf32, #tpu.memory_space<vmem>>, vector<16xf32>,
          %mul3A_219 = arith.constant 16 : i32
          %mul3A_220 = arith.muli %scan3A_214, %mul3A_219 : i32
          %add3A_221 = vector.broadcast %mul3A_220 : i32 to vector<16xi32>
          %add3A_222 = arith.addi %iota3A, %add3A_221 : vector<16xi32>
          %lt3A_223 = arith.cmpf olt, %get3A_218, %select_n3A_211 : vector<16xf32>
          %select_n3A_224 = arith.select %lt3A_223, %get3A_218, %select_n3A_211 : vector<16xi1>, vector<16xf32>
          %select_n3A_225 = arith.select %lt3A_223, %add3A_222, %select_n3A_212 : vector<16xi1>, vector<16xi32>
          %scan3A_226 = arith.constant 3 : i32
          %scan3A_227 = arith.addi %scan3A_187, %scan3A_226 : i32
          %get3A_228 = arith.index_cast %scan3A_74 : i32 to index
          %get3A_229 = arith.index_cast %scan3A_227 : i32 to index
          %get3A_230 = arith.constant 0 : index
          %get3A_231 = tpu.vector_load %arg4[%get3A_228, %get3A_229, %get3A_230] {strides = array<i32>} : memref<64x64x16xf32, #tpu.memory_space<vmem>>, vector<16xf32>,
          %mul3A_232 = arith.constant 16 : i32
          %mul3A_233 = arith.muli %scan3A_227, %mul3A_232 : i32
          %add3A_234 = vector.broadcast %mul3A_233 : i32 to vector<16xi32>
          %add3A_235 = arith.addi %iota3A, %add3A_234 : vector<16xi32>
          %lt3A_236 = arith.cmpf olt, %get3A_231, %select_n3A_224 : vector<16xf32>
          %select_n3A_237 = arith.select %lt3A_236, %get3A_231, %select_n3A_224 : vector<16xi1>, vector<16xf32>
          %select_n3A_238 = arith.select %lt3A_236, %add3A_235, %select_n3A_225 : vector<16xi1>, vector<16xi32>
          %scan3A_239 = arith.constant 4 : i32
          %scan3A_240 = arith.addi %scan3A_187, %scan3A_239 : i32
          %get3A_241 = arith.index_cast %scan3A_74 : i32 to index
          %get3A_242 = arith.index_cast %scan3A_240 : i32 to index
          %get3A_243 = arith.constant 0 : index
          %get3A_244 = tpu.vector_load %arg4[%get3A_241, %get3A_242, %get3A_243] {strides = array<i32>} : memref<64x64x16xf32, #tpu.memory_space<vmem>>, vector<16xf32>,
          %mul3A_245 = arith.constant 16 : i32
          %mul3A_246 = arith.muli %scan3A_240, %mul3A_245 : i32
          %add3A_247 = vector.broadcast %mul3A_246 : i32 to vector<16xi32>
          %add3A_248 = arith.addi %iota3A, %add3A_247 : vector<16xi32>
          %lt3A_249 = arith.cmpf olt, %get3A_244, %select_n3A_237 : vector<16xf32>
          %select_n3A_250 = arith.select %lt3A_249, %get3A_244, %select_n3A_237 : vector<16xi1>, vector<16xf32>
          %select_n3A_251 = arith.select %lt3A_249, %add3A_248, %select_n3A_238 : vector<16xi1>, vector<16xi32>
          %scan3A_252 = arith.constant 5 : i32
          %scan3A_253 = arith.addi %scan3A_187, %scan3A_252 : i32
          %get3A_254 = arith.index_cast %scan3A_74 : i32 to index
          %get3A_255 = arith.index_cast %scan3A_253 : i32 to index
          %get3A_256 = arith.constant 0 : index
          %get3A_257 = tpu.vector_load %arg4[%get3A_254, %get3A_255, %get3A_256] {strides = array<i32>} : memref<64x64x16xf32, #tpu.memory_space<vmem>>, vector<16xf32>,
          %mul3A_258 = arith.constant 16 : i32
          %mul3A_259 = arith.muli %scan3A_253, %mul3A_258 : i32
          %add3A_260 = vector.broadcast %mul3A_259 : i32 to vector<16xi32>
          %add3A_261 = arith.addi %iota3A, %add3A_260 : vector<16xi32>
          %lt3A_262 = arith.cmpf olt, %get3A_257, %select_n3A_250 : vector<16xf32>
          %select_n3A_263 = arith.select %lt3A_262, %get3A_257, %select_n3A_250 : vector<16xi1>, vector<16xf32>
          %select_n3A_264 = arith.select %lt3A_262, %add3A_261, %select_n3A_251 : vector<16xi1>, vector<16xi32>
          %scan3A_265 = arith.constant 6 : i32
          %scan3A_266 = arith.addi %scan3A_187, %scan3A_265 : i32
          %get3A_267 = arith.index_cast %scan3A_74 : i32 to index
          %get3A_268 = arith.index_cast %scan3A_266 : i32 to index
          %get3A_269 = arith.constant 0 : index
          %get3A_270 = tpu.vector_load %arg4[%get3A_267, %get3A_268, %get3A_269] {strides = array<i32>} : memref<64x64x16xf32, #tpu.memory_space<vmem>>, vector<16xf32>,
          %mul3A_271 = arith.constant 16 : i32
          %mul3A_272 = arith.muli %scan3A_266, %mul3A_271 : i32
          %add3A_273 = vector.broadcast %mul3A_272 : i32 to vector<16xi32>
          %add3A_274 = arith.addi %iota3A, %add3A_273 : vector<16xi32>
          %lt3A_275 = arith.cmpf olt, %get3A_270, %select_n3A_263 : vector<16xf32>
          %select_n3A_276 = arith.select %lt3A_275, %get3A_270, %select_n3A_263 : vector<16xi1>, vector<16xf32>
          %select_n3A_277 = arith.select %lt3A_275, %add3A_274, %select_n3A_264 : vector<16xi1>, vector<16xi32>
          %scan3A_278 = arith.constant 7 : i32
          %scan3A_279 = arith.addi %scan3A_187, %scan3A_278 : i32
          %get3A_280 = arith.index_cast %scan3A_74 : i32 to index
          %get3A_281 = arith.index_cast %scan3A_279 : i32 to index
          %get3A_282 = arith.constant 0 : index
          %get3A_283 = tpu.vector_load %arg4[%get3A_280, %get3A_281, %get3A_282] {strides = array<i32>} : memref<64x64x16xf32, #tpu.memory_space<vmem>>, vector<16xf32>,
          %mul3A_284 = arith.constant 16 : i32
          %mul3A_285 = arith.muli %scan3A_279, %mul3A_284 : i32
          %add3A_286 = vector.broadcast %mul3A_285 : i32 to vector<16xi32>
          %add3A_287 = arith.addi %iota3A, %add3A_286 : vector<16xi32>
          %lt3A_288 = arith.cmpf olt, %get3A_283, %select_n3A_276 : vector<16xf32>
          %select_n3A_289 = arith.select %lt3A_288, %get3A_283, %select_n3A_276 : vector<16xi1>, vector<16xf32>
          %select_n3A_290 = arith.select %lt3A_288, %add3A_287, %select_n3A_277 : vector<16xi1>, vector<16xi32>
          scf.yield %select_n3A_289, %select_n3A_290 : vector<16xf32>, vector<16xi32>
        }
        %scan3A_84 = arith.constant 64 : i32
        %iota3A_85 = tpu.iota {dimensions = array<i32: 0>} : vector<16xi32>
        %add3A = arith.constant 8 : i32
        %add3A_86 = vector.broadcast %add3A : i32 to vector<16xi32>
        %add3A_87 = arith.addi %iota3A_85, %add3A_86 : vector<16xi32>
        %and3A_88 = arith.constant 15 : i32
        %and3A_89 = vector.broadcast %and3A_88 : i32 to vector<16xi32>
        %and3A_90 = arith.andi %add3A_87, %and3A_89 : vector<16xi32>
        %broadcast_in_dim3A_91 = vector.shape_cast %and3A_90 : vector<16xi32> to vector<16x1xi32>
        %gather3A = vector.shape_cast %broadcast_in_dim3A_91 : vector<16x1xi32> to vector<16xi32>
        %gather3A_92 = tpu.dynamic_gather %scan3A_83#0[%gather3A] in [0] : vector<16xf32>, vector<16xi32> -> vector<16xf32>
        %min3A = arith.minimumf %scan3A_83#0, %gather3A_92 : vector<16xf32>
        %add3A_93 = arith.constant 4 : i32
        %add3A_94 = vector.broadcast %add3A_93 : i32 to vector<16xi32>
        %add3A_95 = arith.addi %iota3A_85, %add3A_94 : vector<16xi32>
        %and3A_96 = arith.constant 15 : i32
        %and3A_97 = vector.broadcast %and3A_96 : i32 to vector<16xi32>
        %and3A_98 = arith.andi %add3A_95, %and3A_97 : vector<16xi32>
        %broadcast_in_dim3A_99 = vector.shape_cast %and3A_98 : vector<16xi32> to vector<16x1xi32>
        %gather3A_100 = vector.shape_cast %broadcast_in_dim3A_99 : vector<16x1xi32> to vector<16xi32>
        %gather3A_101 = tpu.dynamic_gather %min3A[%gather3A_100] in [0] : vector<16xf32>, vector<16xi32> -> vector<16xf32>
        %min3A_102 = arith.minimumf %min3A, %gather3A_101 : vector<16xf32>
        %add3A_103 = arith.constant 2 : i32
        %add3A_104 = vector.broadcast %add3A_103 : i32 to vector<16xi32>
        %add3A_105 = arith.addi %iota3A_85, %add3A_104 : vector<16xi32>
        %and3A_106 = arith.constant 15 : i32
        %and3A_107 = vector.broadcast %and3A_106 : i32 to vector<16xi32>
        %and3A_108 = arith.andi %add3A_105, %and3A_107 : vector<16xi32>
        %broadcast_in_dim3A_109 = vector.shape_cast %and3A_108 : vector<16xi32> to vector<16x1xi32>
        %gather3A_110 = vector.shape_cast %broadcast_in_dim3A_109 : vector<16x1xi32> to vector<16xi32>
        %gather3A_111 = tpu.dynamic_gather %min3A_102[%gather3A_110] in [0] : vector<16xf32>, vector<16xi32> -> vector<16xf32>
        %min3A_112 = arith.minimumf %min3A_102, %gather3A_111 : vector<16xf32>
        %add3A_113 = arith.constant 1 : i32
        %add3A_114 = vector.broadcast %add3A_113 : i32 to vector<16xi32>
        %add3A_115 = arith.addi %iota3A_85, %add3A_114 : vector<16xi32>
        %and3A_116 = arith.constant 15 : i32
        %and3A_117 = vector.broadcast %and3A_116 : i32 to vector<16xi32>
        %and3A_118 = arith.andi %add3A_115, %and3A_117 : vector<16xi32>
        %broadcast_in_dim3A_119 = vector.shape_cast %and3A_118 : vector<16xi32> to vector<16x1xi32>
        %gather3A_120 = vector.shape_cast %broadcast_in_dim3A_119 : vector<16x1xi32> to vector<16xi32>
        %gather3A_121 = tpu.dynamic_gather %min3A_112[%gather3A_120] in [0] : vector<16xf32>, vector<16xi32> -> vector<16xf32>
        %min3A_122 = arith.minimumf %min3A_112, %gather3A_121 : vector<16xf32>
        %eq3A_123 = arith.cmpf oeq, %scan3A_83#0, %min3A_122 : vector<16xf32>
        %jit3A = arith.constant 1073741824 : i32
        %broadcast_in_dim3A_124 = vector.broadcast %jit3A : i32 to vector<16xi32>
        %select_n3A = arith.select %eq3A_123, %scan3A_83#1, %broadcast_in_dim3A_124 : vector<16xi1>, vector<16xi32>
        %iota3A_125 = tpu.iota {dimensions = array<i32: 0>} : vector<16xi32>
        %add3A_126 = arith.constant 8 : i32
        %add3A_127 = vector.broadcast %add3A_126 : i32 to vector<16xi32>
        %add3A_128 = arith.addi %iota3A_125, %add3A_127 : vector<16xi32>
        %and3A_129 = arith.constant 15 : i32
        %and3A_130 = vector.broadcast %and3A_129 : i32 to vector<16xi32>
        %and3A_131 = arith.andi %add3A_128, %and3A_130 : vector<16xi32>
        %broadcast_in_dim3A_132 = vector.shape_cast %and3A_131 : vector<16xi32> to vector<16x1xi32>
        %gather3A_133 = vector.shape_cast %broadcast_in_dim3A_132 : vector<16x1xi32> to vector<16xi32>
        %gather3A_134 = tpu.dynamic_gather %select_n3A[%gather3A_133] in [0] : vector<16xi32>, vector<16xi32> -> vector<16xi32>
        %min3A_135 = arith.minsi %select_n3A, %gather3A_134 : vector<16xi32>
        %add3A_136 = arith.constant 4 : i32
        %add3A_137 = vector.broadcast %add3A_136 : i32 to vector<16xi32>
        %add3A_138 = arith.addi %iota3A_125, %add3A_137 : vector<16xi32>
        %and3A_139 = arith.constant 15 : i32
        %and3A_140 = vector.broadcast %and3A_139 : i32 to vector<16xi32>
        %and3A_141 = arith.andi %add3A_138, %and3A_140 : vector<16xi32>
        %broadcast_in_dim3A_142 = vector.shape_cast %and3A_141 : vector<16xi32> to vector<16x1xi32>
        %gather3A_143 = vector.shape_cast %broadcast_in_dim3A_142 : vector<16x1xi32> to vector<16xi32>
        %gather3A_144 = tpu.dynamic_gather %min3A_135[%gather3A_143] in [0] : vector<16xi32>, vector<16xi32> -> vector<16xi32>
        %min3A_145 = arith.minsi %min3A_135, %gather3A_144 : vector<16xi32>
        %add3A_146 = arith.constant 2 : i32
        %add3A_147 = vector.broadcast %add3A_146 : i32 to vector<16xi32>
        %add3A_148 = arith.addi %iota3A_125, %add3A_147 : vector<16xi32>
        %and3A_149 = arith.constant 15 : i32
        %and3A_150 = vector.broadcast %and3A_149 : i32 to vector<16xi32>
        %and3A_151 = arith.andi %add3A_148, %and3A_150 : vector<16xi32>
        %broadcast_in_dim3A_152 = vector.shape_cast %and3A_151 : vector<16xi32> to vector<16x1xi32>
        %gather3A_153 = vector.shape_cast %broadcast_in_dim3A_152 : vector<16x1xi32> to vector<16xi32>
        %gather3A_154 = tpu.dynamic_gather %min3A_145[%gather3A_153] in [0] : vector<16xi32>, vector<16xi32> -> vector<16xi32>
        %min3A_155 = arith.minsi %min3A_145, %gather3A_154 : vector<16xi32>
        %add3A_156 = arith.constant 1 : i32
        %add3A_157 = vector.broadcast %add3A_156 : i32 to vector<16xi32>
        %add3A_158 = arith.addi %iota3A_125, %add3A_157 : vector<16xi32>
        %and3A_159 = arith.constant 15 : i32
        %and3A_160 = vector.broadcast %and3A_159 : i32 to vector<16xi32>
        %and3A_161 = arith.andi %add3A_158, %and3A_160 : vector<16xi32>
        %broadcast_in_dim3A_162 = vector.shape_cast %and3A_161 : vector<16xi32> to vector<16x1xi32>
        %gather3A_163 = vector.shape_cast %broadcast_in_dim3A_162 : vector<16x1xi32> to vector<16xi32>
        %gather3A_164 = tpu.dynamic_gather %min3A_155[%gather3A_163] in [0] : vector<16xi32>, vector<16xi32> -> vector<16xi32>
        %min3A_165 = arith.minsi %min3A_155, %gather3A_164 : vector<16xi32>
        %broadcast_in_dim3A_166 = vector.broadcast %scan3A_74 : i32 to vector<16xi32>
        %shift_right_logical3A = arith.constant 4 : i32
        %shift_right_logical3A_167 = vector.broadcast %shift_right_logical3A : i32 to vector<16xi32>
        %shift_right_logical3A_168 = arith.shrui %broadcast_in_dim3A_166, %shift_right_logical3A_167 : vector<16xi32>
        %and3A_169 = arith.constant 15 : i32
        %and3A_170 = vector.broadcast %and3A_169 : i32 to vector<16xi32>
        %and3A_171 = arith.andi %broadcast_in_dim3A_166, %and3A_170 : vector<16xi32>
        %iota3A_172 = tpu.iota {dimensions = array<i32: 0>} : vector<16xi32>
        %eq3A_173 = arith.constant 0 : i32
        %eq3A_174 = vector.broadcast %eq3A_173 : i32 to vector<16xi32>
        %eq3A_175 = arith.cmpi eq, %iota3A_172, %eq3A_174 : vector<16xi32>
        tpu.vector_store_idx %arg5[%shift_right_logical3A_168, %and3A_171], %min3A_122 masked %eq3A_175 : memref<4x16xf32, #tpu.memory_space<vmem>>[vector<16xi32>, vector<16xi32>], vector<16xf32>, vector<16xi1>
        %shift_right_logical3A_176 = arith.constant 4 : i32
        %shift_right_logical3A_177 = vector.broadcast %shift_right_logical3A_176 : i32 to vector<16xi32>
        %shift_right_logical3A_178 = arith.shrui %broadcast_in_dim3A_166, %shift_right_logical3A_177 : vector<16xi32>
        %and3A_179 = arith.constant 15 : i32
        %and3A_180 = vector.broadcast %and3A_179 : i32 to vector<16xi32>
        %and3A_181 = arith.andi %broadcast_in_dim3A_166, %and3A_180 : vector<16xi32>
        %iota3A_182 = tpu.iota {dimensions = array<i32: 0>} : vector<16xi32>
        %eq3A_183 = arith.constant 0 : i32
        %eq3A_184 = vector.broadcast %eq3A_183 : i32 to vector<16xi32>
        %eq3A_185 = arith.cmpi eq, %iota3A_182, %eq3A_184 : vector<16xi32>
        tpu.vector_store_idx %arg6[%shift_right_logical3A_178, %and3A_181], %min3A_165 masked %eq3A_185 : memref<4x16xi32, #tpu.memory_space<vmem>>[vector<16xi32>, vector<16xi32>], vector<16xi32>, vector<16xi1>
        %scan3A_186 = arith.constant 0 : i32
        scf.yield %scan3A_186 : i32
      }
      %scan3A_69 = arith.constant 64 : i32
      %mul3A_70 = arith.constant 4 : i32
      %mul3A_71 = arith.muli %arg1, %mul3A_70 : i32
      "tpu.region"() ({
        %run_scoped3A = tpu.sem_alloc : memref<!tpu.dma_semaphore, #tpu.memory_space<semaphore_mem>>
        %dma_start3A = arith.constant 0 : i32
        %dma_start3A_74 = tpu.memref_slice %arg14[%mul3A_71, %dma_start3A] : memref<64x16xf32, #tpu.memory_space<vmem_shared>> -> memref<4x16xf32, #tpu.memory_space<vmem_shared>>
        %dma_start3A_75 = arith.constant 0 : i32
        %dma_start3A_76 = tpu.memref_slice %arg14[%mul3A_71, %dma_start3A_75] : memref<64x16xf32, #tpu.memory_space<vmem_shared>> -> memref<4x16xf32, #tpu.memory_space<vmem_shared>>
        tpu.enqueue_dma source(%arg5 : memref<4x16xf32, #tpu.memory_space<vmem>>) target(%dma_start3A_76 : memref<4x16xf32, #tpu.memory_space<vmem_shared>>) target_semaphore(%run_scoped3A : memref<!tpu.dma_semaphore, #tpu.memory_space<semaphore_mem>>)
        %dma_wait3A = arith.constant 0 : i32
        %dma_wait3A_77 = tpu.memref_slice %arg14[%mul3A_71, %dma_wait3A] : memref<64x16xf32, #tpu.memory_space<vmem_shared>> -> memref<4x16xf32, #tpu.memory_space<vmem_shared>>
        %dma_wait3A_78 = arith.constant 0 : i32
        %dma_wait3A_79 = tpu.memref_slice %arg14[%mul3A_71, %dma_wait3A_78] : memref<64x16xf32, #tpu.memory_space<vmem_shared>> -> memref<4x16xf32, #tpu.memory_space<vmem_shared>>
        tpu.wait_dma2 semaphore(%run_scoped3A : memref<!tpu.dma_semaphore, #tpu.memory_space<semaphore_mem>>) src(%arg5 : memref<4x16xf32, #tpu.memory_space<vmem>>) dst(%dma_wait3A_79 : memref<4x16xf32, #tpu.memory_space<vmem_shared>>)
        tpu.yield
      }) : () -> ()
      %mul3A_72 = arith.constant 4 : i32
      %mul3A_73 = arith.muli %arg1, %mul3A_72 : i32
      "tpu.region"() ({
        %run_scoped3A = tpu.sem_alloc : memref<!tpu.dma_semaphore, #tpu.memory_space<semaphore_mem>>
        %dma_start3A = arith.constant 0 : i32
        %dma_start3A_74 = tpu.memref_slice %arg15[%mul3A_73, %dma_start3A] : memref<64x16xi32, #tpu.memory_space<vmem_shared>> -> memref<4x16xi32, #tpu.memory_space<vmem_shared>>
        %dma_start3A_75 = arith.constant 0 : i32
        %dma_start3A_76 = tpu.memref_slice %arg15[%mul3A_73, %dma_start3A_75] : memref<64x16xi32, #tpu.memory_space<vmem_shared>> -> memref<4x16xi32, #tpu.memory_space<vmem_shared>>
        tpu.enqueue_dma source(%arg6 : memref<4x16xi32, #tpu.memory_space<vmem>>) target(%dma_start3A_76 : memref<4x16xi32, #tpu.memory_space<vmem_shared>>) target_semaphore(%run_scoped3A : memref<!tpu.dma_semaphore, #tpu.memory_space<semaphore_mem>>)
        %dma_wait3A = arith.constant 0 : i32
        %dma_wait3A_77 = tpu.memref_slice %arg15[%mul3A_73, %dma_wait3A] : memref<64x16xi32, #tpu.memory_space<vmem_shared>> -> memref<4x16xi32, #tpu.memory_space<vmem_shared>>
        %dma_wait3A_78 = arith.constant 0 : i32
        %dma_wait3A_79 = tpu.memref_slice %arg15[%mul3A_73, %dma_wait3A_78] : memref<64x16xi32, #tpu.memory_space<vmem_shared>> -> memref<4x16xi32, #tpu.memory_space<vmem_shared>>
        tpu.wait_dma2 semaphore(%run_scoped3A : memref<!tpu.dma_semaphore, #tpu.memory_space<semaphore_mem>>) src(%arg6 : memref<4x16xi32, #tpu.memory_space<vmem>>) dst(%dma_wait3A_79 : memref<4x16xi32, #tpu.memory_space<vmem_shared>>)
        tpu.yield
      }) : () -> ()
    } else {
    }
    %barrier3A = arith.constant 0 : index
    tpu.barrier barrier_id(%barrier3A)
    %eq3A_2 = arith.constant 0 : i32
    %eq3A_3 = arith.cmpi eq, %arg0, %eq3A_2 : i32
    %eq3A_4 = arith.constant 0 : i32
    %eq3A_5 = arith.cmpi eq, %arg1, %eq3A_4 : i32
    %and3A = arith.andi %eq3A_3, %eq3A_5 : i1
    %convert_element_type3A_6 = arith.extui %and3A : i1 to i32
    %cond3A_7 = arith.constant 0 : i32
    %cond3A_8 = arith.cmpi ne, %convert_element_type3A_6, %cond3A_7 : i32
    scf.if %cond3A_8 {
      "tpu.region"() ({
        %run_scoped3A = tpu.sem_alloc : memref<!tpu.dma_semaphore, #tpu.memory_space<semaphore_mem>>
        tpu.enqueue_dma source(%arg14 : memref<64x16xf32, #tpu.memory_space<vmem_shared>>) target(%arg16 : memref<64x16xf32, #tpu.memory_space<vmem>>) target_semaphore(%run_scoped3A : memref<!tpu.dma_semaphore, #tpu.memory_space<semaphore_mem>>)
        tpu.wait_dma2 semaphore(%run_scoped3A : memref<!tpu.dma_semaphore, #tpu.memory_space<semaphore_mem>>) src(%arg14 : memref<64x16xf32, #tpu.memory_space<vmem_shared>>) dst(%arg16 : memref<64x16xf32, #tpu.memory_space<vmem>>)
        tpu.yield
      }) : () -> ()
      "tpu.region"() ({
        %run_scoped3A = tpu.sem_alloc : memref<!tpu.dma_semaphore, #tpu.memory_space<semaphore_mem>>
        tpu.enqueue_dma source(%arg15 : memref<64x16xi32, #tpu.memory_space<vmem_shared>>) target(%arg17 : memref<64x16xi32, #tpu.memory_space<vmem>>) target_semaphore(%run_scoped3A : memref<!tpu.dma_semaphore, #tpu.memory_space<semaphore_mem>>)
        tpu.wait_dma2 semaphore(%run_scoped3A : memref<!tpu.dma_semaphore, #tpu.memory_space<semaphore_mem>>) src(%arg15 : memref<64x16xi32, #tpu.memory_space<vmem_shared>>) dst(%arg17 : memref<64x16xi32, #tpu.memory_space<vmem>>)
        tpu.yield
      }) : () -> ()
      %iota3A = tpu.iota {dimensions = array<i32: 0>} : vector<16xi32>
      %broadcast_in_dim3A = arith.constant 0x7F800000 : f32
      %broadcast_in_dim3A_9 = vector.broadcast %broadcast_in_dim3A : f32 to vector<16xf32>
      %scan3A = arith.constant 0 : i32
      %scan3A_10 = arith.constant 64 : i32
      %scan3A_11 = arith.addi %scan3A, %scan3A_10 : i32
      %scan3A_12 = arith.constant 8 : i32
      %scan3A_13:4 = scf.for %scan3A_16 = %scan3A to %scan3A_11 step %scan3A_12 iter_args(%scan3A_17 = %broadcast_in_dim3A_9, %scan3A_18 = %broadcast_in_dim3A_9, %scan3A_19 = %broadcast_in_dim3A_9, %scan3A_20 = %broadcast_in_dim3A_9) -> (vector<16xf32>, vector<16xf32>, vector<16xf32>, vector<16xf32>)  : i32 {
        %broadcast_in_dim3A_21 = arith.constant 0.000000e+00 : f32
        %broadcast_in_dim3A_22 = vector.broadcast %broadcast_in_dim3A_21 : f32 to vector<16xf32>
        %swap3A = arith.index_cast %scan3A_16 : i32 to index
        %swap3A_23 = arith.constant 0 : index
        %swap3A_24 = tpu.vector_load %arg18[%swap3A, %swap3A_23] {strides = array<i32>} : memref<64x16xf32, #tpu.memory_space<vmem>>, vector<16xf32>,
        tpu.vector_store %arg18[%swap3A, %swap3A_23], %broadcast_in_dim3A_22 {strides = array<i32>} : memref<64x16xf32, #tpu.memory_space<vmem>>, vector<16xf32>,
        %jit3A = arith.constant 16 : i32
        %div3A = arith.divsi %scan3A_16, %jit3A : i32
        %sign3A = arith.constant 0 : i32
        %sign3A_25 = arith.cmpi sgt, %scan3A_16, %sign3A : i32
        %sign3A_26 = arith.extui %sign3A_25 : i1 to i32
        %sign3A_27 = arith.constant 0 : i32
        %sign3A_28 = arith.cmpi slt, %scan3A_16, %sign3A_27 : i32
        %sign3A_29 = arith.extui %sign3A_28 : i1 to i32
        %sign3A_30 = arith.subi %sign3A_26, %sign3A_29 : i32
        %sign3A_31 = arith.constant 0 : i32
        %sign3A_32 = arith.cmpi sgt, %jit3A, %sign3A_31 : i32
        %sign3A_33 = arith.extui %sign3A_32 : i1 to i32
        %sign3A_34 = arith.constant 0 : i32
        %sign3A_35 = arith.cmpi slt, %jit3A, %sign3A_34 : i32
        %sign3A_36 = arith.extui %sign3A_35 : i1 to i32
        %sign3A_37 = arith.subi %sign3A_33, %sign3A_36 : i32
        %ne3A = arith.cmpi ne, %sign3A_30, %sign3A_37 : i32
        %rem3A = arith.remsi %scan3A_16, %jit3A : i32
        %ne3A_38 = arith.constant 0 : i32
        %ne3A_39 = arith.cmpi ne, %rem3A, %ne3A_38 : i32
        %and3A_40 = arith.andi %ne3A, %ne3A_39 : i1
        %sub3A = arith.constant 1 : i32
        %sub3A_41 = arith.subi %div3A, %sub3A : i32
        %select_n3A = arith.select %and3A_40, %sub3A_41, %div3A : i32
        %jit3A_42 = arith.constant 16 : i32
        %eq3A_43 = arith.constant 0 : i32
        %eq3A_44 = arith.cmpi eq, %jit3A_42, %eq3A_43 : i32
        %jit3A_45 = arith.constant 1 : i32
        %select_n3A_46 = arith.select %eq3A_44, %jit3A_45, %jit3A_42 : i32
        %rem3A_47 = arith.remsi %scan3A_16, %select_n3A_46 : i32
        %ne3A_48 = arith.constant 0 : i32
        %ne3A_49 = arith.cmpi ne, %rem3A_47, %ne3A_48 : i32
        %lt3A = arith.constant 0 : i32
        %lt3A_50 = arith.cmpi slt, %rem3A_47, %lt3A : i32
        %lt3A_51 = arith.constant 0 : i32
        %lt3A_52 = arith.cmpi slt, %select_n3A_46, %lt3A_51 : i32
        %ne3A_53 = arith.xori %lt3A_50, %lt3A_52 : i1
        %and3A_54 = arith.andi %ne3A_53, %ne3A_49 : i1
        %add3A = arith.addi %rem3A_47, %select_n3A_46 : i32
        %select_n3A_55 = arith.select %and3A_54, %add3A, %rem3A_47 : i32
        %get3A = arith.index_cast %scan3A_16 : i32 to index
        %get3A_56 = arith.constant 0 : index
        %get3A_57 = tpu.vector_load %arg16[%get3A, %get3A_56] {strides = array<i32>} : memref<64x16xf32, #tpu.memory_space<vmem>>, vector<16xf32>,
        %iota3A_58 = tpu.iota {dimensions = array<i32: 0>} : vector<16xi32>
        %add3A_59 = arith.constant 8 : i32
        %add3A_60 = vector.broadcast %add3A_59 : i32 to vector<16xi32>
        %add3A_61 = arith.addi %iota3A_58, %add3A_60 : vector<16xi32>
        %and3A_62 = arith.constant 15 : i32
        %and3A_63 = vector.broadcast %and3A_62 : i32 to vector<16xi32>
        %and3A_64 = arith.andi %add3A_61, %and3A_63 : vector<16xi32>
        %broadcast_in_dim3A_65 = vector.shape_cast %and3A_64 : vector<16xi32> to vector<16x1xi32>
        %gather3A = vector.shape_cast %broadcast_in_dim3A_65 : vector<16x1xi32> to vector<16xi32>
        %gather3A_66 = tpu.dynamic_gather %get3A_57[%gather3A] in [0] : vector<16xf32>, vector<16xi32> -> vector<16xf32>
        %min3A = arith.minimumf %get3A_57, %gather3A_66 : vector<16xf32>
        %add3A_67 = arith.constant 4 : i32
        %add3A_68 = vector.broadcast %add3A_67 : i32 to vector<16xi32>
        %add3A_69 = arith.addi %iota3A_58, %add3A_68 : vector<16xi32>
        %and3A_70 = arith.constant 15 : i32
        %and3A_71 = vector.broadcast %and3A_70 : i32 to vector<16xi32>
        %and3A_72 = arith.andi %add3A_69, %and3A_71 : vector<16xi32>
        %broadcast_in_dim3A_73 = vector.shape_cast %and3A_72 : vector<16xi32> to vector<16x1xi32>
        %gather3A_74 = vector.shape_cast %broadcast_in_dim3A_73 : vector<16x1xi32> to vector<16xi32>
        %gather3A_75 = tpu.dynamic_gather %min3A[%gather3A_74] in [0] : vector<16xf32>, vector<16xi32> -> vector<16xf32>
        %min3A_76 = arith.minimumf %min3A, %gather3A_75 : vector<16xf32>
        %add3A_77 = arith.constant 2 : i32
        %add3A_78 = vector.broadcast %add3A_77 : i32 to vector<16xi32>
        %add3A_79 = arith.addi %iota3A_58, %add3A_78 : vector<16xi32>
        %and3A_80 = arith.constant 15 : i32
        %and3A_81 = vector.broadcast %and3A_80 : i32 to vector<16xi32>
        %and3A_82 = arith.andi %add3A_79, %and3A_81 : vector<16xi32>
        %broadcast_in_dim3A_83 = vector.shape_cast %and3A_82 : vector<16xi32> to vector<16x1xi32>
        %gather3A_84 = vector.shape_cast %broadcast_in_dim3A_83 : vector<16x1xi32> to vector<16xi32>
        %gather3A_85 = tpu.dynamic_gather %min3A_76[%gather3A_84] in [0] : vector<16xf32>, vector<16xi32> -> vector<16xf32>
        %min3A_86 = arith.minimumf %min3A_76, %gather3A_85 : vector<16xf32>
        %add3A_87 = arith.constant 1 : i32
        %add3A_88 = vector.broadcast %add3A_87 : i32 to vector<16xi32>
        %add3A_89 = arith.addi %iota3A_58, %add3A_88 : vector<16xi32>
        %and3A_90 = arith.constant 15 : i32
        %and3A_91 = vector.broadcast %and3A_90 : i32 to vector<16xi32>
        %and3A_92 = arith.andi %add3A_89, %and3A_91 : vector<16xi32>
        %broadcast_in_dim3A_93 = vector.shape_cast %and3A_92 : vector<16xi32> to vector<16x1xi32>
        %gather3A_94 = vector.shape_cast %broadcast_in_dim3A_93 : vector<16x1xi32> to vector<16xi32>
        %gather3A_95 = tpu.dynamic_gather %min3A_86[%gather3A_94] in [0] : vector<16xf32>, vector<16xi32> -> vector<16xf32>
        %min3A_96 = arith.minimumf %min3A_86, %gather3A_95 : vector<16xf32>
        %eq3A_97 = arith.constant 0 : i32
        %eq3A_98 = arith.cmpi eq, %select_n3A, %eq3A_97 : i32
        %eq3A_99 = vector.broadcast %select_n3A_55 : i32 to vector<16xi32>
        %eq3A_100 = arith.cmpi eq, %iota3A, %eq3A_99 : vector<16xi32>
        %and3A_101 = vector.broadcast %eq3A_98 : i1 to vector<16xi1>
        %and3A_102 = arith.andi %and3A_101, %eq3A_100 : vector<16xi1>
        %select_n3A_103 = arith.select %and3A_102, %min3A_96, %scan3A_17 : vector<16xi1>, vector<16xf32>
        %eq3A_104 = arith.constant 1 : i32
        %eq3A_105 = arith.cmpi eq, %select_n3A, %eq3A_104 : i32
        %eq3A_106 = vector.broadcast %select_n3A_55 : i32 to vector<16xi32>
        %eq3A_107 = arith.cmpi eq, %iota3A, %eq3A_106 : vector<16xi32>
        %and3A_108 = vector.broadcast %eq3A_105 : i1 to vector<16xi1>
        %and3A_109 = arith.andi %and3A_108, %eq3A_107 : vector<16xi1>
        %select_n3A_110 = arith.select %and3A_109, %min3A_96, %scan3A_18 : vector<16xi1>, vector<16xf32>
        %eq3A_111 = arith.constant 2 : i32
        %eq3A_112 = arith.cmpi eq, %select_n3A, %eq3A_111 : i32
        %eq3A_113 = vector.broadcast %select_n3A_55 : i32 to vector<16xi32>
        %eq3A_114 = arith.cmpi eq, %iota3A, %eq3A_113 : vector<16xi32>
        %and3A_115 = vector.broadcast %eq3A_112 : i1 to vector<16xi1>
        %and3A_116 = arith.andi %and3A_115, %eq3A_114 : vector<16xi1>
        %select_n3A_117 = arith.select %and3A_116, %min3A_96, %scan3A_19 : vector<16xi1>, vector<16xf32>
        %eq3A_118 = arith.constant 3 : i32
        %eq3A_119 = arith.cmpi eq, %select_n3A, %eq3A_118 : i32
        %eq3A_120 = vector.broadcast %select_n3A_55 : i32 to vector<16xi32>
        %eq3A_121 = arith.cmpi eq, %iota3A, %eq3A_120 : vector<16xi32>
        %and3A_122 = vector.broadcast %eq3A_119 : i1 to vector<16xi1>
        %and3A_123 = arith.andi %and3A_122, %eq3A_121 : vector<16xi1>
        %select_n3A_124 = arith.select %and3A_123, %min3A_96, %scan3A_20 : vector<16xi1>, vector<16xf32>
        %scan3A_125 = arith.constant 1 : i32
        %scan3A_126 = arith.addi %scan3A_16, %scan3A_125 : i32
        %broadcast_in_dim3A_127 = arith.constant 0.000000e+00 : f32
        %broadcast_in_dim3A_128 = vector.broadcast %broadcast_in_dim3A_127 : f32 to vector<16xf32>
        %swap3A_129 = arith.index_cast %scan3A_126 : i32 to index
        %swap3A_130 = arith.constant 0 : index
        %swap3A_131 = tpu.vector_load %arg18[%swap3A_129, %swap3A_130] {strides = array<i32>} : memref<64x16xf32, #tpu.memory_space<vmem>>, vector<16xf32>,
        tpu.vector_store %arg18[%swap3A_129, %swap3A_130], %broadcast_in_dim3A_128 {strides = array<i32>} : memref<64x16xf32, #tpu.memory_space<vmem>>, vector<16xf32>,
        %jit3A_132 = arith.constant 16 : i32
        %div3A_133 = arith.divsi %scan3A_126, %jit3A_132 : i32
        %sign3A_134 = arith.constant 0 : i32
        %sign3A_135 = arith.cmpi sgt, %scan3A_126, %sign3A_134 : i32
        %sign3A_136 = arith.extui %sign3A_135 : i1 to i32
        %sign3A_137 = arith.constant 0 : i32
        %sign3A_138 = arith.cmpi slt, %scan3A_126, %sign3A_137 : i32
        %sign3A_139 = arith.extui %sign3A_138 : i1 to i32
        %sign3A_140 = arith.subi %sign3A_136, %sign3A_139 : i32
        %sign3A_141 = arith.constant 0 : i32
        %sign3A_142 = arith.cmpi sgt, %jit3A_132, %sign3A_141 : i32
        %sign3A_143 = arith.extui %sign3A_142 : i1 to i32
        %sign3A_144 = arith.constant 0 : i32
        %sign3A_145 = arith.cmpi slt, %jit3A_132, %sign3A_144 : i32
        %sign3A_146 = arith.extui %sign3A_145 : i1 to i32
        %sign3A_147 = arith.subi %sign3A_143, %sign3A_146 : i32
        %ne3A_148 = arith.cmpi ne, %sign3A_140, %sign3A_147 : i32
        %rem3A_149 = arith.remsi %scan3A_126, %jit3A_132 : i32
        %ne3A_150 = arith.constant 0 : i32
        %ne3A_151 = arith.cmpi ne, %rem3A_149, %ne3A_150 : i32
        %and3A_152 = arith.andi %ne3A_148, %ne3A_151 : i1
        %sub3A_153 = arith.constant 1 : i32
        %sub3A_154 = arith.subi %div3A_133, %sub3A_153 : i32
        %select_n3A_155 = arith.select %and3A_152, %sub3A_154, %div3A_133 : i32
        %jit3A_156 = arith.constant 16 : i32
        %eq3A_157 = arith.constant 0 : i32
        %eq3A_158 = arith.cmpi eq, %jit3A_156, %eq3A_157 : i32
        %jit3A_159 = arith.constant 1 : i32
        %select_n3A_160 = arith.select %eq3A_158, %jit3A_159, %jit3A_156 : i32
        %rem3A_161 = arith.remsi %scan3A_126, %select_n3A_160 : i32
        %ne3A_162 = arith.constant 0 : i32
        %ne3A_163 = arith.cmpi ne, %rem3A_161, %ne3A_162 : i32
        %lt3A_164 = arith.constant 0 : i32
        %lt3A_165 = arith.cmpi slt, %rem3A_161, %lt3A_164 : i32
        %lt3A_166 = arith.constant 0 : i32
        %lt3A_167 = arith.cmpi slt, %select_n3A_160, %lt3A_166 : i32
        %ne3A_168 = arith.xori %lt3A_165, %lt3A_167 : i1
        %and3A_169 = arith.andi %ne3A_168, %ne3A_163 : i1
        %add3A_170 = arith.addi %rem3A_161, %select_n3A_160 : i32
        %select_n3A_171 = arith.select %and3A_169, %add3A_170, %rem3A_161 : i32
        %get3A_172 = arith.index_cast %scan3A_126 : i32 to index
        %get3A_173 = arith.constant 0 : index
        %get3A_174 = tpu.vector_load %arg16[%get3A_172, %get3A_173] {strides = array<i32>} : memref<64x16xf32, #tpu.memory_space<vmem>>, vector<16xf32>,
        %iota3A_175 = tpu.iota {dimensions = array<i32: 0>} : vector<16xi32>
        %add3A_176 = arith.constant 8 : i32
        %add3A_177 = vector.broadcast %add3A_176 : i32 to vector<16xi32>
        %add3A_178 = arith.addi %iota3A_175, %add3A_177 : vector<16xi32>
        %and3A_179 = arith.constant 15 : i32
        %and3A_180 = vector.broadcast %and3A_179 : i32 to vector<16xi32>
        %and3A_181 = arith.andi %add3A_178, %and3A_180 : vector<16xi32>
        %broadcast_in_dim3A_182 = vector.shape_cast %and3A_181 : vector<16xi32> to vector<16x1xi32>
        %gather3A_183 = vector.shape_cast %broadcast_in_dim3A_182 : vector<16x1xi32> to vector<16xi32>
        %gather3A_184 = tpu.dynamic_gather %get3A_174[%gather3A_183] in [0] : vector<16xf32>, vector<16xi32> -> vector<16xf32>
        %min3A_185 = arith.minimumf %get3A_174, %gather3A_184 : vector<16xf32>
        %add3A_186 = arith.constant 4 : i32
        %add3A_187 = vector.broadcast %add3A_186 : i32 to vector<16xi32>
        %add3A_188 = arith.addi %iota3A_175, %add3A_187 : vector<16xi32>
        %and3A_189 = arith.constant 15 : i32
        %and3A_190 = vector.broadcast %and3A_189 : i32 to vector<16xi32>
        %and3A_191 = arith.andi %add3A_188, %and3A_190 : vector<16xi32>
        %broadcast_in_dim3A_192 = vector.shape_cast %and3A_191 : vector<16xi32> to vector<16x1xi32>
        %gather3A_193 = vector.shape_cast %broadcast_in_dim3A_192 : vector<16x1xi32> to vector<16xi32>
        %gather3A_194 = tpu.dynamic_gather %min3A_185[%gather3A_193] in [0] : vector<16xf32>, vector<16xi32> -> vector<16xf32>
        %min3A_195 = arith.minimumf %min3A_185, %gather3A_194 : vector<16xf32>
        %add3A_196 = arith.constant 2 : i32
        %add3A_197 = vector.broadcast %add3A_196 : i32 to vector<16xi32>
        %add3A_198 = arith.addi %iota3A_175, %add3A_197 : vector<16xi32>
        %and3A_199 = arith.constant 15 : i32
        %and3A_200 = vector.broadcast %and3A_199 : i32 to vector<16xi32>
        %and3A_201 = arith.andi %add3A_198, %and3A_200 : vector<16xi32>
        %broadcast_in_dim3A_202 = vector.shape_cast %and3A_201 : vector<16xi32> to vector<16x1xi32>
        %gather3A_203 = vector.shape_cast %broadcast_in_dim3A_202 : vector<16x1xi32> to vector<16xi32>
        %gather3A_204 = tpu.dynamic_gather %min3A_195[%gather3A_203] in [0] : vector<16xf32>, vector<16xi32> -> vector<16xf32>
        %min3A_205 = arith.minimumf %min3A_195, %gather3A_204 : vector<16xf32>
        %add3A_206 = arith.constant 1 : i32
        %add3A_207 = vector.broadcast %add3A_206 : i32 to vector<16xi32>
        %add3A_208 = arith.addi %iota3A_175, %add3A_207 : vector<16xi32>
        %and3A_209 = arith.constant 15 : i32
        %and3A_210 = vector.broadcast %and3A_209 : i32 to vector<16xi32>
        %and3A_211 = arith.andi %add3A_208, %and3A_210 : vector<16xi32>
        %broadcast_in_dim3A_212 = vector.shape_cast %and3A_211 : vector<16xi32> to vector<16x1xi32>
        %gather3A_213 = vector.shape_cast %broadcast_in_dim3A_212 : vector<16x1xi32> to vector<16xi32>
        %gather3A_214 = tpu.dynamic_gather %min3A_205[%gather3A_213] in [0] : vector<16xf32>, vector<16xi32> -> vector<16xf32>
        %min3A_215 = arith.minimumf %min3A_205, %gather3A_214 : vector<16xf32>
        %eq3A_216 = arith.constant 0 : i32
        %eq3A_217 = arith.cmpi eq, %select_n3A_155, %eq3A_216 : i32
        %eq3A_218 = vector.broadcast %select_n3A_171 : i32 to vector<16xi32>
        %eq3A_219 = arith.cmpi eq, %iota3A, %eq3A_218 : vector<16xi32>
        %and3A_220 = vector.broadcast %eq3A_217 : i1 to vector<16xi1>
        %and3A_221 = arith.andi %and3A_220, %eq3A_219 : vector<16xi1>
        %select_n3A_222 = arith.select %and3A_221, %min3A_215, %select_n3A_103 : vector<16xi1>, vector<16xf32>
        %eq3A_223 = arith.constant 1 : i32
        %eq3A_224 = arith.cmpi eq, %select_n3A_155, %eq3A_223 : i32
        %eq3A_225 = vector.broadcast %select_n3A_171 : i32 to vector<16xi32>
        %eq3A_226 = arith.cmpi eq, %iota3A, %eq3A_225 : vector<16xi32>
        %and3A_227 = vector.broadcast %eq3A_224 : i1 to vector<16xi1>
        %and3A_228 = arith.andi %and3A_227, %eq3A_226 : vector<16xi1>
        %select_n3A_229 = arith.select %and3A_228, %min3A_215, %select_n3A_110 : vector<16xi1>, vector<16xf32>
        %eq3A_230 = arith.constant 2 : i32
        %eq3A_231 = arith.cmpi eq, %select_n3A_155, %eq3A_230 : i32
        %eq3A_232 = vector.broadcast %select_n3A_171 : i32 to vector<16xi32>
        %eq3A_233 = arith.cmpi eq, %iota3A, %eq3A_232 : vector<16xi32>
        %and3A_234 = vector.broadcast %eq3A_231 : i1 to vector<16xi1>
        %and3A_235 = arith.andi %and3A_234, %eq3A_233 : vector<16xi1>
        %select_n3A_236 = arith.select %and3A_235, %min3A_215, %select_n3A_117 : vector<16xi1>, vector<16xf32>
        %eq3A_237 = arith.constant 3 : i32
        %eq3A_238 = arith.cmpi eq, %select_n3A_155, %eq3A_237 : i32
        %eq3A_239 = vector.broadcast %select_n3A_171 : i32 to vector<16xi32>
        %eq3A_240 = arith.cmpi eq, %iota3A, %eq3A_239 : vector<16xi32>
        %and3A_241 = vector.broadcast %eq3A_238 : i1 to vector<16xi1>
        %and3A_242 = arith.andi %and3A_241, %eq3A_240 : vector<16xi1>
        %select_n3A_243 = arith.select %and3A_242, %min3A_215, %select_n3A_124 : vector<16xi1>, vector<16xf32>
        %scan3A_244 = arith.constant 2 : i32
        %scan3A_245 = arith.addi %scan3A_16, %scan3A_244 : i32
        %broadcast_in_dim3A_246 = arith.constant 0.000000e+00 : f32
        %broadcast_in_dim3A_247 = vector.broadcast %broadcast_in_dim3A_246 : f32 to vector<16xf32>
        %swap3A_248 = arith.index_cast %scan3A_245 : i32 to index
        %swap3A_249 = arith.constant 0 : index
        %swap3A_250 = tpu.vector_load %arg18[%swap3A_248, %swap3A_249] {strides = array<i32>} : memref<64x16xf32, #tpu.memory_space<vmem>>, vector<16xf32>,
        tpu.vector_store %arg18[%swap3A_248, %swap3A_249], %broadcast_in_dim3A_247 {strides = array<i32>} : memref<64x16xf32, #tpu.memory_space<vmem>>, vector<16xf32>,
        %jit3A_251 = arith.constant 16 : i32
        %div3A_252 = arith.divsi %scan3A_245, %jit3A_251 : i32
        %sign3A_253 = arith.constant 0 : i32
        %sign3A_254 = arith.cmpi sgt, %scan3A_245, %sign3A_253 : i32
        %sign3A_255 = arith.extui %sign3A_254 : i1 to i32
        %sign3A_256 = arith.constant 0 : i32
        %sign3A_257 = arith.cmpi slt, %scan3A_245, %sign3A_256 : i32
        %sign3A_258 = arith.extui %sign3A_257 : i1 to i32
        %sign3A_259 = arith.subi %sign3A_255, %sign3A_258 : i32
        %sign3A_260 = arith.constant 0 : i32
        %sign3A_261 = arith.cmpi sgt, %jit3A_251, %sign3A_260 : i32
        %sign3A_262 = arith.extui %sign3A_261 : i1 to i32
        %sign3A_263 = arith.constant 0 : i32
        %sign3A_264 = arith.cmpi slt, %jit3A_251, %sign3A_263 : i32
        %sign3A_265 = arith.extui %sign3A_264 : i1 to i32
        %sign3A_266 = arith.subi %sign3A_262, %sign3A_265 : i32
        %ne3A_267 = arith.cmpi ne, %sign3A_259, %sign3A_266 : i32
        %rem3A_268 = arith.remsi %scan3A_245, %jit3A_251 : i32
        %ne3A_269 = arith.constant 0 : i32
        %ne3A_270 = arith.cmpi ne, %rem3A_268, %ne3A_269 : i32
        %and3A_271 = arith.andi %ne3A_267, %ne3A_270 : i1
        %sub3A_272 = arith.constant 1 : i32
        %sub3A_273 = arith.subi %div3A_252, %sub3A_272 : i32
        %select_n3A_274 = arith.select %and3A_271, %sub3A_273, %div3A_252 : i32
        %jit3A_275 = arith.constant 16 : i32
        %eq3A_276 = arith.constant 0 : i32
        %eq3A_277 = arith.cmpi eq, %jit3A_275, %eq3A_276 : i32
        %jit3A_278 = arith.constant 1 : i32
        %select_n3A_279 = arith.select %eq3A_277, %jit3A_278, %jit3A_275 : i32
        %rem3A_280 = arith.remsi %scan3A_245, %select_n3A_279 : i32
        %ne3A_281 = arith.constant 0 : i32
        %ne3A_282 = arith.cmpi ne, %rem3A_280, %ne3A_281 : i32
        %lt3A_283 = arith.constant 0 : i32
        %lt3A_284 = arith.cmpi slt, %rem3A_280, %lt3A_283 : i32
        %lt3A_285 = arith.constant 0 : i32
        %lt3A_286 = arith.cmpi slt, %select_n3A_279, %lt3A_285 : i32
        %ne3A_287 = arith.xori %lt3A_284, %lt3A_286 : i1
        %and3A_288 = arith.andi %ne3A_287, %ne3A_282 : i1
        %add3A_289 = arith.addi %rem3A_280, %select_n3A_279 : i32
        %select_n3A_290 = arith.select %and3A_288, %add3A_289, %rem3A_280 : i32
        %get3A_291 = arith.index_cast %scan3A_245 : i32 to index
        %get3A_292 = arith.constant 0 : index
        %get3A_293 = tpu.vector_load %arg16[%get3A_291, %get3A_292] {strides = array<i32>} : memref<64x16xf32, #tpu.memory_space<vmem>>, vector<16xf32>,
        %iota3A_294 = tpu.iota {dimensions = array<i32: 0>} : vector<16xi32>
        %add3A_295 = arith.constant 8 : i32
        %add3A_296 = vector.broadcast %add3A_295 : i32 to vector<16xi32>
        %add3A_297 = arith.addi %iota3A_294, %add3A_296 : vector<16xi32>
        %and3A_298 = arith.constant 15 : i32
        %and3A_299 = vector.broadcast %and3A_298 : i32 to vector<16xi32>
        %and3A_300 = arith.andi %add3A_297, %and3A_299 : vector<16xi32>
        %broadcast_in_dim3A_301 = vector.shape_cast %and3A_300 : vector<16xi32> to vector<16x1xi32>
        %gather3A_302 = vector.shape_cast %broadcast_in_dim3A_301 : vector<16x1xi32> to vector<16xi32>
        %gather3A_303 = tpu.dynamic_gather %get3A_293[%gather3A_302] in [0] : vector<16xf32>, vector<16xi32> -> vector<16xf32>
        %min3A_304 = arith.minimumf %get3A_293, %gather3A_303 : vector<16xf32>
        %add3A_305 = arith.constant 4 : i32
        %add3A_306 = vector.broadcast %add3A_305 : i32 to vector<16xi32>
        %add3A_307 = arith.addi %iota3A_294, %add3A_306 : vector<16xi32>
        %and3A_308 = arith.constant 15 : i32
        %and3A_309 = vector.broadcast %and3A_308 : i32 to vector<16xi32>
        %and3A_310 = arith.andi %add3A_307, %and3A_309 : vector<16xi32>
        %broadcast_in_dim3A_311 = vector.shape_cast %and3A_310 : vector<16xi32> to vector<16x1xi32>
        %gather3A_312 = vector.shape_cast %broadcast_in_dim3A_311 : vector<16x1xi32> to vector<16xi32>
        %gather3A_313 = tpu.dynamic_gather %min3A_304[%gather3A_312] in [0] : vector<16xf32>, vector<16xi32> -> vector<16xf32>
        %min3A_314 = arith.minimumf %min3A_304, %gather3A_313 : vector<16xf32>
        %add3A_315 = arith.constant 2 : i32
        %add3A_316 = vector.broadcast %add3A_315 : i32 to vector<16xi32>
        %add3A_317 = arith.addi %iota3A_294, %add3A_316 : vector<16xi32>
        %and3A_318 = arith.constant 15 : i32
        %and3A_319 = vector.broadcast %and3A_318 : i32 to vector<16xi32>
        %and3A_320 = arith.andi %add3A_317, %and3A_319 : vector<16xi32>
        %broadcast_in_dim3A_321 = vector.shape_cast %and3A_320 : vector<16xi32> to vector<16x1xi32>
        %gather3A_322 = vector.shape_cast %broadcast_in_dim3A_321 : vector<16x1xi32> to vector<16xi32>
        %gather3A_323 = tpu.dynamic_gather %min3A_314[%gather3A_322] in [0] : vector<16xf32>, vector<16xi32> -> vector<16xf32>
        %min3A_324 = arith.minimumf %min3A_314, %gather3A_323 : vector<16xf32>
        %add3A_325 = arith.constant 1 : i32
        %add3A_326 = vector.broadcast %add3A_325 : i32 to vector<16xi32>
        %add3A_327 = arith.addi %iota3A_294, %add3A_326 : vector<16xi32>
        %and3A_328 = arith.constant 15 : i32
        %and3A_329 = vector.broadcast %and3A_328 : i32 to vector<16xi32>
        %and3A_330 = arith.andi %add3A_327, %and3A_329 : vector<16xi32>
        %broadcast_in_dim3A_331 = vector.shape_cast %and3A_330 : vector<16xi32> to vector<16x1xi32>
        %gather3A_332 = vector.shape_cast %broadcast_in_dim3A_331 : vector<16x1xi32> to vector<16xi32>
        %gather3A_333 = tpu.dynamic_gather %min3A_324[%gather3A_332] in [0] : vector<16xf32>, vector<16xi32> -> vector<16xf32>
        %min3A_334 = arith.minimumf %min3A_324, %gather3A_333 : vector<16xf32>
        %eq3A_335 = arith.constant 0 : i32
        %eq3A_336 = arith.cmpi eq, %select_n3A_274, %eq3A_335 : i32
        %eq3A_337 = vector.broadcast %select_n3A_290 : i32 to vector<16xi32>
        %eq3A_338 = arith.cmpi eq, %iota3A, %eq3A_337 : vector<16xi32>
        %and3A_339 = vector.broadcast %eq3A_336 : i1 to vector<16xi1>
        %and3A_340 = arith.andi %and3A_339, %eq3A_338 : vector<16xi1>
        %select_n3A_341 = arith.select %and3A_340, %min3A_334, %select_n3A_222 : vector<16xi1>, vector<16xf32>
        %eq3A_342 = arith.constant 1 : i32
        %eq3A_343 = arith.cmpi eq, %select_n3A_274, %eq3A_342 : i32
        %eq3A_344 = vector.broadcast %select_n3A_290 : i32 to vector<16xi32>
        %eq3A_345 = arith.cmpi eq, %iota3A, %eq3A_344 : vector<16xi32>
        %and3A_346 = vector.broadcast %eq3A_343 : i1 to vector<16xi1>
        %and3A_347 = arith.andi %and3A_346, %eq3A_345 : vector<16xi1>
        %select_n3A_348 = arith.select %and3A_347, %min3A_334, %select_n3A_229 : vector<16xi1>, vector<16xf32>
        %eq3A_349 = arith.constant 2 : i32
        %eq3A_350 = arith.cmpi eq, %select_n3A_274, %eq3A_349 : i32
        %eq3A_351 = vector.broadcast %select_n3A_290 : i32 to vector<16xi32>
        %eq3A_352 = arith.cmpi eq, %iota3A, %eq3A_351 : vector<16xi32>
        %and3A_353 = vector.broadcast %eq3A_350 : i1 to vector<16xi1>
        %and3A_354 = arith.andi %and3A_353, %eq3A_352 : vector<16xi1>
        %select_n3A_355 = arith.select %and3A_354, %min3A_334, %select_n3A_236 : vector<16xi1>, vector<16xf32>
        %eq3A_356 = arith.constant 3 : i32
        %eq3A_357 = arith.cmpi eq, %select_n3A_274, %eq3A_356 : i32
        %eq3A_358 = vector.broadcast %select_n3A_290 : i32 to vector<16xi32>
        %eq3A_359 = arith.cmpi eq, %iota3A, %eq3A_358 : vector<16xi32>
        %and3A_360 = vector.broadcast %eq3A_357 : i1 to vector<16xi1>
        %and3A_361 = arith.andi %and3A_360, %eq3A_359 : vector<16xi1>
        %select_n3A_362 = arith.select %and3A_361, %min3A_334, %select_n3A_243 : vector<16xi1>, vector<16xf32>
        %scan3A_363 = arith.constant 3 : i32
        %scan3A_364 = arith.addi %scan3A_16, %scan3A_363 : i32
        %broadcast_in_dim3A_365 = arith.constant 0.000000e+00 : f32
        %broadcast_in_dim3A_366 = vector.broadcast %broadcast_in_dim3A_365 : f32 to vector<16xf32>
        %swap3A_367 = arith.index_cast %scan3A_364 : i32 to index
        %swap3A_368 = arith.constant 0 : index
        %swap3A_369 = tpu.vector_load %arg18[%swap3A_367, %swap3A_368] {strides = array<i32>} : memref<64x16xf32, #tpu.memory_space<vmem>>, vector<16xf32>,
        tpu.vector_store %arg18[%swap3A_367, %swap3A_368], %broadcast_in_dim3A_366 {strides = array<i32>} : memref<64x16xf32, #tpu.memory_space<vmem>>, vector<16xf32>,
        %jit3A_370 = arith.constant 16 : i32
        %div3A_371 = arith.divsi %scan3A_364, %jit3A_370 : i32
        %sign3A_372 = arith.constant 0 : i32
        %sign3A_373 = arith.cmpi sgt, %scan3A_364, %sign3A_372 : i32
        %sign3A_374 = arith.extui %sign3A_373 : i1 to i32
        %sign3A_375 = arith.constant 0 : i32
        %sign3A_376 = arith.cmpi slt, %scan3A_364, %sign3A_375 : i32
        %sign3A_377 = arith.extui %sign3A_376 : i1 to i32
        %sign3A_378 = arith.subi %sign3A_374, %sign3A_377 : i32
        %sign3A_379 = arith.constant 0 : i32
        %sign3A_380 = arith.cmpi sgt, %jit3A_370, %sign3A_379 : i32
        %sign3A_381 = arith.extui %sign3A_380 : i1 to i32
        %sign3A_382 = arith.constant 0 : i32
        %sign3A_383 = arith.cmpi slt, %jit3A_370, %sign3A_382 : i32
        %sign3A_384 = arith.extui %sign3A_383 : i1 to i32
        %sign3A_385 = arith.subi %sign3A_381, %sign3A_384 : i32
        %ne3A_386 = arith.cmpi ne, %sign3A_378, %sign3A_385 : i32
        %rem3A_387 = arith.remsi %scan3A_364, %jit3A_370 : i32
        %ne3A_388 = arith.constant 0 : i32
        %ne3A_389 = arith.cmpi ne, %rem3A_387, %ne3A_388 : i32
        %and3A_390 = arith.andi %ne3A_386, %ne3A_389 : i1
        %sub3A_391 = arith.constant 1 : i32
        %sub3A_392 = arith.subi %div3A_371, %sub3A_391 : i32
        %select_n3A_393 = arith.select %and3A_390, %sub3A_392, %div3A_371 : i32
        %jit3A_394 = arith.constant 16 : i32
        %eq3A_395 = arith.constant 0 : i32
        %eq3A_396 = arith.cmpi eq, %jit3A_394, %eq3A_395 : i32
        %jit3A_397 = arith.constant 1 : i32
        %select_n3A_398 = arith.select %eq3A_396, %jit3A_397, %jit3A_394 : i32
        %rem3A_399 = arith.remsi %scan3A_364, %select_n3A_398 : i32
        %ne3A_400 = arith.constant 0 : i32
        %ne3A_401 = arith.cmpi ne, %rem3A_399, %ne3A_400 : i32
        %lt3A_402 = arith.constant 0 : i32
        %lt3A_403 = arith.cmpi slt, %rem3A_399, %lt3A_402 : i32
        %lt3A_404 = arith.constant 0 : i32
        %lt3A_405 = arith.cmpi slt, %select_n3A_398, %lt3A_404 : i32
        %ne3A_406 = arith.xori %lt3A_403, %lt3A_405 : i1
        %and3A_407 = arith.andi %ne3A_406, %ne3A_401 : i1
        %add3A_408 = arith.addi %rem3A_399, %select_n3A_398 : i32
        %select_n3A_409 = arith.select %and3A_407, %add3A_408, %rem3A_399 : i32
        %get3A_410 = arith.index_cast %scan3A_364 : i32 to index
        %get3A_411 = arith.constant 0 : index
        %get3A_412 = tpu.vector_load %arg16[%get3A_410, %get3A_411] {strides = array<i32>} : memref<64x16xf32, #tpu.memory_space<vmem>>, vector<16xf32>,
        %iota3A_413 = tpu.iota {dimensions = array<i32: 0>} : vector<16xi32>
        %add3A_414 = arith.constant 8 : i32
        %add3A_415 = vector.broadcast %add3A_414 : i32 to vector<16xi32>
        %add3A_416 = arith.addi %iota3A_413, %add3A_415 : vector<16xi32>
        %and3A_417 = arith.constant 15 : i32
        %and3A_418 = vector.broadcast %and3A_417 : i32 to vector<16xi32>
        %and3A_419 = arith.andi %add3A_416, %and3A_418 : vector<16xi32>
        %broadcast_in_dim3A_420 = vector.shape_cast %and3A_419 : vector<16xi32> to vector<16x1xi32>
        %gather3A_421 = vector.shape_cast %broadcast_in_dim3A_420 : vector<16x1xi32> to vector<16xi32>
        %gather3A_422 = tpu.dynamic_gather %get3A_412[%gather3A_421] in [0] : vector<16xf32>, vector<16xi32> -> vector<16xf32>
        %min3A_423 = arith.minimumf %get3A_412, %gather3A_422 : vector<16xf32>
        %add3A_424 = arith.constant 4 : i32
        %add3A_425 = vector.broadcast %add3A_424 : i32 to vector<16xi32>
        %add3A_426 = arith.addi %iota3A_413, %add3A_425 : vector<16xi32>
        %and3A_427 = arith.constant 15 : i32
        %and3A_428 = vector.broadcast %and3A_427 : i32 to vector<16xi32>
        %and3A_429 = arith.andi %add3A_426, %and3A_428 : vector<16xi32>
        %broadcast_in_dim3A_430 = vector.shape_cast %and3A_429 : vector<16xi32> to vector<16x1xi32>
        %gather3A_431 = vector.shape_cast %broadcast_in_dim3A_430 : vector<16x1xi32> to vector<16xi32>
        %gather3A_432 = tpu.dynamic_gather %min3A_423[%gather3A_431] in [0] : vector<16xf32>, vector<16xi32> -> vector<16xf32>
        %min3A_433 = arith.minimumf %min3A_423, %gather3A_432 : vector<16xf32>
        %add3A_434 = arith.constant 2 : i32
        %add3A_435 = vector.broadcast %add3A_434 : i32 to vector<16xi32>
        %add3A_436 = arith.addi %iota3A_413, %add3A_435 : vector<16xi32>
        %and3A_437 = arith.constant 15 : i32
        %and3A_438 = vector.broadcast %and3A_437 : i32 to vector<16xi32>
        %and3A_439 = arith.andi %add3A_436, %and3A_438 : vector<16xi32>
        %broadcast_in_dim3A_440 = vector.shape_cast %and3A_439 : vector<16xi32> to vector<16x1xi32>
        %gather3A_441 = vector.shape_cast %broadcast_in_dim3A_440 : vector<16x1xi32> to vector<16xi32>
        %gather3A_442 = tpu.dynamic_gather %min3A_433[%gather3A_441] in [0] : vector<16xf32>, vector<16xi32> -> vector<16xf32>
        %min3A_443 = arith.minimumf %min3A_433, %gather3A_442 : vector<16xf32>
        %add3A_444 = arith.constant 1 : i32
        %add3A_445 = vector.broadcast %add3A_444 : i32 to vector<16xi32>
        %add3A_446 = arith.addi %iota3A_413, %add3A_445 : vector<16xi32>
        %and3A_447 = arith.constant 15 : i32
        %and3A_448 = vector.broadcast %and3A_447 : i32 to vector<16xi32>
        %and3A_449 = arith.andi %add3A_446, %and3A_448 : vector<16xi32>
        %broadcast_in_dim3A_450 = vector.shape_cast %and3A_449 : vector<16xi32> to vector<16x1xi32>
        %gather3A_451 = vector.shape_cast %broadcast_in_dim3A_450 : vector<16x1xi32> to vector<16xi32>
        %gather3A_452 = tpu.dynamic_gather %min3A_443[%gather3A_451] in [0] : vector<16xf32>, vector<16xi32> -> vector<16xf32>
        %min3A_453 = arith.minimumf %min3A_443, %gather3A_452 : vector<16xf32>
        %eq3A_454 = arith.constant 0 : i32
        %eq3A_455 = arith.cmpi eq, %select_n3A_393, %eq3A_454 : i32
        %eq3A_456 = vector.broadcast %select_n3A_409 : i32 to vector<16xi32>
        %eq3A_457 = arith.cmpi eq, %iota3A, %eq3A_456 : vector<16xi32>
        %and3A_458 = vector.broadcast %eq3A_455 : i1 to vector<16xi1>
        %and3A_459 = arith.andi %and3A_458, %eq3A_457 : vector<16xi1>
        %select_n3A_460 = arith.select %and3A_459, %min3A_453, %select_n3A_341 : vector<16xi1>, vector<16xf32>
        %eq3A_461 = arith.constant 1 : i32
        %eq3A_462 = arith.cmpi eq, %select_n3A_393, %eq3A_461 : i32
        %eq3A_463 = vector.broadcast %select_n3A_409 : i32 to vector<16xi32>
        %eq3A_464 = arith.cmpi eq, %iota3A, %eq3A_463 : vector<16xi32>
        %and3A_465 = vector.broadcast %eq3A_462 : i1 to vector<16xi1>
        %and3A_466 = arith.andi %and3A_465, %eq3A_464 : vector<16xi1>
        %select_n3A_467 = arith.select %and3A_466, %min3A_453, %select_n3A_348 : vector<16xi1>, vector<16xf32>
        %eq3A_468 = arith.constant 2 : i32
        %eq3A_469 = arith.cmpi eq, %select_n3A_393, %eq3A_468 : i32
        %eq3A_470 = vector.broadcast %select_n3A_409 : i32 to vector<16xi32>
        %eq3A_471 = arith.cmpi eq, %iota3A, %eq3A_470 : vector<16xi32>
        %and3A_472 = vector.broadcast %eq3A_469 : i1 to vector<16xi1>
        %and3A_473 = arith.andi %and3A_472, %eq3A_471 : vector<16xi1>
        %select_n3A_474 = arith.select %and3A_473, %min3A_453, %select_n3A_355 : vector<16xi1>, vector<16xf32>
        %eq3A_475 = arith.constant 3 : i32
        %eq3A_476 = arith.cmpi eq, %select_n3A_393, %eq3A_475 : i32
        %eq3A_477 = vector.broadcast %select_n3A_409 : i32 to vector<16xi32>
        %eq3A_478 = arith.cmpi eq, %iota3A, %eq3A_477 : vector<16xi32>
        %and3A_479 = vector.broadcast %eq3A_476 : i1 to vector<16xi1>
        %and3A_480 = arith.andi %and3A_479, %eq3A_478 : vector<16xi1>
        %select_n3A_481 = arith.select %and3A_480, %min3A_453, %select_n3A_362 : vector<16xi1>, vector<16xf32>
        %scan3A_482 = arith.constant 4 : i32
        %scan3A_483 = arith.addi %scan3A_16, %scan3A_482 : i32
        %broadcast_in_dim3A_484 = arith.constant 0.000000e+00 : f32
        %broadcast_in_dim3A_485 = vector.broadcast %broadcast_in_dim3A_484 : f32 to vector<16xf32>
        %swap3A_486 = arith.index_cast %scan3A_483 : i32 to index
        %swap3A_487 = arith.constant 0 : index
        %swap3A_488 = tpu.vector_load %arg18[%swap3A_486, %swap3A_487] {strides = array<i32>} : memref<64x16xf32, #tpu.memory_space<vmem>>, vector<16xf32>,
        tpu.vector_store %arg18[%swap3A_486, %swap3A_487], %broadcast_in_dim3A_485 {strides = array<i32>} : memref<64x16xf32, #tpu.memory_space<vmem>>, vector<16xf32>,
        %jit3A_489 = arith.constant 16 : i32
        %div3A_490 = arith.divsi %scan3A_483, %jit3A_489 : i32
        %sign3A_491 = arith.constant 0 : i32
        %sign3A_492 = arith.cmpi sgt, %scan3A_483, %sign3A_491 : i32
        %sign3A_493 = arith.extui %sign3A_492 : i1 to i32
        %sign3A_494 = arith.constant 0 : i32
        %sign3A_495 = arith.cmpi slt, %scan3A_483, %sign3A_494 : i32
        %sign3A_496 = arith.extui %sign3A_495 : i1 to i32
        %sign3A_497 = arith.subi %sign3A_493, %sign3A_496 : i32
        %sign3A_498 = arith.constant 0 : i32
        %sign3A_499 = arith.cmpi sgt, %jit3A_489, %sign3A_498 : i32
        %sign3A_500 = arith.extui %sign3A_499 : i1 to i32
        %sign3A_501 = arith.constant 0 : i32
        %sign3A_502 = arith.cmpi slt, %jit3A_489, %sign3A_501 : i32
        %sign3A_503 = arith.extui %sign3A_502 : i1 to i32
        %sign3A_504 = arith.subi %sign3A_500, %sign3A_503 : i32
        %ne3A_505 = arith.cmpi ne, %sign3A_497, %sign3A_504 : i32
        %rem3A_506 = arith.remsi %scan3A_483, %jit3A_489 : i32
        %ne3A_507 = arith.constant 0 : i32
        %ne3A_508 = arith.cmpi ne, %rem3A_506, %ne3A_507 : i32
        %and3A_509 = arith.andi %ne3A_505, %ne3A_508 : i1
        %sub3A_510 = arith.constant 1 : i32
        %sub3A_511 = arith.subi %div3A_490, %sub3A_510 : i32
        %select_n3A_512 = arith.select %and3A_509, %sub3A_511, %div3A_490 : i32
        %jit3A_513 = arith.constant 16 : i32
        %eq3A_514 = arith.constant 0 : i32
        %eq3A_515 = arith.cmpi eq, %jit3A_513, %eq3A_514 : i32
        %jit3A_516 = arith.constant 1 : i32
        %select_n3A_517 = arith.select %eq3A_515, %jit3A_516, %jit3A_513 : i32
        %rem3A_518 = arith.remsi %scan3A_483, %select_n3A_517 : i32
        %ne3A_519 = arith.constant 0 : i32
        %ne3A_520 = arith.cmpi ne, %rem3A_518, %ne3A_519 : i32
        %lt3A_521 = arith.constant 0 : i32
        %lt3A_522 = arith.cmpi slt, %rem3A_518, %lt3A_521 : i32
        %lt3A_523 = arith.constant 0 : i32
        %lt3A_524 = arith.cmpi slt, %select_n3A_517, %lt3A_523 : i32
        %ne3A_525 = arith.xori %lt3A_522, %lt3A_524 : i1
        %and3A_526 = arith.andi %ne3A_525, %ne3A_520 : i1
        %add3A_527 = arith.addi %rem3A_518, %select_n3A_517 : i32
        %select_n3A_528 = arith.select %and3A_526, %add3A_527, %rem3A_518 : i32
        %get3A_529 = arith.index_cast %scan3A_483 : i32 to index
        %get3A_530 = arith.constant 0 : index
        %get3A_531 = tpu.vector_load %arg16[%get3A_529, %get3A_530] {strides = array<i32>} : memref<64x16xf32, #tpu.memory_space<vmem>>, vector<16xf32>,
        %iota3A_532 = tpu.iota {dimensions = array<i32: 0>} : vector<16xi32>
        %add3A_533 = arith.constant 8 : i32
        %add3A_534 = vector.broadcast %add3A_533 : i32 to vector<16xi32>
        %add3A_535 = arith.addi %iota3A_532, %add3A_534 : vector<16xi32>
        %and3A_536 = arith.constant 15 : i32
        %and3A_537 = vector.broadcast %and3A_536 : i32 to vector<16xi32>
        %and3A_538 = arith.andi %add3A_535, %and3A_537 : vector<16xi32>
        %broadcast_in_dim3A_539 = vector.shape_cast %and3A_538 : vector<16xi32> to vector<16x1xi32>
        %gather3A_540 = vector.shape_cast %broadcast_in_dim3A_539 : vector<16x1xi32> to vector<16xi32>
        %gather3A_541 = tpu.dynamic_gather %get3A_531[%gather3A_540] in [0] : vector<16xf32>, vector<16xi32> -> vector<16xf32>
        %min3A_542 = arith.minimumf %get3A_531, %gather3A_541 : vector<16xf32>
        %add3A_543 = arith.constant 4 : i32
        %add3A_544 = vector.broadcast %add3A_543 : i32 to vector<16xi32>
        %add3A_545 = arith.addi %iota3A_532, %add3A_544 : vector<16xi32>
        %and3A_546 = arith.constant 15 : i32
        %and3A_547 = vector.broadcast %and3A_546 : i32 to vector<16xi32>
        %and3A_548 = arith.andi %add3A_545, %and3A_547 : vector<16xi32>
        %broadcast_in_dim3A_549 = vector.shape_cast %and3A_548 : vector<16xi32> to vector<16x1xi32>
        %gather3A_550 = vector.shape_cast %broadcast_in_dim3A_549 : vector<16x1xi32> to vector<16xi32>
        %gather3A_551 = tpu.dynamic_gather %min3A_542[%gather3A_550] in [0] : vector<16xf32>, vector<16xi32> -> vector<16xf32>
        %min3A_552 = arith.minimumf %min3A_542, %gather3A_551 : vector<16xf32>
        %add3A_553 = arith.constant 2 : i32
        %add3A_554 = vector.broadcast %add3A_553 : i32 to vector<16xi32>
        %add3A_555 = arith.addi %iota3A_532, %add3A_554 : vector<16xi32>
        %and3A_556 = arith.constant 15 : i32
        %and3A_557 = vector.broadcast %and3A_556 : i32 to vector<16xi32>
        %and3A_558 = arith.andi %add3A_555, %and3A_557 : vector<16xi32>
        %broadcast_in_dim3A_559 = vector.shape_cast %and3A_558 : vector<16xi32> to vector<16x1xi32>
        %gather3A_560 = vector.shape_cast %broadcast_in_dim3A_559 : vector<16x1xi32> to vector<16xi32>
        %gather3A_561 = tpu.dynamic_gather %min3A_552[%gather3A_560] in [0] : vector<16xf32>, vector<16xi32> -> vector<16xf32>
        %min3A_562 = arith.minimumf %min3A_552, %gather3A_561 : vector<16xf32>
        %add3A_563 = arith.constant 1 : i32
        %add3A_564 = vector.broadcast %add3A_563 : i32 to vector<16xi32>
        %add3A_565 = arith.addi %iota3A_532, %add3A_564 : vector<16xi32>
        %and3A_566 = arith.constant 15 : i32
        %and3A_567 = vector.broadcast %and3A_566 : i32 to vector<16xi32>
        %and3A_568 = arith.andi %add3A_565, %and3A_567 : vector<16xi32>
        %broadcast_in_dim3A_569 = vector.shape_cast %and3A_568 : vector<16xi32> to vector<16x1xi32>
        %gather3A_570 = vector.shape_cast %broadcast_in_dim3A_569 : vector<16x1xi32> to vector<16xi32>
        %gather3A_571 = tpu.dynamic_gather %min3A_562[%gather3A_570] in [0] : vector<16xf32>, vector<16xi32> -> vector<16xf32>
        %min3A_572 = arith.minimumf %min3A_562, %gather3A_571 : vector<16xf32>
        %eq3A_573 = arith.constant 0 : i32
        %eq3A_574 = arith.cmpi eq, %select_n3A_512, %eq3A_573 : i32
        %eq3A_575 = vector.broadcast %select_n3A_528 : i32 to vector<16xi32>
        %eq3A_576 = arith.cmpi eq, %iota3A, %eq3A_575 : vector<16xi32>
        %and3A_577 = vector.broadcast %eq3A_574 : i1 to vector<16xi1>
        %and3A_578 = arith.andi %and3A_577, %eq3A_576 : vector<16xi1>
        %select_n3A_579 = arith.select %and3A_578, %min3A_572, %select_n3A_460 : vector<16xi1>, vector<16xf32>
        %eq3A_580 = arith.constant 1 : i32
        %eq3A_581 = arith.cmpi eq, %select_n3A_512, %eq3A_580 : i32
        %eq3A_582 = vector.broadcast %select_n3A_528 : i32 to vector<16xi32>
        %eq3A_583 = arith.cmpi eq, %iota3A, %eq3A_582 : vector<16xi32>
        %and3A_584 = vector.broadcast %eq3A_581 : i1 to vector<16xi1>
        %and3A_585 = arith.andi %and3A_584, %eq3A_583 : vector<16xi1>
        %select_n3A_586 = arith.select %and3A_585, %min3A_572, %select_n3A_467 : vector<16xi1>, vector<16xf32>
        %eq3A_587 = arith.constant 2 : i32
        %eq3A_588 = arith.cmpi eq, %select_n3A_512, %eq3A_587 : i32
        %eq3A_589 = vector.broadcast %select_n3A_528 : i32 to vector<16xi32>
        %eq3A_590 = arith.cmpi eq, %iota3A, %eq3A_589 : vector<16xi32>
        %and3A_591 = vector.broadcast %eq3A_588 : i1 to vector<16xi1>
        %and3A_592 = arith.andi %and3A_591, %eq3A_590 : vector<16xi1>
        %select_n3A_593 = arith.select %and3A_592, %min3A_572, %select_n3A_474 : vector<16xi1>, vector<16xf32>
        %eq3A_594 = arith.constant 3 : i32
        %eq3A_595 = arith.cmpi eq, %select_n3A_512, %eq3A_594 : i32
        %eq3A_596 = vector.broadcast %select_n3A_528 : i32 to vector<16xi32>
        %eq3A_597 = arith.cmpi eq, %iota3A, %eq3A_596 : vector<16xi32>
        %and3A_598 = vector.broadcast %eq3A_595 : i1 to vector<16xi1>
        %and3A_599 = arith.andi %and3A_598, %eq3A_597 : vector<16xi1>
        %select_n3A_600 = arith.select %and3A_599, %min3A_572, %select_n3A_481 : vector<16xi1>, vector<16xf32>
        %scan3A_601 = arith.constant 5 : i32
        %scan3A_602 = arith.addi %scan3A_16, %scan3A_601 : i32
        %broadcast_in_dim3A_603 = arith.constant 0.000000e+00 : f32
        %broadcast_in_dim3A_604 = vector.broadcast %broadcast_in_dim3A_603 : f32 to vector<16xf32>
        %swap3A_605 = arith.index_cast %scan3A_602 : i32 to index
        %swap3A_606 = arith.constant 0 : index
        %swap3A_607 = tpu.vector_load %arg18[%swap3A_605, %swap3A_606] {strides = array<i32>} : memref<64x16xf32, #tpu.memory_space<vmem>>, vector<16xf32>,
        tpu.vector_store %arg18[%swap3A_605, %swap3A_606], %broadcast_in_dim3A_604 {strides = array<i32>} : memref<64x16xf32, #tpu.memory_space<vmem>>, vector<16xf32>,
        %jit3A_608 = arith.constant 16 : i32
        %div3A_609 = arith.divsi %scan3A_602, %jit3A_608 : i32
        %sign3A_610 = arith.constant 0 : i32
        %sign3A_611 = arith.cmpi sgt, %scan3A_602, %sign3A_610 : i32
        %sign3A_612 = arith.extui %sign3A_611 : i1 to i32
        %sign3A_613 = arith.constant 0 : i32
        %sign3A_614 = arith.cmpi slt, %scan3A_602, %sign3A_613 : i32
        %sign3A_615 = arith.extui %sign3A_614 : i1 to i32
        %sign3A_616 = arith.subi %sign3A_612, %sign3A_615 : i32
        %sign3A_617 = arith.constant 0 : i32
        %sign3A_618 = arith.cmpi sgt, %jit3A_608, %sign3A_617 : i32
        %sign3A_619 = arith.extui %sign3A_618 : i1 to i32
        %sign3A_620 = arith.constant 0 : i32
        %sign3A_621 = arith.cmpi slt, %jit3A_608, %sign3A_620 : i32
        %sign3A_622 = arith.extui %sign3A_621 : i1 to i32
        %sign3A_623 = arith.subi %sign3A_619, %sign3A_622 : i32
        %ne3A_624 = arith.cmpi ne, %sign3A_616, %sign3A_623 : i32
        %rem3A_625 = arith.remsi %scan3A_602, %jit3A_608 : i32
        %ne3A_626 = arith.constant 0 : i32
        %ne3A_627 = arith.cmpi ne, %rem3A_625, %ne3A_626 : i32
        %and3A_628 = arith.andi %ne3A_624, %ne3A_627 : i1
        %sub3A_629 = arith.constant 1 : i32
        %sub3A_630 = arith.subi %div3A_609, %sub3A_629 : i32
        %select_n3A_631 = arith.select %and3A_628, %sub3A_630, %div3A_609 : i32
        %jit3A_632 = arith.constant 16 : i32
        %eq3A_633 = arith.constant 0 : i32
        %eq3A_634 = arith.cmpi eq, %jit3A_632, %eq3A_633 : i32
        %jit3A_635 = arith.constant 1 : i32
        %select_n3A_636 = arith.select %eq3A_634, %jit3A_635, %jit3A_632 : i32
        %rem3A_637 = arith.remsi %scan3A_602, %select_n3A_636 : i32
        %ne3A_638 = arith.constant 0 : i32
        %ne3A_639 = arith.cmpi ne, %rem3A_637, %ne3A_638 : i32
        %lt3A_640 = arith.constant 0 : i32
        %lt3A_641 = arith.cmpi slt, %rem3A_637, %lt3A_640 : i32
        %lt3A_642 = arith.constant 0 : i32
        %lt3A_643 = arith.cmpi slt, %select_n3A_636, %lt3A_642 : i32
        %ne3A_644 = arith.xori %lt3A_641, %lt3A_643 : i1
        %and3A_645 = arith.andi %ne3A_644, %ne3A_639 : i1
        %add3A_646 = arith.addi %rem3A_637, %select_n3A_636 : i32
        %select_n3A_647 = arith.select %and3A_645, %add3A_646, %rem3A_637 : i32
        %get3A_648 = arith.index_cast %scan3A_602 : i32 to index
        %get3A_649 = arith.constant 0 : index
        %get3A_650 = tpu.vector_load %arg16[%get3A_648, %get3A_649] {strides = array<i32>} : memref<64x16xf32, #tpu.memory_space<vmem>>, vector<16xf32>,
        %iota3A_651 = tpu.iota {dimensions = array<i32: 0>} : vector<16xi32>
        %add3A_652 = arith.constant 8 : i32
        %add3A_653 = vector.broadcast %add3A_652 : i32 to vector<16xi32>
        %add3A_654 = arith.addi %iota3A_651, %add3A_653 : vector<16xi32>
        %and3A_655 = arith.constant 15 : i32
        %and3A_656 = vector.broadcast %and3A_655 : i32 to vector<16xi32>
        %and3A_657 = arith.andi %add3A_654, %and3A_656 : vector<16xi32>
        %broadcast_in_dim3A_658 = vector.shape_cast %and3A_657 : vector<16xi32> to vector<16x1xi32>
        %gather3A_659 = vector.shape_cast %broadcast_in_dim3A_658 : vector<16x1xi32> to vector<16xi32>
        %gather3A_660 = tpu.dynamic_gather %get3A_650[%gather3A_659] in [0] : vector<16xf32>, vector<16xi32> -> vector<16xf32>
        %min3A_661 = arith.minimumf %get3A_650, %gather3A_660 : vector<16xf32>
        %add3A_662 = arith.constant 4 : i32
        %add3A_663 = vector.broadcast %add3A_662 : i32 to vector<16xi32>
        %add3A_664 = arith.addi %iota3A_651, %add3A_663 : vector<16xi32>
        %and3A_665 = arith.constant 15 : i32
        %and3A_666 = vector.broadcast %and3A_665 : i32 to vector<16xi32>
        %and3A_667 = arith.andi %add3A_664, %and3A_666 : vector<16xi32>
        %broadcast_in_dim3A_668 = vector.shape_cast %and3A_667 : vector<16xi32> to vector<16x1xi32>
        %gather3A_669 = vector.shape_cast %broadcast_in_dim3A_668 : vector<16x1xi32> to vector<16xi32>
        %gather3A_670 = tpu.dynamic_gather %min3A_661[%gather3A_669] in [0] : vector<16xf32>, vector<16xi32> -> vector<16xf32>
        %min3A_671 = arith.minimumf %min3A_661, %gather3A_670 : vector<16xf32>
        %add3A_672 = arith.constant 2 : i32
        %add3A_673 = vector.broadcast %add3A_672 : i32 to vector<16xi32>
        %add3A_674 = arith.addi %iota3A_651, %add3A_673 : vector<16xi32>
        %and3A_675 = arith.constant 15 : i32
        %and3A_676 = vector.broadcast %and3A_675 : i32 to vector<16xi32>
        %and3A_677 = arith.andi %add3A_674, %and3A_676 : vector<16xi32>
        %broadcast_in_dim3A_678 = vector.shape_cast %and3A_677 : vector<16xi32> to vector<16x1xi32>
        %gather3A_679 = vector.shape_cast %broadcast_in_dim3A_678 : vector<16x1xi32> to vector<16xi32>
        %gather3A_680 = tpu.dynamic_gather %min3A_671[%gather3A_679] in [0] : vector<16xf32>, vector<16xi32> -> vector<16xf32>
        %min3A_681 = arith.minimumf %min3A_671, %gather3A_680 : vector<16xf32>
        %add3A_682 = arith.constant 1 : i32
        %add3A_683 = vector.broadcast %add3A_682 : i32 to vector<16xi32>
        %add3A_684 = arith.addi %iota3A_651, %add3A_683 : vector<16xi32>
        %and3A_685 = arith.constant 15 : i32
        %and3A_686 = vector.broadcast %and3A_685 : i32 to vector<16xi32>
        %and3A_687 = arith.andi %add3A_684, %and3A_686 : vector<16xi32>
        %broadcast_in_dim3A_688 = vector.shape_cast %and3A_687 : vector<16xi32> to vector<16x1xi32>
        %gather3A_689 = vector.shape_cast %broadcast_in_dim3A_688 : vector<16x1xi32> to vector<16xi32>
        %gather3A_690 = tpu.dynamic_gather %min3A_681[%gather3A_689] in [0] : vector<16xf32>, vector<16xi32> -> vector<16xf32>
        %min3A_691 = arith.minimumf %min3A_681, %gather3A_690 : vector<16xf32>
        %eq3A_692 = arith.constant 0 : i32
        %eq3A_693 = arith.cmpi eq, %select_n3A_631, %eq3A_692 : i32
        %eq3A_694 = vector.broadcast %select_n3A_647 : i32 to vector<16xi32>
        %eq3A_695 = arith.cmpi eq, %iota3A, %eq3A_694 : vector<16xi32>
        %and3A_696 = vector.broadcast %eq3A_693 : i1 to vector<16xi1>
        %and3A_697 = arith.andi %and3A_696, %eq3A_695 : vector<16xi1>
        %select_n3A_698 = arith.select %and3A_697, %min3A_691, %select_n3A_579 : vector<16xi1>, vector<16xf32>
        %eq3A_699 = arith.constant 1 : i32
        %eq3A_700 = arith.cmpi eq, %select_n3A_631, %eq3A_699 : i32
        %eq3A_701 = vector.broadcast %select_n3A_647 : i32 to vector<16xi32>
        %eq3A_702 = arith.cmpi eq, %iota3A, %eq3A_701 : vector<16xi32>
        %and3A_703 = vector.broadcast %eq3A_700 : i1 to vector<16xi1>
        %and3A_704 = arith.andi %and3A_703, %eq3A_702 : vector<16xi1>
        %select_n3A_705 = arith.select %and3A_704, %min3A_691, %select_n3A_586 : vector<16xi1>, vector<16xf32>
        %eq3A_706 = arith.constant 2 : i32
        %eq3A_707 = arith.cmpi eq, %select_n3A_631, %eq3A_706 : i32
        %eq3A_708 = vector.broadcast %select_n3A_647 : i32 to vector<16xi32>
        %eq3A_709 = arith.cmpi eq, %iota3A, %eq3A_708 : vector<16xi32>
        %and3A_710 = vector.broadcast %eq3A_707 : i1 to vector<16xi1>
        %and3A_711 = arith.andi %and3A_710, %eq3A_709 : vector<16xi1>
        %select_n3A_712 = arith.select %and3A_711, %min3A_691, %select_n3A_593 : vector<16xi1>, vector<16xf32>
        %eq3A_713 = arith.constant 3 : i32
        %eq3A_714 = arith.cmpi eq, %select_n3A_631, %eq3A_713 : i32
        %eq3A_715 = vector.broadcast %select_n3A_647 : i32 to vector<16xi32>
        %eq3A_716 = arith.cmpi eq, %iota3A, %eq3A_715 : vector<16xi32>
        %and3A_717 = vector.broadcast %eq3A_714 : i1 to vector<16xi1>
        %and3A_718 = arith.andi %and3A_717, %eq3A_716 : vector<16xi1>
        %select_n3A_719 = arith.select %and3A_718, %min3A_691, %select_n3A_600 : vector<16xi1>, vector<16xf32>
        %scan3A_720 = arith.constant 6 : i32
        %scan3A_721 = arith.addi %scan3A_16, %scan3A_720 : i32
        %broadcast_in_dim3A_722 = arith.constant 0.000000e+00 : f32
        %broadcast_in_dim3A_723 = vector.broadcast %broadcast_in_dim3A_722 : f32 to vector<16xf32>
        %swap3A_724 = arith.index_cast %scan3A_721 : i32 to index
        %swap3A_725 = arith.constant 0 : index
        %swap3A_726 = tpu.vector_load %arg18[%swap3A_724, %swap3A_725] {strides = array<i32>} : memref<64x16xf32, #tpu.memory_space<vmem>>, vector<16xf32>,
        tpu.vector_store %arg18[%swap3A_724, %swap3A_725], %broadcast_in_dim3A_723 {strides = array<i32>} : memref<64x16xf32, #tpu.memory_space<vmem>>, vector<16xf32>,
        %jit3A_727 = arith.constant 16 : i32
        %div3A_728 = arith.divsi %scan3A_721, %jit3A_727 : i32
        %sign3A_729 = arith.constant 0 : i32
        %sign3A_730 = arith.cmpi sgt, %scan3A_721, %sign3A_729 : i32
        %sign3A_731 = arith.extui %sign3A_730 : i1 to i32
        %sign3A_732 = arith.constant 0 : i32
        %sign3A_733 = arith.cmpi slt, %scan3A_721, %sign3A_732 : i32
        %sign3A_734 = arith.extui %sign3A_733 : i1 to i32
        %sign3A_735 = arith.subi %sign3A_731, %sign3A_734 : i32
        %sign3A_736 = arith.constant 0 : i32
        %sign3A_737 = arith.cmpi sgt, %jit3A_727, %sign3A_736 : i32
        %sign3A_738 = arith.extui %sign3A_737 : i1 to i32
        %sign3A_739 = arith.constant 0 : i32
        %sign3A_740 = arith.cmpi slt, %jit3A_727, %sign3A_739 : i32
        %sign3A_741 = arith.extui %sign3A_740 : i1 to i32
        %sign3A_742 = arith.subi %sign3A_738, %sign3A_741 : i32
        %ne3A_743 = arith.cmpi ne, %sign3A_735, %sign3A_742 : i32
        %rem3A_744 = arith.remsi %scan3A_721, %jit3A_727 : i32
        %ne3A_745 = arith.constant 0 : i32
        %ne3A_746 = arith.cmpi ne, %rem3A_744, %ne3A_745 : i32
        %and3A_747 = arith.andi %ne3A_743, %ne3A_746 : i1
        %sub3A_748 = arith.constant 1 : i32
        %sub3A_749 = arith.subi %div3A_728, %sub3A_748 : i32
        %select_n3A_750 = arith.select %and3A_747, %sub3A_749, %div3A_728 : i32
        %jit3A_751 = arith.constant 16 : i32
        %eq3A_752 = arith.constant 0 : i32
        %eq3A_753 = arith.cmpi eq, %jit3A_751, %eq3A_752 : i32
        %jit3A_754 = arith.constant 1 : i32
        %select_n3A_755 = arith.select %eq3A_753, %jit3A_754, %jit3A_751 : i32
        %rem3A_756 = arith.remsi %scan3A_721, %select_n3A_755 : i32
        %ne3A_757 = arith.constant 0 : i32
        %ne3A_758 = arith.cmpi ne, %rem3A_756, %ne3A_757 : i32
        %lt3A_759 = arith.constant 0 : i32
        %lt3A_760 = arith.cmpi slt, %rem3A_756, %lt3A_759 : i32
        %lt3A_761 = arith.constant 0 : i32
        %lt3A_762 = arith.cmpi slt, %select_n3A_755, %lt3A_761 : i32
        %ne3A_763 = arith.xori %lt3A_760, %lt3A_762 : i1
        %and3A_764 = arith.andi %ne3A_763, %ne3A_758 : i1
        %add3A_765 = arith.addi %rem3A_756, %select_n3A_755 : i32
        %select_n3A_766 = arith.select %and3A_764, %add3A_765, %rem3A_756 : i32
        %get3A_767 = arith.index_cast %scan3A_721 : i32 to index
        %get3A_768 = arith.constant 0 : index
        %get3A_769 = tpu.vector_load %arg16[%get3A_767, %get3A_768] {strides = array<i32>} : memref<64x16xf32, #tpu.memory_space<vmem>>, vector<16xf32>,
        %iota3A_770 = tpu.iota {dimensions = array<i32: 0>} : vector<16xi32>
        %add3A_771 = arith.constant 8 : i32
        %add3A_772 = vector.broadcast %add3A_771 : i32 to vector<16xi32>
        %add3A_773 = arith.addi %iota3A_770, %add3A_772 : vector<16xi32>
        %and3A_774 = arith.constant 15 : i32
        %and3A_775 = vector.broadcast %and3A_774 : i32 to vector<16xi32>
        %and3A_776 = arith.andi %add3A_773, %and3A_775 : vector<16xi32>
        %broadcast_in_dim3A_777 = vector.shape_cast %and3A_776 : vector<16xi32> to vector<16x1xi32>
        %gather3A_778 = vector.shape_cast %broadcast_in_dim3A_777 : vector<16x1xi32> to vector<16xi32>
        %gather3A_779 = tpu.dynamic_gather %get3A_769[%gather3A_778] in [0] : vector<16xf32>, vector<16xi32> -> vector<16xf32>
        %min3A_780 = arith.minimumf %get3A_769, %gather3A_779 : vector<16xf32>
        %add3A_781 = arith.constant 4 : i32
        %add3A_782 = vector.broadcast %add3A_781 : i32 to vector<16xi32>
        %add3A_783 = arith.addi %iota3A_770, %add3A_782 : vector<16xi32>
        %and3A_784 = arith.constant 15 : i32
        %and3A_785 = vector.broadcast %and3A_784 : i32 to vector<16xi32>
        %and3A_786 = arith.andi %add3A_783, %and3A_785 : vector<16xi32>
        %broadcast_in_dim3A_787 = vector.shape_cast %and3A_786 : vector<16xi32> to vector<16x1xi32>
        %gather3A_788 = vector.shape_cast %broadcast_in_dim3A_787 : vector<16x1xi32> to vector<16xi32>
        %gather3A_789 = tpu.dynamic_gather %min3A_780[%gather3A_788] in [0] : vector<16xf32>, vector<16xi32> -> vector<16xf32>
        %min3A_790 = arith.minimumf %min3A_780, %gather3A_789 : vector<16xf32>
        %add3A_791 = arith.constant 2 : i32
        %add3A_792 = vector.broadcast %add3A_791 : i32 to vector<16xi32>
        %add3A_793 = arith.addi %iota3A_770, %add3A_792 : vector<16xi32>
        %and3A_794 = arith.constant 15 : i32
        %and3A_795 = vector.broadcast %and3A_794 : i32 to vector<16xi32>
        %and3A_796 = arith.andi %add3A_793, %and3A_795 : vector<16xi32>
        %broadcast_in_dim3A_797 = vector.shape_cast %and3A_796 : vector<16xi32> to vector<16x1xi32>
        %gather3A_798 = vector.shape_cast %broadcast_in_dim3A_797 : vector<16x1xi32> to vector<16xi32>
        %gather3A_799 = tpu.dynamic_gather %min3A_790[%gather3A_798] in [0] : vector<16xf32>, vector<16xi32> -> vector<16xf32>
        %min3A_800 = arith.minimumf %min3A_790, %gather3A_799 : vector<16xf32>
        %add3A_801 = arith.constant 1 : i32
        %add3A_802 = vector.broadcast %add3A_801 : i32 to vector<16xi32>
        %add3A_803 = arith.addi %iota3A_770, %add3A_802 : vector<16xi32>
        %and3A_804 = arith.constant 15 : i32
        %and3A_805 = vector.broadcast %and3A_804 : i32 to vector<16xi32>
        %and3A_806 = arith.andi %add3A_803, %and3A_805 : vector<16xi32>
        %broadcast_in_dim3A_807 = vector.shape_cast %and3A_806 : vector<16xi32> to vector<16x1xi32>
        %gather3A_808 = vector.shape_cast %broadcast_in_dim3A_807 : vector<16x1xi32> to vector<16xi32>
        %gather3A_809 = tpu.dynamic_gather %min3A_800[%gather3A_808] in [0] : vector<16xf32>, vector<16xi32> -> vector<16xf32>
        %min3A_810 = arith.minimumf %min3A_800, %gather3A_809 : vector<16xf32>
        %eq3A_811 = arith.constant 0 : i32
        %eq3A_812 = arith.cmpi eq, %select_n3A_750, %eq3A_811 : i32
        %eq3A_813 = vector.broadcast %select_n3A_766 : i32 to vector<16xi32>
        %eq3A_814 = arith.cmpi eq, %iota3A, %eq3A_813 : vector<16xi32>
        %and3A_815 = vector.broadcast %eq3A_812 : i1 to vector<16xi1>
        %and3A_816 = arith.andi %and3A_815, %eq3A_814 : vector<16xi1>
        %select_n3A_817 = arith.select %and3A_816, %min3A_810, %select_n3A_698 : vector<16xi1>, vector<16xf32>
        %eq3A_818 = arith.constant 1 : i32
        %eq3A_819 = arith.cmpi eq, %select_n3A_750, %eq3A_818 : i32
        %eq3A_820 = vector.broadcast %select_n3A_766 : i32 to vector<16xi32>
        %eq3A_821 = arith.cmpi eq, %iota3A, %eq3A_820 : vector<16xi32>
        %and3A_822 = vector.broadcast %eq3A_819 : i1 to vector<16xi1>
        %and3A_823 = arith.andi %and3A_822, %eq3A_821 : vector<16xi1>
        %select_n3A_824 = arith.select %and3A_823, %min3A_810, %select_n3A_705 : vector<16xi1>, vector<16xf32>
        %eq3A_825 = arith.constant 2 : i32
        %eq3A_826 = arith.cmpi eq, %select_n3A_750, %eq3A_825 : i32
        %eq3A_827 = vector.broadcast %select_n3A_766 : i32 to vector<16xi32>
        %eq3A_828 = arith.cmpi eq, %iota3A, %eq3A_827 : vector<16xi32>
        %and3A_829 = vector.broadcast %eq3A_826 : i1 to vector<16xi1>
        %and3A_830 = arith.andi %and3A_829, %eq3A_828 : vector<16xi1>
        %select_n3A_831 = arith.select %and3A_830, %min3A_810, %select_n3A_712 : vector<16xi1>, vector<16xf32>
        %eq3A_832 = arith.constant 3 : i32
        %eq3A_833 = arith.cmpi eq, %select_n3A_750, %eq3A_832 : i32
        %eq3A_834 = vector.broadcast %select_n3A_766 : i32 to vector<16xi32>
        %eq3A_835 = arith.cmpi eq, %iota3A, %eq3A_834 : vector<16xi32>
        %and3A_836 = vector.broadcast %eq3A_833 : i1 to vector<16xi1>
        %and3A_837 = arith.andi %and3A_836, %eq3A_835 : vector<16xi1>
        %select_n3A_838 = arith.select %and3A_837, %min3A_810, %select_n3A_719 : vector<16xi1>, vector<16xf32>
        %scan3A_839 = arith.constant 7 : i32
        %scan3A_840 = arith.addi %scan3A_16, %scan3A_839 : i32
        %broadcast_in_dim3A_841 = arith.constant 0.000000e+00 : f32
        %broadcast_in_dim3A_842 = vector.broadcast %broadcast_in_dim3A_841 : f32 to vector<16xf32>
        %swap3A_843 = arith.index_cast %scan3A_840 : i32 to index
        %swap3A_844 = arith.constant 0 : index
        %swap3A_845 = tpu.vector_load %arg18[%swap3A_843, %swap3A_844] {strides = array<i32>} : memref<64x16xf32, #tpu.memory_space<vmem>>, vector<16xf32>,
        tpu.vector_store %arg18[%swap3A_843, %swap3A_844], %broadcast_in_dim3A_842 {strides = array<i32>} : memref<64x16xf32, #tpu.memory_space<vmem>>, vector<16xf32>,
        %jit3A_846 = arith.constant 16 : i32
        %div3A_847 = arith.divsi %scan3A_840, %jit3A_846 : i32
        %sign3A_848 = arith.constant 0 : i32
        %sign3A_849 = arith.cmpi sgt, %scan3A_840, %sign3A_848 : i32
        %sign3A_850 = arith.extui %sign3A_849 : i1 to i32
        %sign3A_851 = arith.constant 0 : i32
        %sign3A_852 = arith.cmpi slt, %scan3A_840, %sign3A_851 : i32
        %sign3A_853 = arith.extui %sign3A_852 : i1 to i32
        %sign3A_854 = arith.subi %sign3A_850, %sign3A_853 : i32
        %sign3A_855 = arith.constant 0 : i32
        %sign3A_856 = arith.cmpi sgt, %jit3A_846, %sign3A_855 : i32
        %sign3A_857 = arith.extui %sign3A_856 : i1 to i32
        %sign3A_858 = arith.constant 0 : i32
        %sign3A_859 = arith.cmpi slt, %jit3A_846, %sign3A_858 : i32
        %sign3A_860 = arith.extui %sign3A_859 : i1 to i32
        %sign3A_861 = arith.subi %sign3A_857, %sign3A_860 : i32
        %ne3A_862 = arith.cmpi ne, %sign3A_854, %sign3A_861 : i32
        %rem3A_863 = arith.remsi %scan3A_840, %jit3A_846 : i32
        %ne3A_864 = arith.constant 0 : i32
        %ne3A_865 = arith.cmpi ne, %rem3A_863, %ne3A_864 : i32
        %and3A_866 = arith.andi %ne3A_862, %ne3A_865 : i1
        %sub3A_867 = arith.constant 1 : i32
        %sub3A_868 = arith.subi %div3A_847, %sub3A_867 : i32
        %select_n3A_869 = arith.select %and3A_866, %sub3A_868, %div3A_847 : i32
        %jit3A_870 = arith.constant 16 : i32
        %eq3A_871 = arith.constant 0 : i32
        %eq3A_872 = arith.cmpi eq, %jit3A_870, %eq3A_871 : i32
        %jit3A_873 = arith.constant 1 : i32
        %select_n3A_874 = arith.select %eq3A_872, %jit3A_873, %jit3A_870 : i32
        %rem3A_875 = arith.remsi %scan3A_840, %select_n3A_874 : i32
        %ne3A_876 = arith.constant 0 : i32
        %ne3A_877 = arith.cmpi ne, %rem3A_875, %ne3A_876 : i32
        %lt3A_878 = arith.constant 0 : i32
        %lt3A_879 = arith.cmpi slt, %rem3A_875, %lt3A_878 : i32
        %lt3A_880 = arith.constant 0 : i32
        %lt3A_881 = arith.cmpi slt, %select_n3A_874, %lt3A_880 : i32
        %ne3A_882 = arith.xori %lt3A_879, %lt3A_881 : i1
        %and3A_883 = arith.andi %ne3A_882, %ne3A_877 : i1
        %add3A_884 = arith.addi %rem3A_875, %select_n3A_874 : i32
        %select_n3A_885 = arith.select %and3A_883, %add3A_884, %rem3A_875 : i32
        %get3A_886 = arith.index_cast %scan3A_840 : i32 to index
        %get3A_887 = arith.constant 0 : index
        %get3A_888 = tpu.vector_load %arg16[%get3A_886, %get3A_887] {strides = array<i32>} : memref<64x16xf32, #tpu.memory_space<vmem>>, vector<16xf32>,
        %iota3A_889 = tpu.iota {dimensions = array<i32: 0>} : vector<16xi32>
        %add3A_890 = arith.constant 8 : i32
        %add3A_891 = vector.broadcast %add3A_890 : i32 to vector<16xi32>
        %add3A_892 = arith.addi %iota3A_889, %add3A_891 : vector<16xi32>
        %and3A_893 = arith.constant 15 : i32
        %and3A_894 = vector.broadcast %and3A_893 : i32 to vector<16xi32>
        %and3A_895 = arith.andi %add3A_892, %and3A_894 : vector<16xi32>
        %broadcast_in_dim3A_896 = vector.shape_cast %and3A_895 : vector<16xi32> to vector<16x1xi32>
        %gather3A_897 = vector.shape_cast %broadcast_in_dim3A_896 : vector<16x1xi32> to vector<16xi32>
        %gather3A_898 = tpu.dynamic_gather %get3A_888[%gather3A_897] in [0] : vector<16xf32>, vector<16xi32> -> vector<16xf32>
        %min3A_899 = arith.minimumf %get3A_888, %gather3A_898 : vector<16xf32>
        %add3A_900 = arith.constant 4 : i32
        %add3A_901 = vector.broadcast %add3A_900 : i32 to vector<16xi32>
        %add3A_902 = arith.addi %iota3A_889, %add3A_901 : vector<16xi32>
        %and3A_903 = arith.constant 15 : i32
        %and3A_904 = vector.broadcast %and3A_903 : i32 to vector<16xi32>
        %and3A_905 = arith.andi %add3A_902, %and3A_904 : vector<16xi32>
        %broadcast_in_dim3A_906 = vector.shape_cast %and3A_905 : vector<16xi32> to vector<16x1xi32>
        %gather3A_907 = vector.shape_cast %broadcast_in_dim3A_906 : vector<16x1xi32> to vector<16xi32>
        %gather3A_908 = tpu.dynamic_gather %min3A_899[%gather3A_907] in [0] : vector<16xf32>, vector<16xi32> -> vector<16xf32>
        %min3A_909 = arith.minimumf %min3A_899, %gather3A_908 : vector<16xf32>
        %add3A_910 = arith.constant 2 : i32
        %add3A_911 = vector.broadcast %add3A_910 : i32 to vector<16xi32>
        %add3A_912 = arith.addi %iota3A_889, %add3A_911 : vector<16xi32>
        %and3A_913 = arith.constant 15 : i32
        %and3A_914 = vector.broadcast %and3A_913 : i32 to vector<16xi32>
        %and3A_915 = arith.andi %add3A_912, %and3A_914 : vector<16xi32>
        %broadcast_in_dim3A_916 = vector.shape_cast %and3A_915 : vector<16xi32> to vector<16x1xi32>
        %gather3A_917 = vector.shape_cast %broadcast_in_dim3A_916 : vector<16x1xi32> to vector<16xi32>
        %gather3A_918 = tpu.dynamic_gather %min3A_909[%gather3A_917] in [0] : vector<16xf32>, vector<16xi32> -> vector<16xf32>
        %min3A_919 = arith.minimumf %min3A_909, %gather3A_918 : vector<16xf32>
        %add3A_920 = arith.constant 1 : i32
        %add3A_921 = vector.broadcast %add3A_920 : i32 to vector<16xi32>
        %add3A_922 = arith.addi %iota3A_889, %add3A_921 : vector<16xi32>
        %and3A_923 = arith.constant 15 : i32
        %and3A_924 = vector.broadcast %and3A_923 : i32 to vector<16xi32>
        %and3A_925 = arith.andi %add3A_922, %and3A_924 : vector<16xi32>
        %broadcast_in_dim3A_926 = vector.shape_cast %and3A_925 : vector<16xi32> to vector<16x1xi32>
        %gather3A_927 = vector.shape_cast %broadcast_in_dim3A_926 : vector<16x1xi32> to vector<16xi32>
        %gather3A_928 = tpu.dynamic_gather %min3A_919[%gather3A_927] in [0] : vector<16xf32>, vector<16xi32> -> vector<16xf32>
        %min3A_929 = arith.minimumf %min3A_919, %gather3A_928 : vector<16xf32>
        %eq3A_930 = arith.constant 0 : i32
        %eq3A_931 = arith.cmpi eq, %select_n3A_869, %eq3A_930 : i32
        %eq3A_932 = vector.broadcast %select_n3A_885 : i32 to vector<16xi32>
        %eq3A_933 = arith.cmpi eq, %iota3A, %eq3A_932 : vector<16xi32>
        %and3A_934 = vector.broadcast %eq3A_931 : i1 to vector<16xi1>
        %and3A_935 = arith.andi %and3A_934, %eq3A_933 : vector<16xi1>
        %select_n3A_936 = arith.select %and3A_935, %min3A_929, %select_n3A_817 : vector<16xi1>, vector<16xf32>
        %eq3A_937 = arith.constant 1 : i32
        %eq3A_938 = arith.cmpi eq, %select_n3A_869, %eq3A_937 : i32
        %eq3A_939 = vector.broadcast %select_n3A_885 : i32 to vector<16xi32>
        %eq3A_940 = arith.cmpi eq, %iota3A, %eq3A_939 : vector<16xi32>
        %and3A_941 = vector.broadcast %eq3A_938 : i1 to vector<16xi1>
        %and3A_942 = arith.andi %and3A_941, %eq3A_940 : vector<16xi1>
        %select_n3A_943 = arith.select %and3A_942, %min3A_929, %select_n3A_824 : vector<16xi1>, vector<16xf32>
        %eq3A_944 = arith.constant 2 : i32
        %eq3A_945 = arith.cmpi eq, %select_n3A_869, %eq3A_944 : i32
        %eq3A_946 = vector.broadcast %select_n3A_885 : i32 to vector<16xi32>
        %eq3A_947 = arith.cmpi eq, %iota3A, %eq3A_946 : vector<16xi32>
        %and3A_948 = vector.broadcast %eq3A_945 : i1 to vector<16xi1>
        %and3A_949 = arith.andi %and3A_948, %eq3A_947 : vector<16xi1>
        %select_n3A_950 = arith.select %and3A_949, %min3A_929, %select_n3A_831 : vector<16xi1>, vector<16xf32>
        %eq3A_951 = arith.constant 3 : i32
        %eq3A_952 = arith.cmpi eq, %select_n3A_869, %eq3A_951 : i32
        %eq3A_953 = vector.broadcast %select_n3A_885 : i32 to vector<16xi32>
        %eq3A_954 = arith.cmpi eq, %iota3A, %eq3A_953 : vector<16xi32>
        %and3A_955 = vector.broadcast %eq3A_952 : i1 to vector<16xi1>
        %and3A_956 = arith.andi %and3A_955, %eq3A_954 : vector<16xi1>
        %select_n3A_957 = arith.select %and3A_956, %min3A_929, %select_n3A_838 : vector<16xi1>, vector<16xf32>
        scf.yield %select_n3A_936, %select_n3A_943, %select_n3A_950, %select_n3A_957 : vector<16xf32>, vector<16xf32>, vector<16xf32>, vector<16xf32>
      }
      %scan3A_14 = arith.constant 64 : i32
      %while3A = arith.constant 0 : i32
      %while3A_15:5 = scf.while (%while3A_16 = %while3A, %while3A_17 = %scan3A_13#0, %while3A_18 = %scan3A_13#1, %while3A_19 = %scan3A_13#2, %while3A_20 = %scan3A_13#3) : (i32, vector<16xf32>, vector<16xf32>, vector<16xf32>, vector<16xf32>) -> (i32, vector<16xf32>, vector<16xf32>, vector<16xf32>, vector<16xf32>) {
        %lt3A = arith.constant 1024 : i32
        %lt3A_21 = arith.cmpi slt, %while3A_16, %lt3A : i32
        scf.condition(%lt3A_21) %while3A_16, %while3A_17, %while3A_18, %while3A_19, %while3A_20 : i32, vector<16xf32>, vector<16xf32>, vector<16xf32>, vector<16xf32>
      } do {
      ^bb0(%while3A_16: i32, %while3A_17: vector<16xf32>, %while3A_18: vector<16xf32>, %while3A_19: vector<16xf32>, %while3A_20: vector<16xf32>):
        %lt3A = arith.cmpf olt, %while3A_18, %while3A_17 : vector<16xf32>
        %select_n3A = arith.select %lt3A, %while3A_18, %while3A_17 : vector<16xi1>, vector<16xf32>
        %add3A = arith.constant 16 : i32
        %add3A_21 = vector.broadcast %add3A : i32 to vector<16xi32>
        %add3A_22 = arith.addi %iota3A, %add3A_21 : vector<16xi32>
        %select_n3A_23 = arith.select %lt3A, %add3A_22, %iota3A : vector<16xi1>, vector<16xi32>
        %lt3A_24 = arith.cmpf olt, %while3A_19, %select_n3A : vector<16xf32>
        %select_n3A_25 = arith.select %lt3A_24, %while3A_19, %select_n3A : vector<16xi1>, vector<16xf32>
        %add3A_26 = arith.constant 32 : i32
        %add3A_27 = vector.broadcast %add3A_26 : i32 to vector<16xi32>
        %add3A_28 = arith.addi %iota3A, %add3A_27 : vector<16xi32>
        %select_n3A_29 = arith.select %lt3A_24, %add3A_28, %select_n3A_23 : vector<16xi1>, vector<16xi32>
        %lt3A_30 = arith.cmpf olt, %while3A_20, %select_n3A_25 : vector<16xf32>
        %select_n3A_31 = arith.select %lt3A_30, %while3A_20, %select_n3A_25 : vector<16xi1>, vector<16xf32>
        %add3A_32 = arith.constant 48 : i32
        %add3A_33 = vector.broadcast %add3A_32 : i32 to vector<16xi32>
        %add3A_34 = arith.addi %iota3A, %add3A_33 : vector<16xi32>
        %select_n3A_35 = arith.select %lt3A_30, %add3A_34, %select_n3A_29 : vector<16xi1>, vector<16xi32>
        %iota3A_36 = tpu.iota {dimensions = array<i32: 0>} : vector<16xi32>
        %add3A_37 = arith.constant 8 : i32
        %add3A_38 = vector.broadcast %add3A_37 : i32 to vector<16xi32>
        %add3A_39 = arith.addi %iota3A_36, %add3A_38 : vector<16xi32>
        %and3A_40 = arith.constant 15 : i32
        %and3A_41 = vector.broadcast %and3A_40 : i32 to vector<16xi32>
        %and3A_42 = arith.andi %add3A_39, %and3A_41 : vector<16xi32>
        %broadcast_in_dim3A_43 = vector.shape_cast %and3A_42 : vector<16xi32> to vector<16x1xi32>
        %gather3A = vector.shape_cast %broadcast_in_dim3A_43 : vector<16x1xi32> to vector<16xi32>
        %gather3A_44 = tpu.dynamic_gather %select_n3A_31[%gather3A] in [0] : vector<16xf32>, vector<16xi32> -> vector<16xf32>
        %min3A = arith.minimumf %select_n3A_31, %gather3A_44 : vector<16xf32>
        %add3A_45 = arith.constant 4 : i32
        %add3A_46 = vector.broadcast %add3A_45 : i32 to vector<16xi32>
        %add3A_47 = arith.addi %iota3A_36, %add3A_46 : vector<16xi32>
        %and3A_48 = arith.constant 15 : i32
        %and3A_49 = vector.broadcast %and3A_48 : i32 to vector<16xi32>
        %and3A_50 = arith.andi %add3A_47, %and3A_49 : vector<16xi32>
        %broadcast_in_dim3A_51 = vector.shape_cast %and3A_50 : vector<16xi32> to vector<16x1xi32>
        %gather3A_52 = vector.shape_cast %broadcast_in_dim3A_51 : vector<16x1xi32> to vector<16xi32>
        %gather3A_53 = tpu.dynamic_gather %min3A[%gather3A_52] in [0] : vector<16xf32>, vector<16xi32> -> vector<16xf32>
        %min3A_54 = arith.minimumf %min3A, %gather3A_53 : vector<16xf32>
        %add3A_55 = arith.constant 2 : i32
        %add3A_56 = vector.broadcast %add3A_55 : i32 to vector<16xi32>
        %add3A_57 = arith.addi %iota3A_36, %add3A_56 : vector<16xi32>
        %and3A_58 = arith.constant 15 : i32
        %and3A_59 = vector.broadcast %and3A_58 : i32 to vector<16xi32>
        %and3A_60 = arith.andi %add3A_57, %and3A_59 : vector<16xi32>
        %broadcast_in_dim3A_61 = vector.shape_cast %and3A_60 : vector<16xi32> to vector<16x1xi32>
        %gather3A_62 = vector.shape_cast %broadcast_in_dim3A_61 : vector<16x1xi32> to vector<16xi32>
        %gather3A_63 = tpu.dynamic_gather %min3A_54[%gather3A_62] in [0] : vector<16xf32>, vector<16xi32> -> vector<16xf32>
        %min3A_64 = arith.minimumf %min3A_54, %gather3A_63 : vector<16xf32>
        %add3A_65 = arith.constant 1 : i32
        %add3A_66 = vector.broadcast %add3A_65 : i32 to vector<16xi32>
        %add3A_67 = arith.addi %iota3A_36, %add3A_66 : vector<16xi32>
        %and3A_68 = arith.constant 15 : i32
        %and3A_69 = vector.broadcast %and3A_68 : i32 to vector<16xi32>
        %and3A_70 = arith.andi %add3A_67, %and3A_69 : vector<16xi32>
        %broadcast_in_dim3A_71 = vector.shape_cast %and3A_70 : vector<16xi32> to vector<16x1xi32>
        %gather3A_72 = vector.shape_cast %broadcast_in_dim3A_71 : vector<16x1xi32> to vector<16xi32>
        %gather3A_73 = tpu.dynamic_gather %min3A_64[%gather3A_72] in [0] : vector<16xf32>, vector<16xi32> -> vector<16xf32>
        %min3A_74 = arith.minimumf %min3A_64, %gather3A_73 : vector<16xf32>
        %eq3A_75 = arith.cmpf oeq, %select_n3A_31, %min3A_74 : vector<16xf32>
        %jit3A = arith.constant 1073741824 : i32
        %broadcast_in_dim3A_76 = vector.broadcast %jit3A : i32 to vector<16xi32>
        %select_n3A_77 = arith.select %eq3A_75, %select_n3A_35, %broadcast_in_dim3A_76 : vector<16xi1>, vector<16xi32>
        %iota3A_78 = tpu.iota {dimensions = array<i32: 0>} : vector<16xi32>
        %add3A_79 = arith.constant 8 : i32
        %add3A_80 = vector.broadcast %add3A_79 : i32 to vector<16xi32>
        %add3A_81 = arith.addi %iota3A_78, %add3A_80 : vector<16xi32>
        %and3A_82 = arith.constant 15 : i32
        %and3A_83 = vector.broadcast %and3A_82 : i32 to vector<16xi32>
        %and3A_84 = arith.andi %add3A_81, %and3A_83 : vector<16xi32>
        %broadcast_in_dim3A_85 = vector.shape_cast %and3A_84 : vector<16xi32> to vector<16x1xi32>
        %gather3A_86 = vector.shape_cast %broadcast_in_dim3A_85 : vector<16x1xi32> to vector<16xi32>
        %gather3A_87 = tpu.dynamic_gather %select_n3A_77[%gather3A_86] in [0] : vector<16xi32>, vector<16xi32> -> vector<16xi32>
        %min3A_88 = arith.minsi %select_n3A_77, %gather3A_87 : vector<16xi32>
        %add3A_89 = arith.constant 4 : i32
        %add3A_90 = vector.broadcast %add3A_89 : i32 to vector<16xi32>
        %add3A_91 = arith.addi %iota3A_78, %add3A_90 : vector<16xi32>
        %and3A_92 = arith.constant 15 : i32
        %and3A_93 = vector.broadcast %and3A_92 : i32 to vector<16xi32>
        %and3A_94 = arith.andi %add3A_91, %and3A_93 : vector<16xi32>
        %broadcast_in_dim3A_95 = vector.shape_cast %and3A_94 : vector<16xi32> to vector<16x1xi32>
        %gather3A_96 = vector.shape_cast %broadcast_in_dim3A_95 : vector<16x1xi32> to vector<16xi32>
        %gather3A_97 = tpu.dynamic_gather %min3A_88[%gather3A_96] in [0] : vector<16xi32>, vector<16xi32> -> vector<16xi32>
        %min3A_98 = arith.minsi %min3A_88, %gather3A_97 : vector<16xi32>
        %add3A_99 = arith.constant 2 : i32
        %add3A_100 = vector.broadcast %add3A_99 : i32 to vector<16xi32>
        %add3A_101 = arith.addi %iota3A_78, %add3A_100 : vector<16xi32>
        %and3A_102 = arith.constant 15 : i32
        %and3A_103 = vector.broadcast %and3A_102 : i32 to vector<16xi32>
        %and3A_104 = arith.andi %add3A_101, %and3A_103 : vector<16xi32>
        %broadcast_in_dim3A_105 = vector.shape_cast %and3A_104 : vector<16xi32> to vector<16x1xi32>
        %gather3A_106 = vector.shape_cast %broadcast_in_dim3A_105 : vector<16x1xi32> to vector<16xi32>
        %gather3A_107 = tpu.dynamic_gather %min3A_98[%gather3A_106] in [0] : vector<16xi32>, vector<16xi32> -> vector<16xi32>
        %min3A_108 = arith.minsi %min3A_98, %gather3A_107 : vector<16xi32>
        %add3A_109 = arith.constant 1 : i32
        %add3A_110 = vector.broadcast %add3A_109 : i32 to vector<16xi32>
        %add3A_111 = arith.addi %iota3A_78, %add3A_110 : vector<16xi32>
        %and3A_112 = arith.constant 15 : i32
        %and3A_113 = vector.broadcast %and3A_112 : i32 to vector<16xi32>
        %and3A_114 = arith.andi %add3A_111, %and3A_113 : vector<16xi32>
        %broadcast_in_dim3A_115 = vector.shape_cast %and3A_114 : vector<16xi32> to vector<16x1xi32>
        %gather3A_116 = vector.shape_cast %broadcast_in_dim3A_115 : vector<16x1xi32> to vector<16xi32>
        %gather3A_117 = tpu.dynamic_gather %min3A_108[%gather3A_116] in [0] : vector<16xi32>, vector<16xi32> -> vector<16xi32>
        %min3A_118 = arith.minsi %min3A_108, %gather3A_117 : vector<16xi32>
        %gather3A_119 = tpu.vector_load_idx %arg16[%min3A_118, %iota3A] : memref<64x16xf32, #tpu.memory_space<vmem>>[vector<16xi32>, vector<16xi32>], vector<16xf32>,
        %eq3A_120 = arith.cmpf oeq, %gather3A_119, %min3A_74 : vector<16xf32>
        %all_reduce_ffs3A = tpu.all_reduce %eq3A_120 {dim = 0 : i64, kind = #tpu.reduction_kind<find_first_set>} : vector<16xi1> -> vector<16xi32>
        %shift_left3A = arith.constant 4 : i32
        %shift_left3A_121 = vector.broadcast %shift_left3A : i32 to vector<16xi32>
        %shift_left3A_122 = arith.shli %min3A_118, %shift_left3A_121 : vector<16xi32>
        %or3A = arith.ori %shift_left3A_122, %all_reduce_ffs3A : vector<16xi32>
        %gather3A_123 = tpu.vector_load_idx %arg17[%min3A_118, %all_reduce_ffs3A] : memref<64x16xi32, #tpu.memory_space<vmem>>[vector<16xi32>, vector<16xi32>], vector<16xi32>,
        %shift_right_logical3A = arith.constant 4 : i32
        %shift_right_logical3A_124 = vector.broadcast %shift_right_logical3A : i32 to vector<16xi32>
        %shift_right_logical3A_125 = arith.shrui %gather3A_123, %shift_right_logical3A_124 : vector<16xi32>
        %and3A_126 = arith.constant 15 : i32
        %and3A_127 = vector.broadcast %and3A_126 : i32 to vector<16xi32>
        %and3A_128 = arith.andi %gather3A_123, %and3A_127 : vector<16xi32>
        %gather3A_129 = tpu.vector_load_idx %arg18[%shift_right_logical3A_125, %and3A_128] : memref<64x16xf32, #tpu.memory_space<vmem>>[vector<16xi32>, vector<16xi32>], vector<16xf32>,
        %slice3A = vector.extract_strided_slice %gather3A_129 {offsets = [0], sizes = [1], strides = [1]} : vector<16xf32> to vector<1xf32>
        %squeeze3A = vector.extract %slice3A[0] : f32 from vector<1xf32>
        %shift_right_logical3A_130 = arith.constant 4 : i32
        %shift_right_logical3A_131 = vector.broadcast %shift_right_logical3A_130 : i32 to vector<16xi32>
        %shift_right_logical3A_132 = arith.shrui %min3A_118, %shift_right_logical3A_131 : vector<16xi32>
        %and3A_133 = arith.constant 15 : i32
        %and3A_134 = vector.broadcast %and3A_133 : i32 to vector<16xi32>
        %and3A_135 = arith.andi %min3A_118, %and3A_134 : vector<16xi32>
        %eq3A_136 = arith.constant 0.000000e+00 : f32
        %eq3A_137 = arith.cmpf oeq, %squeeze3A, %eq3A_136 : f32
        %convert_element_type3A_138 = arith.extui %eq3A_137 : i1 to i32
        %cond3A_139 = arith.constant 0 : i32
        %cond3A_140 = arith.cmpi ne, %convert_element_type3A_138, %cond3A_139 : i32
        %cond3A_141:5 = scf.if %cond3A_140 -> (i32, vector<16xf32>, vector<16xf32>, vector<16xf32>, vector<16xf32>) {
          %shift_right_logical3A_142 = arith.constant 4 : i32
          %shift_right_logical3A_143 = vector.broadcast %shift_right_logical3A_142 : i32 to vector<16xi32>
          %shift_right_logical3A_144 = arith.shrui %or3A, %shift_right_logical3A_143 : vector<16xi32>
          %and3A_145 = arith.constant 15 : i32
          %and3A_146 = vector.broadcast %and3A_145 : i32 to vector<16xi32>
          %and3A_147 = arith.andi %or3A, %and3A_146 : vector<16xi32>
          %iota3A_148 = tpu.iota {dimensions = array<i32: 0>} : vector<16xi32>
          %eq3A_149 = arith.constant 0 : i32
          %eq3A_150 = vector.broadcast %eq3A_149 : i32 to vector<16xi32>
          %eq3A_151 = arith.cmpi eq, %iota3A_148, %eq3A_150 : vector<16xi32>
          tpu.vector_store_idx %arg19[%shift_right_logical3A_144, %and3A_147], %gather3A_123 masked %eq3A_151 : memref<64x16xi32, #tpu.memory_space<vmem>>[vector<16xi32>, vector<16xi32>], vector<16xi32>, vector<16xi1>
          %eq3A_152 = arith.cmpi eq, %iota3A, %all_reduce_ffs3A : vector<16xi32>
          %jit3A_153 = arith.constant 0x7F800000 : f32
          %broadcast_in_dim3A_154 = vector.broadcast %jit3A_153 : f32 to vector<16xf32>
          %select_n3A_155 = arith.select %eq3A_152, %broadcast_in_dim3A_154, %gather3A_119 : vector<16xi1>, vector<16xf32>
          tpu.vector_store_idx %arg16[%min3A_118, %iota3A], %select_n3A_155 : memref<64x16xf32, #tpu.memory_space<vmem>>[vector<16xi32>, vector<16xi32>], vector<16xf32>,
          %shift_right_logical3A_156 = arith.constant 4 : i32
          %shift_right_logical3A_157 = vector.broadcast %shift_right_logical3A_156 : i32 to vector<16xi32>
          %shift_right_logical3A_158 = arith.shrui %gather3A_123, %shift_right_logical3A_157 : vector<16xi32>
          %and3A_159 = arith.constant 15 : i32
          %and3A_160 = vector.broadcast %and3A_159 : i32 to vector<16xi32>
          %and3A_161 = arith.andi %gather3A_123, %and3A_160 : vector<16xi32>
          %iota3A_162 = tpu.iota {dimensions = array<i32: 0>} : vector<16xi32>
          %eq3A_163 = arith.constant 0 : i32
          %eq3A_164 = vector.broadcast %eq3A_163 : i32 to vector<16xi32>
          %eq3A_165 = arith.cmpi eq, %iota3A_162, %eq3A_164 : vector<16xi32>
          tpu.vector_store_idx %arg18[%shift_right_logical3A_158, %and3A_161], %broadcast_in_dim3A_9 masked %eq3A_165 : memref<64x16xf32, #tpu.memory_space<vmem>>[vector<16xi32>, vector<16xi32>], vector<16xf32>, vector<16xi1>
          %add3A_166 = arith.constant 1 : i32
          %add3A_167 = arith.addi %while3A_16, %add3A_166 : i32
          %iota3A_168 = tpu.iota {dimensions = array<i32: 0>} : vector<16xi32>
          %add3A_169 = arith.constant 8 : i32
          %add3A_170 = vector.broadcast %add3A_169 : i32 to vector<16xi32>
          %add3A_171 = arith.addi %iota3A_168, %add3A_170 : vector<16xi32>
          %and3A_172 = arith.constant 15 : i32
          %and3A_173 = vector.broadcast %and3A_172 : i32 to vector<16xi32>
          %and3A_174 = arith.andi %add3A_171, %and3A_173 : vector<16xi32>
          %broadcast_in_dim3A_175 = vector.shape_cast %and3A_174 : vector<16xi32> to vector<16x1xi32>
          %gather3A_176 = vector.shape_cast %broadcast_in_dim3A_175 : vector<16x1xi32> to vector<16xi32>
          %gather3A_177 = tpu.dynamic_gather %select_n3A_155[%gather3A_176] in [0] : vector<16xf32>, vector<16xi32> -> vector<16xf32>
          %min3A_178 = arith.minimumf %select_n3A_155, %gather3A_177 : vector<16xf32>
          %add3A_179 = arith.constant 4 : i32
          %add3A_180 = vector.broadcast %add3A_179 : i32 to vector<16xi32>
          %add3A_181 = arith.addi %iota3A_168, %add3A_180 : vector<16xi32>
          %and3A_182 = arith.constant 15 : i32
          %and3A_183 = vector.broadcast %and3A_182 : i32 to vector<16xi32>
          %and3A_184 = arith.andi %add3A_181, %and3A_183 : vector<16xi32>
          %broadcast_in_dim3A_185 = vector.shape_cast %and3A_184 : vector<16xi32> to vector<16x1xi32>
          %gather3A_186 = vector.shape_cast %broadcast_in_dim3A_185 : vector<16x1xi32> to vector<16xi32>
          %gather3A_187 = tpu.dynamic_gather %min3A_178[%gather3A_186] in [0] : vector<16xf32>, vector<16xi32> -> vector<16xf32>
          %min3A_188 = arith.minimumf %min3A_178, %gather3A_187 : vector<16xf32>
          %add3A_189 = arith.constant 2 : i32
          %add3A_190 = vector.broadcast %add3A_189 : i32 to vector<16xi32>
          %add3A_191 = arith.addi %iota3A_168, %add3A_190 : vector<16xi32>
          %and3A_192 = arith.constant 15 : i32
          %and3A_193 = vector.broadcast %and3A_192 : i32 to vector<16xi32>
          %and3A_194 = arith.andi %add3A_191, %and3A_193 : vector<16xi32>
          %broadcast_in_dim3A_195 = vector.shape_cast %and3A_194 : vector<16xi32> to vector<16x1xi32>
          %gather3A_196 = vector.shape_cast %broadcast_in_dim3A_195 : vector<16x1xi32> to vector<16xi32>
          %gather3A_197 = tpu.dynamic_gather %min3A_188[%gather3A_196] in [0] : vector<16xf32>, vector<16xi32> -> vector<16xf32>
          %min3A_198 = arith.minimumf %min3A_188, %gather3A_197 : vector<16xf32>
          %add3A_199 = arith.constant 1 : i32
          %add3A_200 = vector.broadcast %add3A_199 : i32 to vector<16xi32>
          %add3A_201 = arith.addi %iota3A_168, %add3A_200 : vector<16xi32>
          %and3A_202 = arith.constant 15 : i32
          %and3A_203 = vector.broadcast %and3A_202 : i32 to vector<16xi32>
          %and3A_204 = arith.andi %add3A_201, %and3A_203 : vector<16xi32>
          %broadcast_in_dim3A_205 = vector.shape_cast %and3A_204 : vector<16xi32> to vector<16x1xi32>
          %gather3A_206 = vector.shape_cast %broadcast_in_dim3A_205 : vector<16x1xi32> to vector<16xi32>
          %gather3A_207 = tpu.dynamic_gather %min3A_198[%gather3A_206] in [0] : vector<16xf32>, vector<16xi32> -> vector<16xf32>
          %min3A_208 = arith.minimumf %min3A_198, %gather3A_207 : vector<16xf32>
          %eq3A_209 = arith.constant 0 : i32
          %eq3A_210 = vector.broadcast %eq3A_209 : i32 to vector<16xi32>
          %eq3A_211 = arith.cmpi eq, %shift_right_logical3A_132, %eq3A_210 : vector<16xi32>
          %eq3A_212 = arith.cmpi eq, %iota3A, %and3A_135 : vector<16xi32>
          %and3A_213 = arith.andi %eq3A_211, %eq3A_212 : vector<16xi1>
          %select_n3A_214 = arith.select %and3A_213, %min3A_208, %while3A_17 : vector<16xi1>, vector<16xf32>
          %eq3A_215 = arith.constant 1 : i32
          %eq3A_216 = vector.broadcast %eq3A_215 : i32 to vector<16xi32>
          %eq3A_217 = arith.cmpi eq, %shift_right_logical3A_132, %eq3A_216 : vector<16xi32>
          %eq3A_218 = arith.cmpi eq, %iota3A, %and3A_135 : vector<16xi32>
          %and3A_219 = arith.andi %eq3A_217, %eq3A_218 : vector<16xi1>
          %select_n3A_220 = arith.select %and3A_219, %min3A_208, %while3A_18 : vector<16xi1>, vector<16xf32>
          %eq3A_221 = arith.constant 2 : i32
          %eq3A_222 = vector.broadcast %eq3A_221 : i32 to vector<16xi32>
          %eq3A_223 = arith.cmpi eq, %shift_right_logical3A_132, %eq3A_222 : vector<16xi32>
          %eq3A_224 = arith.cmpi eq, %iota3A, %and3A_135 : vector<16xi32>
          %and3A_225 = arith.andi %eq3A_223, %eq3A_224 : vector<16xi1>
          %select_n3A_226 = arith.select %and3A_225, %min3A_208, %while3A_19 : vector<16xi1>, vector<16xf32>
          %eq3A_227 = arith.constant 3 : i32
          %eq3A_228 = vector.broadcast %eq3A_227 : i32 to vector<16xi32>
          %eq3A_229 = arith.cmpi eq, %shift_right_logical3A_132, %eq3A_228 : vector<16xi32>
          %eq3A_230 = arith.cmpi eq, %iota3A, %and3A_135 : vector<16xi32>
          %and3A_231 = arith.andi %eq3A_229, %eq3A_230 : vector<16xi1>
          %select_n3A_232 = arith.select %and3A_231, %min3A_208, %while3A_20 : vector<16xi1>, vector<16xf32>
          scf.yield %add3A_167, %select_n3A_214, %select_n3A_220, %select_n3A_226, %select_n3A_232 : i32, vector<16xf32>, vector<16xf32>, vector<16xf32>, vector<16xf32>
        } else {
          %slice3A_142 = vector.extract_strided_slice %or3A {offsets = [0], sizes = [1], strides = [1]} : vector<16xi32> to vector<1xi32>
          %squeeze3A_143 = vector.extract %slice3A_142[0] : i32 from vector<1xi32>
          %ge3A = arith.constant 0 : i32
          %ge3A_144 = arith.cmpi sge, %squeeze3A_143, %ge3A : i32
          %lt3A_145 = arith.constant 128 : i32
          %lt3A_146 = arith.cmpi slt, %squeeze3A_143, %lt3A_145 : i32
          %and3A_147 = arith.andi %ge3A_144, %lt3A_146 : i1
          %convert_element_type3A_148 = arith.extui %and3A_147 : i1 to i32
          %cond3A_149 = arith.constant 0 : i32
          %cond3A_150 = arith.cmpi ne, %convert_element_type3A_148, %cond3A_149 : i32
          scf.if %cond3A_150 {
            %sub3A = arith.constant 0 : i32
            %sub3A_410 = arith.subi %squeeze3A_143, %sub3A : i32
            %dma_start3A = arith.constant 0 : i32
            %dma_start3A_411 = arith.constant 0 : i32
            %dma_start3A_412 = tpu.memref_slice %arg20[%dma_start3A, %dma_start3A_411] : memref<64x16xf32, #tpu.memory_space<vmem>> -> memref<32x16xf32, #tpu.memory_space<vmem>>
            %dma_start3A_413 = arith.constant 0 : i32
            %dma_start3A_414 = arith.constant 0 : i32
            %dma_start3A_415 = tpu.memref_slice %arg7[%sub3A_410, %dma_start3A_413, %dma_start3A_414] : memref<128x64x16xf32, #tpu.memory_space<vmem_shared>> -> memref<1x32x16xf32, #tpu.memory_space<vmem_shared>>
            %dma_start3A_416 = tpu.memref_squeeze %dma_start3A_415 : memref<1x32x16xf32, #tpu.memory_space<vmem_shared>> -> memref<32x16xf32, #tpu.memory_space<vmem_shared>>
            %dma_start3A_417 = arith.constant 0 : i32
            %dma_start3A_418 = arith.constant 0 : i32
            %dma_start3A_419 = tpu.memref_slice %arg20[%dma_start3A_417, %dma_start3A_418] : memref<64x16xf32, #tpu.memory_space<vmem>> -> memref<32x16xf32, #tpu.memory_space<vmem>>
            %dma_start3A_420 = arith.constant 0 : i32
            %dma_start3A_421 = arith.constant 0 : i32
            %dma_start3A_422 = tpu.memref_slice %arg7[%sub3A_410, %dma_start3A_420, %dma_start3A_421] : memref<128x64x16xf32, #tpu.memory_space<vmem_shared>> -> memref<1x32x16xf32, #tpu.memory_space<vmem_shared>>
            %dma_start3A_423 = tpu.memref_squeeze %dma_start3A_422 : memref<1x32x16xf32, #tpu.memory_space<vmem_shared>> -> memref<32x16xf32, #tpu.memory_space<vmem_shared>>
            tpu.enqueue_dma source(%dma_start3A_423 : memref<32x16xf32, #tpu.memory_space<vmem_shared>>) target(%dma_start3A_419 : memref<32x16xf32, #tpu.memory_space<vmem>>) target_semaphore(%arg21 : memref<!tpu.dma_semaphore, #tpu.memory_space<semaphore_mem>>)
            %sub3A_424 = arith.constant 0 : i32
            %sub3A_425 = arith.subi %squeeze3A_143, %sub3A_424 : i32
            %dma_start3A_426 = arith.constant 32 : i32
            %dma_start3A_427 = arith.constant 0 : i32
            %dma_start3A_428 = tpu.memref_slice %arg20[%dma_start3A_426, %dma_start3A_427] : memref<64x16xf32, #tpu.memory_space<vmem>> -> memref<32x16xf32, #tpu.memory_space<vmem>>
            %dma_start3A_429 = arith.constant 32 : i32
            %dma_start3A_430 = arith.constant 0 : i32
            %dma_start3A_431 = tpu.memref_slice %arg7[%sub3A_425, %dma_start3A_429, %dma_start3A_430] : memref<128x64x16xf32, #tpu.memory_space<vmem_shared>> -> memref<1x32x16xf32, #tpu.memory_space<vmem_shared>>
            %dma_start3A_432 = tpu.memref_squeeze %dma_start3A_431 : memref<1x32x16xf32, #tpu.memory_space<vmem_shared>> -> memref<32x16xf32, #tpu.memory_space<vmem_shared>>
            %dma_start3A_433 = arith.constant 32 : i32
            %dma_start3A_434 = arith.constant 0 : i32
            %dma_start3A_435 = tpu.memref_slice %arg20[%dma_start3A_433, %dma_start3A_434] : memref<64x16xf32, #tpu.memory_space<vmem>> -> memref<32x16xf32, #tpu.memory_space<vmem>>
            %dma_start3A_436 = arith.constant 32 : i32
            %dma_start3A_437 = arith.constant 0 : i32
            %dma_start3A_438 = tpu.memref_slice %arg7[%sub3A_425, %dma_start3A_436, %dma_start3A_437] : memref<128x64x16xf32, #tpu.memory_space<vmem_shared>> -> memref<1x32x16xf32, #tpu.memory_space<vmem_shared>>
            %dma_start3A_439 = tpu.memref_squeeze %dma_start3A_438 : memref<1x32x16xf32, #tpu.memory_space<vmem_shared>> -> memref<32x16xf32, #tpu.memory_space<vmem_shared>>
            tpu.enqueue_dma source(%dma_start3A_439 : memref<32x16xf32, #tpu.memory_space<vmem_shared>>) target(%dma_start3A_435 : memref<32x16xf32, #tpu.memory_space<vmem>>) target_semaphore(%arg22 : memref<!tpu.dma_semaphore, #tpu.memory_space<semaphore_mem>>)
          } else {
          }
          %ge3A_151 = arith.constant 128 : i32
          %ge3A_152 = arith.cmpi sge, %squeeze3A_143, %ge3A_151 : i32
          %lt3A_153 = arith.constant 256 : i32
          %lt3A_154 = arith.cmpi slt, %squeeze3A_143, %lt3A_153 : i32
          %and3A_155 = arith.andi %ge3A_152, %lt3A_154 : i1
          %convert_element_type3A_156 = arith.extui %and3A_155 : i1 to i32
          %cond3A_157 = arith.constant 0 : i32
          %cond3A_158 = arith.cmpi ne, %convert_element_type3A_156, %cond3A_157 : i32
          scf.if %cond3A_158 {
            %sub3A = arith.constant 128 : i32
            %sub3A_410 = arith.subi %squeeze3A_143, %sub3A : i32
            %dma_start3A = arith.constant 0 : i32
            %dma_start3A_411 = arith.constant 0 : i32
            %dma_start3A_412 = tpu.memref_slice %arg20[%dma_start3A, %dma_start3A_411] : memref<64x16xf32, #tpu.memory_space<vmem>> -> memref<32x16xf32, #tpu.memory_space<vmem>>
            %dma_start3A_413 = arith.constant 0 : i32
            %dma_start3A_414 = arith.constant 0 : i32
            %dma_start3A_415 = tpu.memref_slice %arg8[%sub3A_410, %dma_start3A_413, %dma_start3A_414] : memref<128x64x16xf32, #tpu.memory_space<vmem_shared>> -> memref<1x32x16xf32, #tpu.memory_space<vmem_shared>>
            %dma_start3A_416 = tpu.memref_squeeze %dma_start3A_415 : memref<1x32x16xf32, #tpu.memory_space<vmem_shared>> -> memref<32x16xf32, #tpu.memory_space<vmem_shared>>
            %dma_start3A_417 = arith.constant 0 : i32
            %dma_start3A_418 = arith.constant 0 : i32
            %dma_start3A_419 = tpu.memref_slice %arg20[%dma_start3A_417, %dma_start3A_418] : memref<64x16xf32, #tpu.memory_space<vmem>> -> memref<32x16xf32, #tpu.memory_space<vmem>>
            %dma_start3A_420 = arith.constant 0 : i32
            %dma_start3A_421 = arith.constant 0 : i32
            %dma_start3A_422 = tpu.memref_slice %arg8[%sub3A_410, %dma_start3A_420, %dma_start3A_421] : memref<128x64x16xf32, #tpu.memory_space<vmem_shared>> -> memref<1x32x16xf32, #tpu.memory_space<vmem_shared>>
            %dma_start3A_423 = tpu.memref_squeeze %dma_start3A_422 : memref<1x32x16xf32, #tpu.memory_space<vmem_shared>> -> memref<32x16xf32, #tpu.memory_space<vmem_shared>>
            tpu.enqueue_dma source(%dma_start3A_423 : memref<32x16xf32, #tpu.memory_space<vmem_shared>>) target(%dma_start3A_419 : memref<32x16xf32, #tpu.memory_space<vmem>>) target_semaphore(%arg21 : memref<!tpu.dma_semaphore, #tpu.memory_space<semaphore_mem>>)
            %sub3A_424 = arith.constant 128 : i32
            %sub3A_425 = arith.subi %squeeze3A_143, %sub3A_424 : i32
            %dma_start3A_426 = arith.constant 32 : i32
            %dma_start3A_427 = arith.constant 0 : i32
            %dma_start3A_428 = tpu.memref_slice %arg20[%dma_start3A_426, %dma_start3A_427] : memref<64x16xf32, #tpu.memory_space<vmem>> -> memref<32x16xf32, #tpu.memory_space<vmem>>
            %dma_start3A_429 = arith.constant 32 : i32
            %dma_start3A_430 = arith.constant 0 : i32
            %dma_start3A_431 = tpu.memref_slice %arg8[%sub3A_425, %dma_start3A_429, %dma_start3A_430] : memref<128x64x16xf32, #tpu.memory_space<vmem_shared>> -> memref<1x32x16xf32, #tpu.memory_space<vmem_shared>>
            %dma_start3A_432 = tpu.memref_squeeze %dma_start3A_431 : memref<1x32x16xf32, #tpu.memory_space<vmem_shared>> -> memref<32x16xf32, #tpu.memory_space<vmem_shared>>
            %dma_start3A_433 = arith.constant 32 : i32
            %dma_start3A_434 = arith.constant 0 : i32
            %dma_start3A_435 = tpu.memref_slice %arg20[%dma_start3A_433, %dma_start3A_434] : memref<64x16xf32, #tpu.memory_space<vmem>> -> memref<32x16xf32, #tpu.memory_space<vmem>>
            %dma_start3A_436 = arith.constant 32 : i32
            %dma_start3A_437 = arith.constant 0 : i32
            %dma_start3A_438 = tpu.memref_slice %arg8[%sub3A_425, %dma_start3A_436, %dma_start3A_437] : memref<128x64x16xf32, #tpu.memory_space<vmem_shared>> -> memref<1x32x16xf32, #tpu.memory_space<vmem_shared>>
            %dma_start3A_439 = tpu.memref_squeeze %dma_start3A_438 : memref<1x32x16xf32, #tpu.memory_space<vmem_shared>> -> memref<32x16xf32, #tpu.memory_space<vmem_shared>>
            tpu.enqueue_dma source(%dma_start3A_439 : memref<32x16xf32, #tpu.memory_space<vmem_shared>>) target(%dma_start3A_435 : memref<32x16xf32, #tpu.memory_space<vmem>>) target_semaphore(%arg22 : memref<!tpu.dma_semaphore, #tpu.memory_space<semaphore_mem>>)
          } else {
          }
          %ge3A_159 = arith.constant 256 : i32
          %ge3A_160 = arith.cmpi sge, %squeeze3A_143, %ge3A_159 : i32
          %lt3A_161 = arith.constant 384 : i32
          %lt3A_162 = arith.cmpi slt, %squeeze3A_143, %lt3A_161 : i32
          %and3A_163 = arith.andi %ge3A_160, %lt3A_162 : i1
          %convert_element_type3A_164 = arith.extui %and3A_163 : i1 to i32
          %cond3A_165 = arith.constant 0 : i32
          %cond3A_166 = arith.cmpi ne, %convert_element_type3A_164, %cond3A_165 : i32
          scf.if %cond3A_166 {
            %sub3A = arith.constant 256 : i32
            %sub3A_410 = arith.subi %squeeze3A_143, %sub3A : i32
            %dma_start3A = arith.constant 0 : i32
            %dma_start3A_411 = arith.constant 0 : i32
            %dma_start3A_412 = tpu.memref_slice %arg20[%dma_start3A, %dma_start3A_411] : memref<64x16xf32, #tpu.memory_space<vmem>> -> memref<32x16xf32, #tpu.memory_space<vmem>>
            %dma_start3A_413 = arith.constant 0 : i32
            %dma_start3A_414 = arith.constant 0 : i32
            %dma_start3A_415 = tpu.memref_slice %arg9[%sub3A_410, %dma_start3A_413, %dma_start3A_414] : memref<128x64x16xf32, #tpu.memory_space<vmem_shared>> -> memref<1x32x16xf32, #tpu.memory_space<vmem_shared>>
            %dma_start3A_416 = tpu.memref_squeeze %dma_start3A_415 : memref<1x32x16xf32, #tpu.memory_space<vmem_shared>> -> memref<32x16xf32, #tpu.memory_space<vmem_shared>>
            %dma_start3A_417 = arith.constant 0 : i32
            %dma_start3A_418 = arith.constant 0 : i32
            %dma_start3A_419 = tpu.memref_slice %arg20[%dma_start3A_417, %dma_start3A_418] : memref<64x16xf32, #tpu.memory_space<vmem>> -> memref<32x16xf32, #tpu.memory_space<vmem>>
            %dma_start3A_420 = arith.constant 0 : i32
            %dma_start3A_421 = arith.constant 0 : i32
            %dma_start3A_422 = tpu.memref_slice %arg9[%sub3A_410, %dma_start3A_420, %dma_start3A_421] : memref<128x64x16xf32, #tpu.memory_space<vmem_shared>> -> memref<1x32x16xf32, #tpu.memory_space<vmem_shared>>
            %dma_start3A_423 = tpu.memref_squeeze %dma_start3A_422 : memref<1x32x16xf32, #tpu.memory_space<vmem_shared>> -> memref<32x16xf32, #tpu.memory_space<vmem_shared>>
            tpu.enqueue_dma source(%dma_start3A_423 : memref<32x16xf32, #tpu.memory_space<vmem_shared>>) target(%dma_start3A_419 : memref<32x16xf32, #tpu.memory_space<vmem>>) target_semaphore(%arg21 : memref<!tpu.dma_semaphore, #tpu.memory_space<semaphore_mem>>)
            %sub3A_424 = arith.constant 256 : i32
            %sub3A_425 = arith.subi %squeeze3A_143, %sub3A_424 : i32
            %dma_start3A_426 = arith.constant 32 : i32
            %dma_start3A_427 = arith.constant 0 : i32
            %dma_start3A_428 = tpu.memref_slice %arg20[%dma_start3A_426, %dma_start3A_427] : memref<64x16xf32, #tpu.memory_space<vmem>> -> memref<32x16xf32, #tpu.memory_space<vmem>>
            %dma_start3A_429 = arith.constant 32 : i32
            %dma_start3A_430 = arith.constant 0 : i32
            %dma_start3A_431 = tpu.memref_slice %arg9[%sub3A_425, %dma_start3A_429, %dma_start3A_430] : memref<128x64x16xf32, #tpu.memory_space<vmem_shared>> -> memref<1x32x16xf32, #tpu.memory_space<vmem_shared>>
            %dma_start3A_432 = tpu.memref_squeeze %dma_start3A_431 : memref<1x32x16xf32, #tpu.memory_space<vmem_shared>> -> memref<32x16xf32, #tpu.memory_space<vmem_shared>>
            %dma_start3A_433 = arith.constant 32 : i32
            %dma_start3A_434 = arith.constant 0 : i32
            %dma_start3A_435 = tpu.memref_slice %arg20[%dma_start3A_433, %dma_start3A_434] : memref<64x16xf32, #tpu.memory_space<vmem>> -> memref<32x16xf32, #tpu.memory_space<vmem>>
            %dma_start3A_436 = arith.constant 32 : i32
            %dma_start3A_437 = arith.constant 0 : i32
            %dma_start3A_438 = tpu.memref_slice %arg9[%sub3A_425, %dma_start3A_436, %dma_start3A_437] : memref<128x64x16xf32, #tpu.memory_space<vmem_shared>> -> memref<1x32x16xf32, #tpu.memory_space<vmem_shared>>
            %dma_start3A_439 = tpu.memref_squeeze %dma_start3A_438 : memref<1x32x16xf32, #tpu.memory_space<vmem_shared>> -> memref<32x16xf32, #tpu.memory_space<vmem_shared>>
            tpu.enqueue_dma source(%dma_start3A_439 : memref<32x16xf32, #tpu.memory_space<vmem_shared>>) target(%dma_start3A_435 : memref<32x16xf32, #tpu.memory_space<vmem>>) target_semaphore(%arg22 : memref<!tpu.dma_semaphore, #tpu.memory_space<semaphore_mem>>)
          } else {
          }
          %ge3A_167 = arith.constant 384 : i32
          %ge3A_168 = arith.cmpi sge, %squeeze3A_143, %ge3A_167 : i32
          %lt3A_169 = arith.constant 512 : i32
          %lt3A_170 = arith.cmpi slt, %squeeze3A_143, %lt3A_169 : i32
          %and3A_171 = arith.andi %ge3A_168, %lt3A_170 : i1
          %convert_element_type3A_172 = arith.extui %and3A_171 : i1 to i32
          %cond3A_173 = arith.constant 0 : i32
          %cond3A_174 = arith.cmpi ne, %convert_element_type3A_172, %cond3A_173 : i32
          scf.if %cond3A_174 {
            %sub3A = arith.constant 384 : i32
            %sub3A_410 = arith.subi %squeeze3A_143, %sub3A : i32
            %dma_start3A = arith.constant 0 : i32
            %dma_start3A_411 = arith.constant 0 : i32
            %dma_start3A_412 = tpu.memref_slice %arg20[%dma_start3A, %dma_start3A_411] : memref<64x16xf32, #tpu.memory_space<vmem>> -> memref<32x16xf32, #tpu.memory_space<vmem>>
            %dma_start3A_413 = arith.constant 0 : i32
            %dma_start3A_414 = arith.constant 0 : i32
            %dma_start3A_415 = tpu.memref_slice %arg10[%sub3A_410, %dma_start3A_413, %dma_start3A_414] : memref<128x64x16xf32, #tpu.memory_space<vmem_shared>> -> memref<1x32x16xf32, #tpu.memory_space<vmem_shared>>
            %dma_start3A_416 = tpu.memref_squeeze %dma_start3A_415 : memref<1x32x16xf32, #tpu.memory_space<vmem_shared>> -> memref<32x16xf32, #tpu.memory_space<vmem_shared>>
            %dma_start3A_417 = arith.constant 0 : i32
            %dma_start3A_418 = arith.constant 0 : i32
            %dma_start3A_419 = tpu.memref_slice %arg20[%dma_start3A_417, %dma_start3A_418] : memref<64x16xf32, #tpu.memory_space<vmem>> -> memref<32x16xf32, #tpu.memory_space<vmem>>
            %dma_start3A_420 = arith.constant 0 : i32
            %dma_start3A_421 = arith.constant 0 : i32
            %dma_start3A_422 = tpu.memref_slice %arg10[%sub3A_410, %dma_start3A_420, %dma_start3A_421] : memref<128x64x16xf32, #tpu.memory_space<vmem_shared>> -> memref<1x32x16xf32, #tpu.memory_space<vmem_shared>>
            %dma_start3A_423 = tpu.memref_squeeze %dma_start3A_422 : memref<1x32x16xf32, #tpu.memory_space<vmem_shared>> -> memref<32x16xf32, #tpu.memory_space<vmem_shared>>
            tpu.enqueue_dma source(%dma_start3A_423 : memref<32x16xf32, #tpu.memory_space<vmem_shared>>) target(%dma_start3A_419 : memref<32x16xf32, #tpu.memory_space<vmem>>) target_semaphore(%arg21 : memref<!tpu.dma_semaphore, #tpu.memory_space<semaphore_mem>>)
            %sub3A_424 = arith.constant 384 : i32
            %sub3A_425 = arith.subi %squeeze3A_143, %sub3A_424 : i32
            %dma_start3A_426 = arith.constant 32 : i32
            %dma_start3A_427 = arith.constant 0 : i32
            %dma_start3A_428 = tpu.memref_slice %arg20[%dma_start3A_426, %dma_start3A_427] : memref<64x16xf32, #tpu.memory_space<vmem>> -> memref<32x16xf32, #tpu.memory_space<vmem>>
            %dma_start3A_429 = arith.constant 32 : i32
            %dma_start3A_430 = arith.constant 0 : i32
            %dma_start3A_431 = tpu.memref_slice %arg10[%sub3A_425, %dma_start3A_429, %dma_start3A_430] : memref<128x64x16xf32, #tpu.memory_space<vmem_shared>> -> memref<1x32x16xf32, #tpu.memory_space<vmem_shared>>
            %dma_start3A_432 = tpu.memref_squeeze %dma_start3A_431 : memref<1x32x16xf32, #tpu.memory_space<vmem_shared>> -> memref<32x16xf32, #tpu.memory_space<vmem_shared>>
            %dma_start3A_433 = arith.constant 32 : i32
            %dma_start3A_434 = arith.constant 0 : i32
            %dma_start3A_435 = tpu.memref_slice %arg20[%dma_start3A_433, %dma_start3A_434] : memref<64x16xf32, #tpu.memory_space<vmem>> -> memref<32x16xf32, #tpu.memory_space<vmem>>
            %dma_start3A_436 = arith.constant 32 : i32
            %dma_start3A_437 = arith.constant 0 : i32
            %dma_start3A_438 = tpu.memref_slice %arg10[%sub3A_425, %dma_start3A_436, %dma_start3A_437] : memref<128x64x16xf32, #tpu.memory_space<vmem_shared>> -> memref<1x32x16xf32, #tpu.memory_space<vmem_shared>>
            %dma_start3A_439 = tpu.memref_squeeze %dma_start3A_438 : memref<1x32x16xf32, #tpu.memory_space<vmem_shared>> -> memref<32x16xf32, #tpu.memory_space<vmem_shared>>
            tpu.enqueue_dma source(%dma_start3A_439 : memref<32x16xf32, #tpu.memory_space<vmem_shared>>) target(%dma_start3A_435 : memref<32x16xf32, #tpu.memory_space<vmem>>) target_semaphore(%arg22 : memref<!tpu.dma_semaphore, #tpu.memory_space<semaphore_mem>>)
          } else {
          }
          %ge3A_175 = arith.constant 512 : i32
          %ge3A_176 = arith.cmpi sge, %squeeze3A_143, %ge3A_175 : i32
          %lt3A_177 = arith.constant 640 : i32
          %lt3A_178 = arith.cmpi slt, %squeeze3A_143, %lt3A_177 : i32
          %and3A_179 = arith.andi %ge3A_176, %lt3A_178 : i1
          %convert_element_type3A_180 = arith.extui %and3A_179 : i1 to i32
          %cond3A_181 = arith.constant 0 : i32
          %cond3A_182 = arith.cmpi ne, %convert_element_type3A_180, %cond3A_181 : i32
          scf.if %cond3A_182 {
            %sub3A = arith.constant 512 : i32
            %sub3A_410 = arith.subi %squeeze3A_143, %sub3A : i32
            %dma_start3A = arith.constant 0 : i32
            %dma_start3A_411 = arith.constant 0 : i32
            %dma_start3A_412 = tpu.memref_slice %arg20[%dma_start3A, %dma_start3A_411] : memref<64x16xf32, #tpu.memory_space<vmem>> -> memref<32x16xf32, #tpu.memory_space<vmem>>
            %dma_start3A_413 = arith.constant 0 : i32
            %dma_start3A_414 = arith.constant 0 : i32
            %dma_start3A_415 = tpu.memref_slice %arg11[%sub3A_410, %dma_start3A_413, %dma_start3A_414] : memref<128x64x16xf32, #tpu.memory_space<vmem_shared>> -> memref<1x32x16xf32, #tpu.memory_space<vmem_shared>>
            %dma_start3A_416 = tpu.memref_squeeze %dma_start3A_415 : memref<1x32x16xf32, #tpu.memory_space<vmem_shared>> -> memref<32x16xf32, #tpu.memory_space<vmem_shared>>
            %dma_start3A_417 = arith.constant 0 : i32
            %dma_start3A_418 = arith.constant 0 : i32
            %dma_start3A_419 = tpu.memref_slice %arg20[%dma_start3A_417, %dma_start3A_418] : memref<64x16xf32, #tpu.memory_space<vmem>> -> memref<32x16xf32, #tpu.memory_space<vmem>>
            %dma_start3A_420 = arith.constant 0 : i32
            %dma_start3A_421 = arith.constant 0 : i32
            %dma_start3A_422 = tpu.memref_slice %arg11[%sub3A_410, %dma_start3A_420, %dma_start3A_421] : memref<128x64x16xf32, #tpu.memory_space<vmem_shared>> -> memref<1x32x16xf32, #tpu.memory_space<vmem_shared>>
            %dma_start3A_423 = tpu.memref_squeeze %dma_start3A_422 : memref<1x32x16xf32, #tpu.memory_space<vmem_shared>> -> memref<32x16xf32, #tpu.memory_space<vmem_shared>>
            tpu.enqueue_dma source(%dma_start3A_423 : memref<32x16xf32, #tpu.memory_space<vmem_shared>>) target(%dma_start3A_419 : memref<32x16xf32, #tpu.memory_space<vmem>>) target_semaphore(%arg21 : memref<!tpu.dma_semaphore, #tpu.memory_space<semaphore_mem>>)
            %sub3A_424 = arith.constant 512 : i32
            %sub3A_425 = arith.subi %squeeze3A_143, %sub3A_424 : i32
            %dma_start3A_426 = arith.constant 32 : i32
            %dma_start3A_427 = arith.constant 0 : i32
            %dma_start3A_428 = tpu.memref_slice %arg20[%dma_start3A_426, %dma_start3A_427] : memref<64x16xf32, #tpu.memory_space<vmem>> -> memref<32x16xf32, #tpu.memory_space<vmem>>
            %dma_start3A_429 = arith.constant 32 : i32
            %dma_start3A_430 = arith.constant 0 : i32
            %dma_start3A_431 = tpu.memref_slice %arg11[%sub3A_425, %dma_start3A_429, %dma_start3A_430] : memref<128x64x16xf32, #tpu.memory_space<vmem_shared>> -> memref<1x32x16xf32, #tpu.memory_space<vmem_shared>>
            %dma_start3A_432 = tpu.memref_squeeze %dma_start3A_431 : memref<1x32x16xf32, #tpu.memory_space<vmem_shared>> -> memref<32x16xf32, #tpu.memory_space<vmem_shared>>
            %dma_start3A_433 = arith.constant 32 : i32
            %dma_start3A_434 = arith.constant 0 : i32
            %dma_start3A_435 = tpu.memref_slice %arg20[%dma_start3A_433, %dma_start3A_434] : memref<64x16xf32, #tpu.memory_space<vmem>> -> memref<32x16xf32, #tpu.memory_space<vmem>>
            %dma_start3A_436 = arith.constant 32 : i32
            %dma_start3A_437 = arith.constant 0 : i32
            %dma_start3A_438 = tpu.memref_slice %arg11[%sub3A_425, %dma_start3A_436, %dma_start3A_437] : memref<128x64x16xf32, #tpu.memory_space<vmem_shared>> -> memref<1x32x16xf32, #tpu.memory_space<vmem_shared>>
            %dma_start3A_439 = tpu.memref_squeeze %dma_start3A_438 : memref<1x32x16xf32, #tpu.memory_space<vmem_shared>> -> memref<32x16xf32, #tpu.memory_space<vmem_shared>>
            tpu.enqueue_dma source(%dma_start3A_439 : memref<32x16xf32, #tpu.memory_space<vmem_shared>>) target(%dma_start3A_435 : memref<32x16xf32, #tpu.memory_space<vmem>>) target_semaphore(%arg22 : memref<!tpu.dma_semaphore, #tpu.memory_space<semaphore_mem>>)
          } else {
          }
          %ge3A_183 = arith.constant 640 : i32
          %ge3A_184 = arith.cmpi sge, %squeeze3A_143, %ge3A_183 : i32
          %lt3A_185 = arith.constant 768 : i32
          %lt3A_186 = arith.cmpi slt, %squeeze3A_143, %lt3A_185 : i32
          %and3A_187 = arith.andi %ge3A_184, %lt3A_186 : i1
          %convert_element_type3A_188 = arith.extui %and3A_187 : i1 to i32
          %cond3A_189 = arith.constant 0 : i32
          %cond3A_190 = arith.cmpi ne, %convert_element_type3A_188, %cond3A_189 : i32
          scf.if %cond3A_190 {
            %sub3A = arith.constant 640 : i32
            %sub3A_410 = arith.subi %squeeze3A_143, %sub3A : i32
            %dma_start3A = arith.constant 0 : i32
            %dma_start3A_411 = arith.constant 0 : i32
            %dma_start3A_412 = tpu.memref_slice %arg20[%dma_start3A, %dma_start3A_411] : memref<64x16xf32, #tpu.memory_space<vmem>> -> memref<32x16xf32, #tpu.memory_space<vmem>>
            %dma_start3A_413 = arith.constant 0 : i32
            %dma_start3A_414 = arith.constant 0 : i32
            %dma_start3A_415 = tpu.memref_slice %arg12[%sub3A_410, %dma_start3A_413, %dma_start3A_414] : memref<128x64x16xf32, #tpu.memory_space<vmem_shared>> -> memref<1x32x16xf32, #tpu.memory_space<vmem_shared>>
            %dma_start3A_416 = tpu.memref_squeeze %dma_start3A_415 : memref<1x32x16xf32, #tpu.memory_space<vmem_shared>> -> memref<32x16xf32, #tpu.memory_space<vmem_shared>>
            %dma_start3A_417 = arith.constant 0 : i32
            %dma_start3A_418 = arith.constant 0 : i32
            %dma_start3A_419 = tpu.memref_slice %arg20[%dma_start3A_417, %dma_start3A_418] : memref<64x16xf32, #tpu.memory_space<vmem>> -> memref<32x16xf32, #tpu.memory_space<vmem>>
            %dma_start3A_420 = arith.constant 0 : i32
            %dma_start3A_421 = arith.constant 0 : i32
            %dma_start3A_422 = tpu.memref_slice %arg12[%sub3A_410, %dma_start3A_420, %dma_start3A_421] : memref<128x64x16xf32, #tpu.memory_space<vmem_shared>> -> memref<1x32x16xf32, #tpu.memory_space<vmem_shared>>
            %dma_start3A_423 = tpu.memref_squeeze %dma_start3A_422 : memref<1x32x16xf32, #tpu.memory_space<vmem_shared>> -> memref<32x16xf32, #tpu.memory_space<vmem_shared>>
            tpu.enqueue_dma source(%dma_start3A_423 : memref<32x16xf32, #tpu.memory_space<vmem_shared>>) target(%dma_start3A_419 : memref<32x16xf32, #tpu.memory_space<vmem>>) target_semaphore(%arg21 : memref<!tpu.dma_semaphore, #tpu.memory_space<semaphore_mem>>)
            %sub3A_424 = arith.constant 640 : i32
            %sub3A_425 = arith.subi %squeeze3A_143, %sub3A_424 : i32
            %dma_start3A_426 = arith.constant 32 : i32
            %dma_start3A_427 = arith.constant 0 : i32
            %dma_start3A_428 = tpu.memref_slice %arg20[%dma_start3A_426, %dma_start3A_427] : memref<64x16xf32, #tpu.memory_space<vmem>> -> memref<32x16xf32, #tpu.memory_space<vmem>>
            %dma_start3A_429 = arith.constant 32 : i32
            %dma_start3A_430 = arith.constant 0 : i32
            %dma_start3A_431 = tpu.memref_slice %arg12[%sub3A_425, %dma_start3A_429, %dma_start3A_430] : memref<128x64x16xf32, #tpu.memory_space<vmem_shared>> -> memref<1x32x16xf32, #tpu.memory_space<vmem_shared>>
            %dma_start3A_432 = tpu.memref_squeeze %dma_start3A_431 : memref<1x32x16xf32, #tpu.memory_space<vmem_shared>> -> memref<32x16xf32, #tpu.memory_space<vmem_shared>>
            %dma_start3A_433 = arith.constant 32 : i32
            %dma_start3A_434 = arith.constant 0 : i32
            %dma_start3A_435 = tpu.memref_slice %arg20[%dma_start3A_433, %dma_start3A_434] : memref<64x16xf32, #tpu.memory_space<vmem>> -> memref<32x16xf32, #tpu.memory_space<vmem>>
            %dma_start3A_436 = arith.constant 32 : i32
            %dma_start3A_437 = arith.constant 0 : i32
            %dma_start3A_438 = tpu.memref_slice %arg12[%sub3A_425, %dma_start3A_436, %dma_start3A_437] : memref<128x64x16xf32, #tpu.memory_space<vmem_shared>> -> memref<1x32x16xf32, #tpu.memory_space<vmem_shared>>
            %dma_start3A_439 = tpu.memref_squeeze %dma_start3A_438 : memref<1x32x16xf32, #tpu.memory_space<vmem_shared>> -> memref<32x16xf32, #tpu.memory_space<vmem_shared>>
            tpu.enqueue_dma source(%dma_start3A_439 : memref<32x16xf32, #tpu.memory_space<vmem_shared>>) target(%dma_start3A_435 : memref<32x16xf32, #tpu.memory_space<vmem>>) target_semaphore(%arg22 : memref<!tpu.dma_semaphore, #tpu.memory_space<semaphore_mem>>)
          } else {
          }
          %ge3A_191 = arith.constant 768 : i32
          %ge3A_192 = arith.cmpi sge, %squeeze3A_143, %ge3A_191 : i32
          %lt3A_193 = arith.constant 896 : i32
          %lt3A_194 = arith.cmpi slt, %squeeze3A_143, %lt3A_193 : i32
          %and3A_195 = arith.andi %ge3A_192, %lt3A_194 : i1
          %convert_element_type3A_196 = arith.extui %and3A_195 : i1 to i32
          %cond3A_197 = arith.constant 0 : i32
          %cond3A_198 = arith.cmpi ne, %convert_element_type3A_196, %cond3A_197 : i32
          scf.if %cond3A_198 {
            %sub3A = arith.constant 768 : i32
            %sub3A_410 = arith.subi %squeeze3A_143, %sub3A : i32
            %dma_start3A = arith.constant 0 : i32
            %dma_start3A_411 = arith.constant 0 : i32
            %dma_start3A_412 = tpu.memref_slice %arg20[%dma_start3A, %dma_start3A_411] : memref<64x16xf32, #tpu.memory_space<vmem>> -> memref<32x16xf32, #tpu.memory_space<vmem>>
            %dma_start3A_413 = arith.constant 0 : i32
            %dma_start3A_414 = arith.constant 0 : i32
            %dma_start3A_415 = tpu.memref_slice %arg13[%sub3A_410, %dma_start3A_413, %dma_start3A_414] : memref<128x64x16xf32, #tpu.memory_space<vmem_shared>> -> memref<1x32x16xf32, #tpu.memory_space<vmem_shared>>
            %dma_start3A_416 = tpu.memref_squeeze %dma_start3A_415 : memref<1x32x16xf32, #tpu.memory_space<vmem_shared>> -> memref<32x16xf32, #tpu.memory_space<vmem_shared>>
            %dma_start3A_417 = arith.constant 0 : i32
            %dma_start3A_418 = arith.constant 0 : i32
            %dma_start3A_419 = tpu.memref_slice %arg20[%dma_start3A_417, %dma_start3A_418] : memref<64x16xf32, #tpu.memory_space<vmem>> -> memref<32x16xf32, #tpu.memory_space<vmem>>
            %dma_start3A_420 = arith.constant 0 : i32
            %dma_start3A_421 = arith.constant 0 : i32
            %dma_start3A_422 = tpu.memref_slice %arg13[%sub3A_410, %dma_start3A_420, %dma_start3A_421] : memref<128x64x16xf32, #tpu.memory_space<vmem_shared>> -> memref<1x32x16xf32, #tpu.memory_space<vmem_shared>>
            %dma_start3A_423 = tpu.memref_squeeze %dma_start3A_422 : memref<1x32x16xf32, #tpu.memory_space<vmem_shared>> -> memref<32x16xf32, #tpu.memory_space<vmem_shared>>
            tpu.enqueue_dma source(%dma_start3A_423 : memref<32x16xf32, #tpu.memory_space<vmem_shared>>) target(%dma_start3A_419 : memref<32x16xf32, #tpu.memory_space<vmem>>) target_semaphore(%arg21 : memref<!tpu.dma_semaphore, #tpu.memory_space<semaphore_mem>>)
            %sub3A_424 = arith.constant 768 : i32
            %sub3A_425 = arith.subi %squeeze3A_143, %sub3A_424 : i32
            %dma_start3A_426 = arith.constant 32 : i32
            %dma_start3A_427 = arith.constant 0 : i32
            %dma_start3A_428 = tpu.memref_slice %arg20[%dma_start3A_426, %dma_start3A_427] : memref<64x16xf32, #tpu.memory_space<vmem>> -> memref<32x16xf32, #tpu.memory_space<vmem>>
            %dma_start3A_429 = arith.constant 32 : i32
            %dma_start3A_430 = arith.constant 0 : i32
            %dma_start3A_431 = tpu.memref_slice %arg13[%sub3A_425, %dma_start3A_429, %dma_start3A_430] : memref<128x64x16xf32, #tpu.memory_space<vmem_shared>> -> memref<1x32x16xf32, #tpu.memory_space<vmem_shared>>
            %dma_start3A_432 = tpu.memref_squeeze %dma_start3A_431 : memref<1x32x16xf32, #tpu.memory_space<vmem_shared>> -> memref<32x16xf32, #tpu.memory_space<vmem_shared>>
            %dma_start3A_433 = arith.constant 32 : i32
            %dma_start3A_434 = arith.constant 0 : i32
            %dma_start3A_435 = tpu.memref_slice %arg20[%dma_start3A_433, %dma_start3A_434] : memref<64x16xf32, #tpu.memory_space<vmem>> -> memref<32x16xf32, #tpu.memory_space<vmem>>
            %dma_start3A_436 = arith.constant 32 : i32
            %dma_start3A_437 = arith.constant 0 : i32
            %dma_start3A_438 = tpu.memref_slice %arg13[%sub3A_425, %dma_start3A_436, %dma_start3A_437] : memref<128x64x16xf32, #tpu.memory_space<vmem_shared>> -> memref<1x32x16xf32, #tpu.memory_space<vmem_shared>>
            %dma_start3A_439 = tpu.memref_squeeze %dma_start3A_438 : memref<1x32x16xf32, #tpu.memory_space<vmem_shared>> -> memref<32x16xf32, #tpu.memory_space<vmem_shared>>
            tpu.enqueue_dma source(%dma_start3A_439 : memref<32x16xf32, #tpu.memory_space<vmem_shared>>) target(%dma_start3A_435 : memref<32x16xf32, #tpu.memory_space<vmem>>) target_semaphore(%arg22 : memref<!tpu.dma_semaphore, #tpu.memory_space<semaphore_mem>>)
          } else {
          }
          %ge3A_199 = arith.constant 896 : i32
          %ge3A_200 = arith.cmpi sge, %squeeze3A_143, %ge3A_199 : i32
          %convert_element_type3A_201 = arith.extui %ge3A_200 : i1 to i32
          %cond3A_202 = arith.constant 0 : i32
          %cond3A_203 = arith.cmpi ne, %convert_element_type3A_201, %cond3A_202 : i32
          scf.if %cond3A_203 {
            %dma_start3A = arith.constant 0 : i32
            %dma_start3A_410 = arith.constant 0 : i32
            %dma_start3A_411 = tpu.memref_slice %arg20[%dma_start3A, %dma_start3A_410] : memref<64x16xf32, #tpu.memory_space<vmem>> -> memref<32x16xf32, #tpu.memory_space<vmem>>
            %dma_start3A_412 = arith.constant 0 : i32
            %dma_start3A_413 = arith.constant 0 : i32
            %dma_start3A_414 = tpu.memref_slice %arg2[%squeeze3A_143, %dma_start3A_412, %dma_start3A_413] : memref<1024x64x16xf32, #tpu.memory_space<hbm>> -> memref<1x32x16xf32, #tpu.memory_space<hbm>>
            %dma_start3A_415 = tpu.memref_squeeze %dma_start3A_414 : memref<1x32x16xf32, #tpu.memory_space<hbm>> -> memref<32x16xf32, #tpu.memory_space<hbm>>
            %dma_start3A_416 = arith.constant 0 : i32
            %dma_start3A_417 = arith.constant 0 : i32
            %dma_start3A_418 = tpu.memref_slice %arg20[%dma_start3A_416, %dma_start3A_417] : memref<64x16xf32, #tpu.memory_space<vmem>> -> memref<32x16xf32, #tpu.memory_space<vmem>>
            %dma_start3A_419 = arith.constant 0 : i32
            %dma_start3A_420 = arith.constant 0 : i32
            %dma_start3A_421 = tpu.memref_slice %arg2[%squeeze3A_143, %dma_start3A_419, %dma_start3A_420] : memref<1024x64x16xf32, #tpu.memory_space<hbm>> -> memref<1x32x16xf32, #tpu.memory_space<hbm>>
            %dma_start3A_422 = tpu.memref_squeeze %dma_start3A_421 : memref<1x32x16xf32, #tpu.memory_space<hbm>> -> memref<32x16xf32, #tpu.memory_space<hbm>>
            tpu.enqueue_dma source(%dma_start3A_422 : memref<32x16xf32, #tpu.memory_space<hbm>>) target(%dma_start3A_418 : memref<32x16xf32, #tpu.memory_space<vmem>>) target_semaphore(%arg21 : memref<!tpu.dma_semaphore, #tpu.memory_space<semaphore_mem>>)
            %dma_start3A_423 = arith.constant 32 : i32
            %dma_start3A_424 = arith.constant 0 : i32
            %dma_start3A_425 = tpu.memref_slice %arg20[%dma_start3A_423, %dma_start3A_424] : memref<64x16xf32, #tpu.memory_space<vmem>> -> memref<32x16xf32, #tpu.memory_space<vmem>>
            %dma_start3A_426 = arith.constant 32 : i32
            %dma_start3A_427 = arith.constant 0 : i32
            %dma_start3A_428 = tpu.memref_slice %arg2[%squeeze3A_143, %dma_start3A_426, %dma_start3A_427] : memref<1024x64x16xf32, #tpu.memory_space<hbm>> -> memref<1x32x16xf32, #tpu.memory_space<hbm>>
            %dma_start3A_429 = tpu.memref_squeeze %dma_start3A_428 : memref<1x32x16xf32, #tpu.memory_space<hbm>> -> memref<32x16xf32, #tpu.memory_space<hbm>>
            %dma_start3A_430 = arith.constant 32 : i32
            %dma_start3A_431 = arith.constant 0 : i32
            %dma_start3A_432 = tpu.memref_slice %arg20[%dma_start3A_430, %dma_start3A_431] : memref<64x16xf32, #tpu.memory_space<vmem>> -> memref<32x16xf32, #tpu.memory_space<vmem>>
            %dma_start3A_433 = arith.constant 32 : i32
            %dma_start3A_434 = arith.constant 0 : i32
            %dma_start3A_435 = tpu.memref_slice %arg2[%squeeze3A_143, %dma_start3A_433, %dma_start3A_434] : memref<1024x64x16xf32, #tpu.memory_space<hbm>> -> memref<1x32x16xf32, #tpu.memory_space<hbm>>
            %dma_start3A_436 = tpu.memref_squeeze %dma_start3A_435 : memref<1x32x16xf32, #tpu.memory_space<hbm>> -> memref<32x16xf32, #tpu.memory_space<hbm>>
            tpu.enqueue_dma source(%dma_start3A_436 : memref<32x16xf32, #tpu.memory_space<hbm>>) target(%dma_start3A_432 : memref<32x16xf32, #tpu.memory_space<vmem>>) target_semaphore(%arg22 : memref<!tpu.dma_semaphore, #tpu.memory_space<semaphore_mem>>)
          } else {
          }
          %dma_wait3A = arith.constant 0 : i32
          %dma_wait3A_204 = arith.constant 0 : i32
          %dma_wait3A_205 = arith.constant 0 : i32
          %dma_wait3A_206 = tpu.memref_slice %arg20[%dma_wait3A_204, %dma_wait3A_205] : memref<64x16xf32, #tpu.memory_space<vmem>> -> memref<32x16xf32, #tpu.memory_space<vmem>>
          %dma_wait3A_207 = arith.constant 0 : i32
          %dma_wait3A_208 = arith.constant 0 : i32
          %dma_wait3A_209 = tpu.memref_slice %arg2[%dma_wait3A, %dma_wait3A_207, %dma_wait3A_208] : memref<1024x64x16xf32, #tpu.memory_space<hbm>> -> memref<1x32x16xf32, #tpu.memory_space<hbm>>
          %dma_wait3A_210 = tpu.memref_squeeze %dma_wait3A_209 : memref<1x32x16xf32, #tpu.memory_space<hbm>> -> memref<32x16xf32, #tpu.memory_space<hbm>>
          %dma_wait3A_211 = arith.constant 0 : i32
          %dma_wait3A_212 = arith.constant 0 : i32
          %dma_wait3A_213 = tpu.memref_slice %arg20[%dma_wait3A_211, %dma_wait3A_212] : memref<64x16xf32, #tpu.memory_space<vmem>> -> memref<32x16xf32, #tpu.memory_space<vmem>>
          %dma_wait3A_214 = arith.constant 0 : i32
          %dma_wait3A_215 = arith.constant 0 : i32
          %dma_wait3A_216 = tpu.memref_slice %arg2[%dma_wait3A, %dma_wait3A_214, %dma_wait3A_215] : memref<1024x64x16xf32, #tpu.memory_space<hbm>> -> memref<1x32x16xf32, #tpu.memory_space<hbm>>
          %dma_wait3A_217 = tpu.memref_squeeze %dma_wait3A_216 : memref<1x32x16xf32, #tpu.memory_space<hbm>> -> memref<32x16xf32, #tpu.memory_space<hbm>>
          tpu.wait_dma2 semaphore(%arg21 : memref<!tpu.dma_semaphore, #tpu.memory_space<semaphore_mem>>) src(%dma_wait3A_217 : memref<32x16xf32, #tpu.memory_space<hbm>>) dst(%dma_wait3A_213 : memref<32x16xf32, #tpu.memory_space<vmem>>)
          %broadcast_in_dim3A_218 = arith.constant 1073741824 : i32
          %broadcast_in_dim3A_219 = vector.broadcast %broadcast_in_dim3A_218 : i32 to vector<16xi32>
          %scan3A_220 = arith.constant 0 : i32
          %scan3A_221 = arith.constant 32 : i32
          %scan3A_222 = arith.addi %scan3A_220, %scan3A_221 : i32
          %scan3A_223 = arith.constant 16 : i32
          %scan3A_224:2 = scf.for %scan3A_410 = %scan3A_220 to %scan3A_222 step %scan3A_223 iter_args(%scan3A_411 = %broadcast_in_dim3A_9, %scan3A_412 = %broadcast_in_dim3A_219) -> (vector<16xf32>, vector<16xi32>)  : i32 {
            %get3A = arith.index_cast %scan3A_410 : i32 to index
            %get3A_413 = arith.constant 0 : index
            %get3A_414 = tpu.vector_load %arg20[%get3A, %get3A_413] {strides = array<i32>} : memref<64x16xf32, #tpu.memory_space<vmem>>, vector<16xf32>,
            %get3A_415 = arith.index_cast %scan3A_410 : i32 to index
            %get3A_416 = arith.constant 0 : index
            %get3A_417 = tpu.vector_load %arg18[%get3A_415, %get3A_416] {strides = array<i32>} : memref<64x16xf32, #tpu.memory_space<vmem>>, vector<16xf32>,
            %add3A_418 = arith.addf %get3A_414, %get3A_417 : vector<16xf32>
            %mul3A = arith.constant 16 : i32
            %mul3A_419 = arith.muli %scan3A_410, %mul3A : i32
            %add3A_420 = vector.broadcast %mul3A_419 : i32 to vector<16xi32>
            %add3A_421 = arith.addi %iota3A, %add3A_420 : vector<16xi32>
            %lt3A_422 = arith.cmpf olt, %add3A_418, %scan3A_411 : vector<16xf32>
            %select_n3A_423 = arith.select %lt3A_422, %add3A_418, %scan3A_411 : vector<16xi1>, vector<16xf32>
            %select_n3A_424 = arith.select %lt3A_422, %add3A_421, %scan3A_412 : vector<16xi1>, vector<16xi32>
            %scan3A_425 = arith.constant 1 : i32
            %scan3A_426 = arith.addi %scan3A_410, %scan3A_425 : i32
            %get3A_427 = arith.index_cast %scan3A_426 : i32 to index
            %get3A_428 = arith.constant 0 : index
            %get3A_429 = tpu.vector_load %arg20[%get3A_427, %get3A_428] {strides = array<i32>} : memref<64x16xf32, #tpu.memory_space<vmem>>, vector<16xf32>,
            %get3A_430 = arith.index_cast %scan3A_426 : i32 to index
            %get3A_431 = arith.constant 0 : index
            %get3A_432 = tpu.vector_load %arg18[%get3A_430, %get3A_431] {strides = array<i32>} : memref<64x16xf32, #tpu.memory_space<vmem>>, vector<16xf32>,
            %add3A_433 = arith.addf %get3A_429, %get3A_432 : vector<16xf32>
            %mul3A_434 = arith.constant 16 : i32
            %mul3A_435 = arith.muli %scan3A_426, %mul3A_434 : i32
            %add3A_436 = vector.broadcast %mul3A_435 : i32 to vector<16xi32>
            %add3A_437 = arith.addi %iota3A, %add3A_436 : vector<16xi32>
            %lt3A_438 = arith.cmpf olt, %add3A_433, %select_n3A_423 : vector<16xf32>
            %select_n3A_439 = arith.select %lt3A_438, %add3A_433, %select_n3A_423 : vector<16xi1>, vector<16xf32>
            %select_n3A_440 = arith.select %lt3A_438, %add3A_437, %select_n3A_424 : vector<16xi1>, vector<16xi32>
            %scan3A_441 = arith.constant 2 : i32
            %scan3A_442 = arith.addi %scan3A_410, %scan3A_441 : i32
            %get3A_443 = arith.index_cast %scan3A_442 : i32 to index
            %get3A_444 = arith.constant 0 : index
            %get3A_445 = tpu.vector_load %arg20[%get3A_443, %get3A_444] {strides = array<i32>} : memref<64x16xf32, #tpu.memory_space<vmem>>, vector<16xf32>,
            %get3A_446 = arith.index_cast %scan3A_442 : i32 to index
            %get3A_447 = arith.constant 0 : index
            %get3A_448 = tpu.vector_load %arg18[%get3A_446, %get3A_447] {strides = array<i32>} : memref<64x16xf32, #tpu.memory_space<vmem>>, vector<16xf32>,
            %add3A_449 = arith.addf %get3A_445, %get3A_448 : vector<16xf32>
            %mul3A_450 = arith.constant 16 : i32
            %mul3A_451 = arith.muli %scan3A_442, %mul3A_450 : i32
            %add3A_452 = vector.broadcast %mul3A_451 : i32 to vector<16xi32>
            %add3A_453 = arith.addi %iota3A, %add3A_452 : vector<16xi32>
            %lt3A_454 = arith.cmpf olt, %add3A_449, %select_n3A_439 : vector<16xf32>
            %select_n3A_455 = arith.select %lt3A_454, %add3A_449, %select_n3A_439 : vector<16xi1>, vector<16xf32>
            %select_n3A_456 = arith.select %lt3A_454, %add3A_453, %select_n3A_440 : vector<16xi1>, vector<16xi32>
            %scan3A_457 = arith.constant 3 : i32
            %scan3A_458 = arith.addi %scan3A_410, %scan3A_457 : i32
            %get3A_459 = arith.index_cast %scan3A_458 : i32 to index
            %get3A_460 = arith.constant 0 : index
            %get3A_461 = tpu.vector_load %arg20[%get3A_459, %get3A_460] {strides = array<i32>} : memref<64x16xf32, #tpu.memory_space<vmem>>, vector<16xf32>,
            %get3A_462 = arith.index_cast %scan3A_458 : i32 to index
            %get3A_463 = arith.constant 0 : index
            %get3A_464 = tpu.vector_load %arg18[%get3A_462, %get3A_463] {strides = array<i32>} : memref<64x16xf32, #tpu.memory_space<vmem>>, vector<16xf32>,
            %add3A_465 = arith.addf %get3A_461, %get3A_464 : vector<16xf32>
            %mul3A_466 = arith.constant 16 : i32
            %mul3A_467 = arith.muli %scan3A_458, %mul3A_466 : i32
            %add3A_468 = vector.broadcast %mul3A_467 : i32 to vector<16xi32>
            %add3A_469 = arith.addi %iota3A, %add3A_468 : vector<16xi32>
            %lt3A_470 = arith.cmpf olt, %add3A_465, %select_n3A_455 : vector<16xf32>
            %select_n3A_471 = arith.select %lt3A_470, %add3A_465, %select_n3A_455 : vector<16xi1>, vector<16xf32>
            %select_n3A_472 = arith.select %lt3A_470, %add3A_469, %select_n3A_456 : vector<16xi1>, vector<16xi32>
            %scan3A_473 = arith.constant 4 : i32
            %scan3A_474 = arith.addi %scan3A_410, %scan3A_473 : i32
            %get3A_475 = arith.index_cast %scan3A_474 : i32 to index
            %get3A_476 = arith.constant 0 : index
            %get3A_477 = tpu.vector_load %arg20[%get3A_475, %get3A_476] {strides = array<i32>} : memref<64x16xf32, #tpu.memory_space<vmem>>, vector<16xf32>,
            %get3A_478 = arith.index_cast %scan3A_474 : i32 to index
            %get3A_479 = arith.constant 0 : index
            %get3A_480 = tpu.vector_load %arg18[%get3A_478, %get3A_479] {strides = array<i32>} : memref<64x16xf32, #tpu.memory_space<vmem>>, vector<16xf32>,
            %add3A_481 = arith.addf %get3A_477, %get3A_480 : vector<16xf32>
            %mul3A_482 = arith.constant 16 : i32
            %mul3A_483 = arith.muli %scan3A_474, %mul3A_482 : i32
            %add3A_484 = vector.broadcast %mul3A_483 : i32 to vector<16xi32>
            %add3A_485 = arith.addi %iota3A, %add3A_484 : vector<16xi32>
            %lt3A_486 = arith.cmpf olt, %add3A_481, %select_n3A_471 : vector<16xf32>
            %select_n3A_487 = arith.select %lt3A_486, %add3A_481, %select_n3A_471 : vector<16xi1>, vector<16xf32>
            %select_n3A_488 = arith.select %lt3A_486, %add3A_485, %select_n3A_472 : vector<16xi1>, vector<16xi32>
            %scan3A_489 = arith.constant 5 : i32
            %scan3A_490 = arith.addi %scan3A_410, %scan3A_489 : i32
            %get3A_491 = arith.index_cast %scan3A_490 : i32 to index
            %get3A_492 = arith.constant 0 : index
            %get3A_493 = tpu.vector_load %arg20[%get3A_491, %get3A_492] {strides = array<i32>} : memref<64x16xf32, #tpu.memory_space<vmem>>, vector<16xf32>,
            %get3A_494 = arith.index_cast %scan3A_490 : i32 to index
            %get3A_495 = arith.constant 0 : index
            %get3A_496 = tpu.vector_load %arg18[%get3A_494, %get3A_495] {strides = array<i32>} : memref<64x16xf32, #tpu.memory_space<vmem>>, vector<16xf32>,
            %add3A_497 = arith.addf %get3A_493, %get3A_496 : vector<16xf32>
            %mul3A_498 = arith.constant 16 : i32
            %mul3A_499 = arith.muli %scan3A_490, %mul3A_498 : i32
            %add3A_500 = vector.broadcast %mul3A_499 : i32 to vector<16xi32>
            %add3A_501 = arith.addi %iota3A, %add3A_500 : vector<16xi32>
            %lt3A_502 = arith.cmpf olt, %add3A_497, %select_n3A_487 : vector<16xf32>
            %select_n3A_503 = arith.select %lt3A_502, %add3A_497, %select_n3A_487 : vector<16xi1>, vector<16xf32>
            %select_n3A_504 = arith.select %lt3A_502, %add3A_501, %select_n3A_488 : vector<16xi1>, vector<16xi32>
            %scan3A_505 = arith.constant 6 : i32
            %scan3A_506 = arith.addi %scan3A_410, %scan3A_505 : i32
            %get3A_507 = arith.index_cast %scan3A_506 : i32 to index
            %get3A_508 = arith.constant 0 : index
            %get3A_509 = tpu.vector_load %arg20[%get3A_507, %get3A_508] {strides = array<i32>} : memref<64x16xf32, #tpu.memory_space<vmem>>, vector<16xf32>,
            %get3A_510 = arith.index_cast %scan3A_506 : i32 to index
            %get3A_511 = arith.constant 0 : index
            %get3A_512 = tpu.vector_load %arg18[%get3A_510, %get3A_511] {strides = array<i32>} : memref<64x16xf32, #tpu.memory_space<vmem>>, vector<16xf32>,
            %add3A_513 = arith.addf %get3A_509, %get3A_512 : vector<16xf32>
            %mul3A_514 = arith.constant 16 : i32
            %mul3A_515 = arith.muli %scan3A_506, %mul3A_514 : i32
            %add3A_516 = vector.broadcast %mul3A_515 : i32 to vector<16xi32>
            %add3A_517 = arith.addi %iota3A, %add3A_516 : vector<16xi32>
            %lt3A_518 = arith.cmpf olt, %add3A_513, %select_n3A_503 : vector<16xf32>
            %select_n3A_519 = arith.select %lt3A_518, %add3A_513, %select_n3A_503 : vector<16xi1>, vector<16xf32>
            %select_n3A_520 = arith.select %lt3A_518, %add3A_517, %select_n3A_504 : vector<16xi1>, vector<16xi32>
            %scan3A_521 = arith.constant 7 : i32
            %scan3A_522 = arith.addi %scan3A_410, %scan3A_521 : i32
            %get3A_523 = arith.index_cast %scan3A_522 : i32 to index
            %get3A_524 = arith.constant 0 : index
            %get3A_525 = tpu.vector_load %arg20[%get3A_523, %get3A_524] {strides = array<i32>} : memref<64x16xf32, #tpu.memory_space<vmem>>, vector<16xf32>,
            %get3A_526 = arith.index_cast %scan3A_522 : i32 to index
            %get3A_527 = arith.constant 0 : index
            %get3A_528 = tpu.vector_load %arg18[%get3A_526, %get3A_527] {strides = array<i32>} : memref<64x16xf32, #tpu.memory_space<vmem>>, vector<16xf32>,
            %add3A_529 = arith.addf %get3A_525, %get3A_528 : vector<16xf32>
            %mul3A_530 = arith.constant 16 : i32
            %mul3A_531 = arith.muli %scan3A_522, %mul3A_530 : i32
            %add3A_532 = vector.broadcast %mul3A_531 : i32 to vector<16xi32>
            %add3A_533 = arith.addi %iota3A, %add3A_532 : vector<16xi32>
            %lt3A_534 = arith.cmpf olt, %add3A_529, %select_n3A_519 : vector<16xf32>
            %select_n3A_535 = arith.select %lt3A_534, %add3A_529, %select_n3A_519 : vector<16xi1>, vector<16xf32>
            %select_n3A_536 = arith.select %lt3A_534, %add3A_533, %select_n3A_520 : vector<16xi1>, vector<16xi32>
            %scan3A_537 = arith.constant 8 : i32
            %scan3A_538 = arith.addi %scan3A_410, %scan3A_537 : i32
            %get3A_539 = arith.index_cast %scan3A_538 : i32 to index
            %get3A_540 = arith.constant 0 : index
            %get3A_541 = tpu.vector_load %arg20[%get3A_539, %get3A_540] {strides = array<i32>} : memref<64x16xf32, #tpu.memory_space<vmem>>, vector<16xf32>,
            %get3A_542 = arith.index_cast %scan3A_538 : i32 to index
            %get3A_543 = arith.constant 0 : index
            %get3A_544 = tpu.vector_load %arg18[%get3A_542, %get3A_543] {strides = array<i32>} : memref<64x16xf32, #tpu.memory_space<vmem>>, vector<16xf32>,
            %add3A_545 = arith.addf %get3A_541, %get3A_544 : vector<16xf32>
            %mul3A_546 = arith.constant 16 : i32
            %mul3A_547 = arith.muli %scan3A_538, %mul3A_546 : i32
            %add3A_548 = vector.broadcast %mul3A_547 : i32 to vector<16xi32>
            %add3A_549 = arith.addi %iota3A, %add3A_548 : vector<16xi32>
            %lt3A_550 = arith.cmpf olt, %add3A_545, %select_n3A_535 : vector<16xf32>
            %select_n3A_551 = arith.select %lt3A_550, %add3A_545, %select_n3A_535 : vector<16xi1>, vector<16xf32>
            %select_n3A_552 = arith.select %lt3A_550, %add3A_549, %select_n3A_536 : vector<16xi1>, vector<16xi32>
            %scan3A_553 = arith.constant 9 : i32
            %scan3A_554 = arith.addi %scan3A_410, %scan3A_553 : i32
            %get3A_555 = arith.index_cast %scan3A_554 : i32 to index
            %get3A_556 = arith.constant 0 : index
            %get3A_557 = tpu.vector_load %arg20[%get3A_555, %get3A_556] {strides = array<i32>} : memref<64x16xf32, #tpu.memory_space<vmem>>, vector<16xf32>,
            %get3A_558 = arith.index_cast %scan3A_554 : i32 to index
            %get3A_559 = arith.constant 0 : index
            %get3A_560 = tpu.vector_load %arg18[%get3A_558, %get3A_559] {strides = array<i32>} : memref<64x16xf32, #tpu.memory_space<vmem>>, vector<16xf32>,
            %add3A_561 = arith.addf %get3A_557, %get3A_560 : vector<16xf32>
            %mul3A_562 = arith.constant 16 : i32
            %mul3A_563 = arith.muli %scan3A_554, %mul3A_562 : i32
            %add3A_564 = vector.broadcast %mul3A_563 : i32 to vector<16xi32>
            %add3A_565 = arith.addi %iota3A, %add3A_564 : vector<16xi32>
            %lt3A_566 = arith.cmpf olt, %add3A_561, %select_n3A_551 : vector<16xf32>
            %select_n3A_567 = arith.select %lt3A_566, %add3A_561, %select_n3A_551 : vector<16xi1>, vector<16xf32>
            %select_n3A_568 = arith.select %lt3A_566, %add3A_565, %select_n3A_552 : vector<16xi1>, vector<16xi32>
            %scan3A_569 = arith.constant 10 : i32
            %scan3A_570 = arith.addi %scan3A_410, %scan3A_569 : i32
            %get3A_571 = arith.index_cast %scan3A_570 : i32 to index
            %get3A_572 = arith.constant 0 : index
            %get3A_573 = tpu.vector_load %arg20[%get3A_571, %get3A_572] {strides = array<i32>} : memref<64x16xf32, #tpu.memory_space<vmem>>, vector<16xf32>,
            %get3A_574 = arith.index_cast %scan3A_570 : i32 to index
            %get3A_575 = arith.constant 0 : index
            %get3A_576 = tpu.vector_load %arg18[%get3A_574, %get3A_575] {strides = array<i32>} : memref<64x16xf32, #tpu.memory_space<vmem>>, vector<16xf32>,
            %add3A_577 = arith.addf %get3A_573, %get3A_576 : vector<16xf32>
            %mul3A_578 = arith.constant 16 : i32
            %mul3A_579 = arith.muli %scan3A_570, %mul3A_578 : i32
            %add3A_580 = vector.broadcast %mul3A_579 : i32 to vector<16xi32>
            %add3A_581 = arith.addi %iota3A, %add3A_580 : vector<16xi32>
            %lt3A_582 = arith.cmpf olt, %add3A_577, %select_n3A_567 : vector<16xf32>
            %select_n3A_583 = arith.select %lt3A_582, %add3A_577, %select_n3A_567 : vector<16xi1>, vector<16xf32>
            %select_n3A_584 = arith.select %lt3A_582, %add3A_581, %select_n3A_568 : vector<16xi1>, vector<16xi32>
            %scan3A_585 = arith.constant 11 : i32
            %scan3A_586 = arith.addi %scan3A_410, %scan3A_585 : i32
            %get3A_587 = arith.index_cast %scan3A_586 : i32 to index
            %get3A_588 = arith.constant 0 : index
            %get3A_589 = tpu.vector_load %arg20[%get3A_587, %get3A_588] {strides = array<i32>} : memref<64x16xf32, #tpu.memory_space<vmem>>, vector<16xf32>,
            %get3A_590 = arith.index_cast %scan3A_586 : i32 to index
            %get3A_591 = arith.constant 0 : index
            %get3A_592 = tpu.vector_load %arg18[%get3A_590, %get3A_591] {strides = array<i32>} : memref<64x16xf32, #tpu.memory_space<vmem>>, vector<16xf32>,
            %add3A_593 = arith.addf %get3A_589, %get3A_592 : vector<16xf32>
            %mul3A_594 = arith.constant 16 : i32
            %mul3A_595 = arith.muli %scan3A_586, %mul3A_594 : i32
            %add3A_596 = vector.broadcast %mul3A_595 : i32 to vector<16xi32>
            %add3A_597 = arith.addi %iota3A, %add3A_596 : vector<16xi32>
            %lt3A_598 = arith.cmpf olt, %add3A_593, %select_n3A_583 : vector<16xf32>
            %select_n3A_599 = arith.select %lt3A_598, %add3A_593, %select_n3A_583 : vector<16xi1>, vector<16xf32>
            %select_n3A_600 = arith.select %lt3A_598, %add3A_597, %select_n3A_584 : vector<16xi1>, vector<16xi32>
            %scan3A_601 = arith.constant 12 : i32
            %scan3A_602 = arith.addi %scan3A_410, %scan3A_601 : i32
            %get3A_603 = arith.index_cast %scan3A_602 : i32 to index
            %get3A_604 = arith.constant 0 : index
            %get3A_605 = tpu.vector_load %arg20[%get3A_603, %get3A_604] {strides = array<i32>} : memref<64x16xf32, #tpu.memory_space<vmem>>, vector<16xf32>,
            %get3A_606 = arith.index_cast %scan3A_602 : i32 to index
            %get3A_607 = arith.constant 0 : index
            %get3A_608 = tpu.vector_load %arg18[%get3A_606, %get3A_607] {strides = array<i32>} : memref<64x16xf32, #tpu.memory_space<vmem>>, vector<16xf32>,
            %add3A_609 = arith.addf %get3A_605, %get3A_608 : vector<16xf32>
            %mul3A_610 = arith.constant 16 : i32
            %mul3A_611 = arith.muli %scan3A_602, %mul3A_610 : i32
            %add3A_612 = vector.broadcast %mul3A_611 : i32 to vector<16xi32>
            %add3A_613 = arith.addi %iota3A, %add3A_612 : vector<16xi32>
            %lt3A_614 = arith.cmpf olt, %add3A_609, %select_n3A_599 : vector<16xf32>
            %select_n3A_615 = arith.select %lt3A_614, %add3A_609, %select_n3A_599 : vector<16xi1>, vector<16xf32>
            %select_n3A_616 = arith.select %lt3A_614, %add3A_613, %select_n3A_600 : vector<16xi1>, vector<16xi32>
            %scan3A_617 = arith.constant 13 : i32
            %scan3A_618 = arith.addi %scan3A_410, %scan3A_617 : i32
            %get3A_619 = arith.index_cast %scan3A_618 : i32 to index
            %get3A_620 = arith.constant 0 : index
            %get3A_621 = tpu.vector_load %arg20[%get3A_619, %get3A_620] {strides = array<i32>} : memref<64x16xf32, #tpu.memory_space<vmem>>, vector<16xf32>,
            %get3A_622 = arith.index_cast %scan3A_618 : i32 to index
            %get3A_623 = arith.constant 0 : index
            %get3A_624 = tpu.vector_load %arg18[%get3A_622, %get3A_623] {strides = array<i32>} : memref<64x16xf32, #tpu.memory_space<vmem>>, vector<16xf32>,
            %add3A_625 = arith.addf %get3A_621, %get3A_624 : vector<16xf32>
            %mul3A_626 = arith.constant 16 : i32
            %mul3A_627 = arith.muli %scan3A_618, %mul3A_626 : i32
            %add3A_628 = vector.broadcast %mul3A_627 : i32 to vector<16xi32>
            %add3A_629 = arith.addi %iota3A, %add3A_628 : vector<16xi32>
            %lt3A_630 = arith.cmpf olt, %add3A_625, %select_n3A_615 : vector<16xf32>
            %select_n3A_631 = arith.select %lt3A_630, %add3A_625, %select_n3A_615 : vector<16xi1>, vector<16xf32>
            %select_n3A_632 = arith.select %lt3A_630, %add3A_629, %select_n3A_616 : vector<16xi1>, vector<16xi32>
            %scan3A_633 = arith.constant 14 : i32
            %scan3A_634 = arith.addi %scan3A_410, %scan3A_633 : i32
            %get3A_635 = arith.index_cast %scan3A_634 : i32 to index
            %get3A_636 = arith.constant 0 : index
            %get3A_637 = tpu.vector_load %arg20[%get3A_635, %get3A_636] {strides = array<i32>} : memref<64x16xf32, #tpu.memory_space<vmem>>, vector<16xf32>,
            %get3A_638 = arith.index_cast %scan3A_634 : i32 to index
            %get3A_639 = arith.constant 0 : index
            %get3A_640 = tpu.vector_load %arg18[%get3A_638, %get3A_639] {strides = array<i32>} : memref<64x16xf32, #tpu.memory_space<vmem>>, vector<16xf32>,
            %add3A_641 = arith.addf %get3A_637, %get3A_640 : vector<16xf32>
            %mul3A_642 = arith.constant 16 : i32
            %mul3A_643 = arith.muli %scan3A_634, %mul3A_642 : i32
            %add3A_644 = vector.broadcast %mul3A_643 : i32 to vector<16xi32>
            %add3A_645 = arith.addi %iota3A, %add3A_644 : vector<16xi32>
            %lt3A_646 = arith.cmpf olt, %add3A_641, %select_n3A_631 : vector<16xf32>
            %select_n3A_647 = arith.select %lt3A_646, %add3A_641, %select_n3A_631 : vector<16xi1>, vector<16xf32>
            %select_n3A_648 = arith.select %lt3A_646, %add3A_645, %select_n3A_632 : vector<16xi1>, vector<16xi32>
            %scan3A_649 = arith.constant 15 : i32
            %scan3A_650 = arith.addi %scan3A_410, %scan3A_649 : i32
            %get3A_651 = arith.index_cast %scan3A_650 : i32 to index
            %get3A_652 = arith.constant 0 : index
            %get3A_653 = tpu.vector_load %arg20[%get3A_651, %get3A_652] {strides = array<i32>} : memref<64x16xf32, #tpu.memory_space<vmem>>, vector<16xf32>,
            %get3A_654 = arith.index_cast %scan3A_650 : i32 to index
            %get3A_655 = arith.constant 0 : index
            %get3A_656 = tpu.vector_load %arg18[%get3A_654, %get3A_655] {strides = array<i32>} : memref<64x16xf32, #tpu.memory_space<vmem>>, vector<16xf32>,
            %add3A_657 = arith.addf %get3A_653, %get3A_656 : vector<16xf32>
            %mul3A_658 = arith.constant 16 : i32
            %mul3A_659 = arith.muli %scan3A_650, %mul3A_658 : i32
            %add3A_660 = vector.broadcast %mul3A_659 : i32 to vector<16xi32>
            %add3A_661 = arith.addi %iota3A, %add3A_660 : vector<16xi32>
            %lt3A_662 = arith.cmpf olt, %add3A_657, %select_n3A_647 : vector<16xf32>
            %select_n3A_663 = arith.select %lt3A_662, %add3A_657, %select_n3A_647 : vector<16xi1>, vector<16xf32>
            %select_n3A_664 = arith.select %lt3A_662, %add3A_661, %select_n3A_648 : vector<16xi1>, vector<16xi32>
            scf.yield %select_n3A_663, %select_n3A_664 : vector<16xf32>, vector<16xi32>
          }
          %scan3A_225 = arith.constant 32 : i32
          %dma_wait3A_226 = arith.constant 0 : i32
          %dma_wait3A_227 = arith.constant 32 : i32
          %dma_wait3A_228 = arith.constant 0 : i32
          %dma_wait3A_229 = tpu.memref_slice %arg20[%dma_wait3A_227, %dma_wait3A_228] : memref<64x16xf32, #tpu.memory_space<vmem>> -> memref<32x16xf32, #tpu.memory_space<vmem>>
          %dma_wait3A_230 = arith.constant 32 : i32
          %dma_wait3A_231 = arith.constant 0 : i32
          %dma_wait3A_232 = tpu.memref_slice %arg2[%dma_wait3A_226, %dma_wait3A_230, %dma_wait3A_231] : memref<1024x64x16xf32, #tpu.memory_space<hbm>> -> memref<1x32x16xf32, #tpu.memory_space<hbm>>
          %dma_wait3A_233 = tpu.memref_squeeze %dma_wait3A_232 : memref<1x32x16xf32, #tpu.memory_space<hbm>> -> memref<32x16xf32, #tpu.memory_space<hbm>>
          %dma_wait3A_234 = arith.constant 32 : i32
          %dma_wait3A_235 = arith.constant 0 : i32
          %dma_wait3A_236 = tpu.memref_slice %arg20[%dma_wait3A_234, %dma_wait3A_235] : memref<64x16xf32, #tpu.memory_space<vmem>> -> memref<32x16xf32, #tpu.memory_space<vmem>>
          %dma_wait3A_237 = arith.constant 32 : i32
          %dma_wait3A_238 = arith.constant 0 : i32
          %dma_wait3A_239 = tpu.memref_slice %arg2[%dma_wait3A_226, %dma_wait3A_237, %dma_wait3A_238] : memref<1024x64x16xf32, #tpu.memory_space<hbm>> -> memref<1x32x16xf32, #tpu.memory_space<hbm>>
          %dma_wait3A_240 = tpu.memref_squeeze %dma_wait3A_239 : memref<1x32x16xf32, #tpu.memory_space<hbm>> -> memref<32x16xf32, #tpu.memory_space<hbm>>
          tpu.wait_dma2 semaphore(%arg22 : memref<!tpu.dma_semaphore, #tpu.memory_space<semaphore_mem>>) src(%dma_wait3A_240 : memref<32x16xf32, #tpu.memory_space<hbm>>) dst(%dma_wait3A_236 : memref<32x16xf32, #tpu.memory_space<vmem>>)
          %scan3A_241 = arith.constant 32 : i32
          %scan3A_242 = arith.constant 32 : i32
          %scan3A_243 = arith.addi %scan3A_241, %scan3A_242 : i32
          %scan3A_244 = arith.constant 16 : i32
          %scan3A_245:2 = scf.for %scan3A_410 = %scan3A_241 to %scan3A_243 step %scan3A_244 iter_args(%scan3A_411 = %scan3A_224#0, %scan3A_412 = %scan3A_224#1) -> (vector<16xf32>, vector<16xi32>)  : i32 {
            %get3A = arith.index_cast %scan3A_410 : i32 to index
            %get3A_413 = arith.constant 0 : index
            %get3A_414 = tpu.vector_load %arg20[%get3A, %get3A_413] {strides = array<i32>} : memref<64x16xf32, #tpu.memory_space<vmem>>, vector<16xf32>,
            %get3A_415 = arith.index_cast %scan3A_410 : i32 to index
            %get3A_416 = arith.constant 0 : index
            %get3A_417 = tpu.vector_load %arg18[%get3A_415, %get3A_416] {strides = array<i32>} : memref<64x16xf32, #tpu.memory_space<vmem>>, vector<16xf32>,
            %add3A_418 = arith.addf %get3A_414, %get3A_417 : vector<16xf32>
            %mul3A = arith.constant 16 : i32
            %mul3A_419 = arith.muli %scan3A_410, %mul3A : i32
            %add3A_420 = vector.broadcast %mul3A_419 : i32 to vector<16xi32>
            %add3A_421 = arith.addi %iota3A, %add3A_420 : vector<16xi32>
            %lt3A_422 = arith.cmpf olt, %add3A_418, %scan3A_411 : vector<16xf32>
            %select_n3A_423 = arith.select %lt3A_422, %add3A_418, %scan3A_411 : vector<16xi1>, vector<16xf32>
            %select_n3A_424 = arith.select %lt3A_422, %add3A_421, %scan3A_412 : vector<16xi1>, vector<16xi32>
            %scan3A_425 = arith.constant 1 : i32
            %scan3A_426 = arith.addi %scan3A_410, %scan3A_425 : i32
            %get3A_427 = arith.index_cast %scan3A_426 : i32 to index
            %get3A_428 = arith.constant 0 : index
            %get3A_429 = tpu.vector_load %arg20[%get3A_427, %get3A_428] {strides = array<i32>} : memref<64x16xf32, #tpu.memory_space<vmem>>, vector<16xf32>,
            %get3A_430 = arith.index_cast %scan3A_426 : i32 to index
            %get3A_431 = arith.constant 0 : index
            %get3A_432 = tpu.vector_load %arg18[%get3A_430, %get3A_431] {strides = array<i32>} : memref<64x16xf32, #tpu.memory_space<vmem>>, vector<16xf32>,
            %add3A_433 = arith.addf %get3A_429, %get3A_432 : vector<16xf32>
            %mul3A_434 = arith.constant 16 : i32
            %mul3A_435 = arith.muli %scan3A_426, %mul3A_434 : i32
            %add3A_436 = vector.broadcast %mul3A_435 : i32 to vector<16xi32>
            %add3A_437 = arith.addi %iota3A, %add3A_436 : vector<16xi32>
            %lt3A_438 = arith.cmpf olt, %add3A_433, %select_n3A_423 : vector<16xf32>
            %select_n3A_439 = arith.select %lt3A_438, %add3A_433, %select_n3A_423 : vector<16xi1>, vector<16xf32>
            %select_n3A_440 = arith.select %lt3A_438, %add3A_437, %select_n3A_424 : vector<16xi1>, vector<16xi32>
            %scan3A_441 = arith.constant 2 : i32
            %scan3A_442 = arith.addi %scan3A_410, %scan3A_441 : i32
            %get3A_443 = arith.index_cast %scan3A_442 : i32 to index
            %get3A_444 = arith.constant 0 : index
            %get3A_445 = tpu.vector_load %arg20[%get3A_443, %get3A_444] {strides = array<i32>} : memref<64x16xf32, #tpu.memory_space<vmem>>, vector<16xf32>,
            %get3A_446 = arith.index_cast %scan3A_442 : i32 to index
            %get3A_447 = arith.constant 0 : index
            %get3A_448 = tpu.vector_load %arg18[%get3A_446, %get3A_447] {strides = array<i32>} : memref<64x16xf32, #tpu.memory_space<vmem>>, vector<16xf32>,
            %add3A_449 = arith.addf %get3A_445, %get3A_448 : vector<16xf32>
            %mul3A_450 = arith.constant 16 : i32
            %mul3A_451 = arith.muli %scan3A_442, %mul3A_450 : i32
            %add3A_452 = vector.broadcast %mul3A_451 : i32 to vector<16xi32>
            %add3A_453 = arith.addi %iota3A, %add3A_452 : vector<16xi32>
            %lt3A_454 = arith.cmpf olt, %add3A_449, %select_n3A_439 : vector<16xf32>
            %select_n3A_455 = arith.select %lt3A_454, %add3A_449, %select_n3A_439 : vector<16xi1>, vector<16xf32>
            %select_n3A_456 = arith.select %lt3A_454, %add3A_453, %select_n3A_440 : vector<16xi1>, vector<16xi32>
            %scan3A_457 = arith.constant 3 : i32
            %scan3A_458 = arith.addi %scan3A_410, %scan3A_457 : i32
            %get3A_459 = arith.index_cast %scan3A_458 : i32 to index
            %get3A_460 = arith.constant 0 : index
            %get3A_461 = tpu.vector_load %arg20[%get3A_459, %get3A_460] {strides = array<i32>} : memref<64x16xf32, #tpu.memory_space<vmem>>, vector<16xf32>,
            %get3A_462 = arith.index_cast %scan3A_458 : i32 to index
            %get3A_463 = arith.constant 0 : index
            %get3A_464 = tpu.vector_load %arg18[%get3A_462, %get3A_463] {strides = array<i32>} : memref<64x16xf32, #tpu.memory_space<vmem>>, vector<16xf32>,
            %add3A_465 = arith.addf %get3A_461, %get3A_464 : vector<16xf32>
            %mul3A_466 = arith.constant 16 : i32
            %mul3A_467 = arith.muli %scan3A_458, %mul3A_466 : i32
            %add3A_468 = vector.broadcast %mul3A_467 : i32 to vector<16xi32>
            %add3A_469 = arith.addi %iota3A, %add3A_468 : vector<16xi32>
            %lt3A_470 = arith.cmpf olt, %add3A_465, %select_n3A_455 : vector<16xf32>
            %select_n3A_471 = arith.select %lt3A_470, %add3A_465, %select_n3A_455 : vector<16xi1>, vector<16xf32>
            %select_n3A_472 = arith.select %lt3A_470, %add3A_469, %select_n3A_456 : vector<16xi1>, vector<16xi32>
            %scan3A_473 = arith.constant 4 : i32
            %scan3A_474 = arith.addi %scan3A_410, %scan3A_473 : i32
            %get3A_475 = arith.index_cast %scan3A_474 : i32 to index
            %get3A_476 = arith.constant 0 : index
            %get3A_477 = tpu.vector_load %arg20[%get3A_475, %get3A_476] {strides = array<i32>} : memref<64x16xf32, #tpu.memory_space<vmem>>, vector<16xf32>,
            %get3A_478 = arith.index_cast %scan3A_474 : i32 to index
            %get3A_479 = arith.constant 0 : index
            %get3A_480 = tpu.vector_load %arg18[%get3A_478, %get3A_479] {strides = array<i32>} : memref<64x16xf32, #tpu.memory_space<vmem>>, vector<16xf32>,
            %add3A_481 = arith.addf %get3A_477, %get3A_480 : vector<16xf32>
            %mul3A_482 = arith.constant 16 : i32
            %mul3A_483 = arith.muli %scan3A_474, %mul3A_482 : i32
            %add3A_484 = vector.broadcast %mul3A_483 : i32 to vector<16xi32>
            %add3A_485 = arith.addi %iota3A, %add3A_484 : vector<16xi32>
            %lt3A_486 = arith.cmpf olt, %add3A_481, %select_n3A_471 : vector<16xf32>
            %select_n3A_487 = arith.select %lt3A_486, %add3A_481, %select_n3A_471 : vector<16xi1>, vector<16xf32>
            %select_n3A_488 = arith.select %lt3A_486, %add3A_485, %select_n3A_472 : vector<16xi1>, vector<16xi32>
            %scan3A_489 = arith.constant 5 : i32
            %scan3A_490 = arith.addi %scan3A_410, %scan3A_489 : i32
            %get3A_491 = arith.index_cast %scan3A_490 : i32 to index
            %get3A_492 = arith.constant 0 : index
            %get3A_493 = tpu.vector_load %arg20[%get3A_491, %get3A_492] {strides = array<i32>} : memref<64x16xf32, #tpu.memory_space<vmem>>, vector<16xf32>,
            %get3A_494 = arith.index_cast %scan3A_490 : i32 to index
            %get3A_495 = arith.constant 0 : index
            %get3A_496 = tpu.vector_load %arg18[%get3A_494, %get3A_495] {strides = array<i32>} : memref<64x16xf32, #tpu.memory_space<vmem>>, vector<16xf32>,
            %add3A_497 = arith.addf %get3A_493, %get3A_496 : vector<16xf32>
            %mul3A_498 = arith.constant 16 : i32
            %mul3A_499 = arith.muli %scan3A_490, %mul3A_498 : i32
            %add3A_500 = vector.broadcast %mul3A_499 : i32 to vector<16xi32>
            %add3A_501 = arith.addi %iota3A, %add3A_500 : vector<16xi32>
            %lt3A_502 = arith.cmpf olt, %add3A_497, %select_n3A_487 : vector<16xf32>
            %select_n3A_503 = arith.select %lt3A_502, %add3A_497, %select_n3A_487 : vector<16xi1>, vector<16xf32>
            %select_n3A_504 = arith.select %lt3A_502, %add3A_501, %select_n3A_488 : vector<16xi1>, vector<16xi32>
            %scan3A_505 = arith.constant 6 : i32
            %scan3A_506 = arith.addi %scan3A_410, %scan3A_505 : i32
            %get3A_507 = arith.index_cast %scan3A_506 : i32 to index
            %get3A_508 = arith.constant 0 : index
            %get3A_509 = tpu.vector_load %arg20[%get3A_507, %get3A_508] {strides = array<i32>} : memref<64x16xf32, #tpu.memory_space<vmem>>, vector<16xf32>,
            %get3A_510 = arith.index_cast %scan3A_506 : i32 to index
            %get3A_511 = arith.constant 0 : index
            %get3A_512 = tpu.vector_load %arg18[%get3A_510, %get3A_511] {strides = array<i32>} : memref<64x16xf32, #tpu.memory_space<vmem>>, vector<16xf32>,
            %add3A_513 = arith.addf %get3A_509, %get3A_512 : vector<16xf32>
            %mul3A_514 = arith.constant 16 : i32
            %mul3A_515 = arith.muli %scan3A_506, %mul3A_514 : i32
            %add3A_516 = vector.broadcast %mul3A_515 : i32 to vector<16xi32>
            %add3A_517 = arith.addi %iota3A, %add3A_516 : vector<16xi32>
            %lt3A_518 = arith.cmpf olt, %add3A_513, %select_n3A_503 : vector<16xf32>
            %select_n3A_519 = arith.select %lt3A_518, %add3A_513, %select_n3A_503 : vector<16xi1>, vector<16xf32>
            %select_n3A_520 = arith.select %lt3A_518, %add3A_517, %select_n3A_504 : vector<16xi1>, vector<16xi32>
            %scan3A_521 = arith.constant 7 : i32
            %scan3A_522 = arith.addi %scan3A_410, %scan3A_521 : i32
            %get3A_523 = arith.index_cast %scan3A_522 : i32 to index
            %get3A_524 = arith.constant 0 : index
            %get3A_525 = tpu.vector_load %arg20[%get3A_523, %get3A_524] {strides = array<i32>} : memref<64x16xf32, #tpu.memory_space<vmem>>, vector<16xf32>,
            %get3A_526 = arith.index_cast %scan3A_522 : i32 to index
            %get3A_527 = arith.constant 0 : index
            %get3A_528 = tpu.vector_load %arg18[%get3A_526, %get3A_527] {strides = array<i32>} : memref<64x16xf32, #tpu.memory_space<vmem>>, vector<16xf32>,
            %add3A_529 = arith.addf %get3A_525, %get3A_528 : vector<16xf32>
            %mul3A_530 = arith.constant 16 : i32
            %mul3A_531 = arith.muli %scan3A_522, %mul3A_530 : i32
            %add3A_532 = vector.broadcast %mul3A_531 : i32 to vector<16xi32>
            %add3A_533 = arith.addi %iota3A, %add3A_532 : vector<16xi32>
            %lt3A_534 = arith.cmpf olt, %add3A_529, %select_n3A_519 : vector<16xf32>
            %select_n3A_535 = arith.select %lt3A_534, %add3A_529, %select_n3A_519 : vector<16xi1>, vector<16xf32>
            %select_n3A_536 = arith.select %lt3A_534, %add3A_533, %select_n3A_520 : vector<16xi1>, vector<16xi32>
            %scan3A_537 = arith.constant 8 : i32
            %scan3A_538 = arith.addi %scan3A_410, %scan3A_537 : i32
            %get3A_539 = arith.index_cast %scan3A_538 : i32 to index
            %get3A_540 = arith.constant 0 : index
            %get3A_541 = tpu.vector_load %arg20[%get3A_539, %get3A_540] {strides = array<i32>} : memref<64x16xf32, #tpu.memory_space<vmem>>, vector<16xf32>,
            %get3A_542 = arith.index_cast %scan3A_538 : i32 to index
            %get3A_543 = arith.constant 0 : index
            %get3A_544 = tpu.vector_load %arg18[%get3A_542, %get3A_543] {strides = array<i32>} : memref<64x16xf32, #tpu.memory_space<vmem>>, vector<16xf32>,
            %add3A_545 = arith.addf %get3A_541, %get3A_544 : vector<16xf32>
            %mul3A_546 = arith.constant 16 : i32
            %mul3A_547 = arith.muli %scan3A_538, %mul3A_546 : i32
            %add3A_548 = vector.broadcast %mul3A_547 : i32 to vector<16xi32>
            %add3A_549 = arith.addi %iota3A, %add3A_548 : vector<16xi32>
            %lt3A_550 = arith.cmpf olt, %add3A_545, %select_n3A_535 : vector<16xf32>
            %select_n3A_551 = arith.select %lt3A_550, %add3A_545, %select_n3A_535 : vector<16xi1>, vector<16xf32>
            %select_n3A_552 = arith.select %lt3A_550, %add3A_549, %select_n3A_536 : vector<16xi1>, vector<16xi32>
            %scan3A_553 = arith.constant 9 : i32
            %scan3A_554 = arith.addi %scan3A_410, %scan3A_553 : i32
            %get3A_555 = arith.index_cast %scan3A_554 : i32 to index
            %get3A_556 = arith.constant 0 : index
            %get3A_557 = tpu.vector_load %arg20[%get3A_555, %get3A_556] {strides = array<i32>} : memref<64x16xf32, #tpu.memory_space<vmem>>, vector<16xf32>,
            %get3A_558 = arith.index_cast %scan3A_554 : i32 to index
            %get3A_559 = arith.constant 0 : index
            %get3A_560 = tpu.vector_load %arg18[%get3A_558, %get3A_559] {strides = array<i32>} : memref<64x16xf32, #tpu.memory_space<vmem>>, vector<16xf32>,
            %add3A_561 = arith.addf %get3A_557, %get3A_560 : vector<16xf32>
            %mul3A_562 = arith.constant 16 : i32
            %mul3A_563 = arith.muli %scan3A_554, %mul3A_562 : i32
            %add3A_564 = vector.broadcast %mul3A_563 : i32 to vector<16xi32>
            %add3A_565 = arith.addi %iota3A, %add3A_564 : vector<16xi32>
            %lt3A_566 = arith.cmpf olt, %add3A_561, %select_n3A_551 : vector<16xf32>
            %select_n3A_567 = arith.select %lt3A_566, %add3A_561, %select_n3A_551 : vector<16xi1>, vector<16xf32>
            %select_n3A_568 = arith.select %lt3A_566, %add3A_565, %select_n3A_552 : vector<16xi1>, vector<16xi32>
            %scan3A_569 = arith.constant 10 : i32
            %scan3A_570 = arith.addi %scan3A_410, %scan3A_569 : i32
            %get3A_571 = arith.index_cast %scan3A_570 : i32 to index
            %get3A_572 = arith.constant 0 : index
            %get3A_573 = tpu.vector_load %arg20[%get3A_571, %get3A_572] {strides = array<i32>} : memref<64x16xf32, #tpu.memory_space<vmem>>, vector<16xf32>,
            %get3A_574 = arith.index_cast %scan3A_570 : i32 to index
            %get3A_575 = arith.constant 0 : index
            %get3A_576 = tpu.vector_load %arg18[%get3A_574, %get3A_575] {strides = array<i32>} : memref<64x16xf32, #tpu.memory_space<vmem>>, vector<16xf32>,
            %add3A_577 = arith.addf %get3A_573, %get3A_576 : vector<16xf32>
            %mul3A_578 = arith.constant 16 : i32
            %mul3A_579 = arith.muli %scan3A_570, %mul3A_578 : i32
            %add3A_580 = vector.broadcast %mul3A_579 : i32 to vector<16xi32>
            %add3A_581 = arith.addi %iota3A, %add3A_580 : vector<16xi32>
            %lt3A_582 = arith.cmpf olt, %add3A_577, %select_n3A_567 : vector<16xf32>
            %select_n3A_583 = arith.select %lt3A_582, %add3A_577, %select_n3A_567 : vector<16xi1>, vector<16xf32>
            %select_n3A_584 = arith.select %lt3A_582, %add3A_581, %select_n3A_568 : vector<16xi1>, vector<16xi32>
            %scan3A_585 = arith.constant 11 : i32
            %scan3A_586 = arith.addi %scan3A_410, %scan3A_585 : i32
            %get3A_587 = arith.index_cast %scan3A_586 : i32 to index
            %get3A_588 = arith.constant 0 : index
            %get3A_589 = tpu.vector_load %arg20[%get3A_587, %get3A_588] {strides = array<i32>} : memref<64x16xf32, #tpu.memory_space<vmem>>, vector<16xf32>,
            %get3A_590 = arith.index_cast %scan3A_586 : i32 to index
            %get3A_591 = arith.constant 0 : index
            %get3A_592 = tpu.vector_load %arg18[%get3A_590, %get3A_591] {strides = array<i32>} : memref<64x16xf32, #tpu.memory_space<vmem>>, vector<16xf32>,
            %add3A_593 = arith.addf %get3A_589, %get3A_592 : vector<16xf32>
            %mul3A_594 = arith.constant 16 : i32
            %mul3A_595 = arith.muli %scan3A_586, %mul3A_594 : i32
            %add3A_596 = vector.broadcast %mul3A_595 : i32 to vector<16xi32>
            %add3A_597 = arith.addi %iota3A, %add3A_596 : vector<16xi32>
            %lt3A_598 = arith.cmpf olt, %add3A_593, %select_n3A_583 : vector<16xf32>
            %select_n3A_599 = arith.select %lt3A_598, %add3A_593, %select_n3A_583 : vector<16xi1>, vector<16xf32>
            %select_n3A_600 = arith.select %lt3A_598, %add3A_597, %select_n3A_584 : vector<16xi1>, vector<16xi32>
            %scan3A_601 = arith.constant 12 : i32
            %scan3A_602 = arith.addi %scan3A_410, %scan3A_601 : i32
            %get3A_603 = arith.index_cast %scan3A_602 : i32 to index
            %get3A_604 = arith.constant 0 : index
            %get3A_605 = tpu.vector_load %arg20[%get3A_603, %get3A_604] {strides = array<i32>} : memref<64x16xf32, #tpu.memory_space<vmem>>, vector<16xf32>,
            %get3A_606 = arith.index_cast %scan3A_602 : i32 to index
            %get3A_607 = arith.constant 0 : index
            %get3A_608 = tpu.vector_load %arg18[%get3A_606, %get3A_607] {strides = array<i32>} : memref<64x16xf32, #tpu.memory_space<vmem>>, vector<16xf32>,
            %add3A_609 = arith.addf %get3A_605, %get3A_608 : vector<16xf32>
            %mul3A_610 = arith.constant 16 : i32
            %mul3A_611 = arith.muli %scan3A_602, %mul3A_610 : i32
            %add3A_612 = vector.broadcast %mul3A_611 : i32 to vector<16xi32>
            %add3A_613 = arith.addi %iota3A, %add3A_612 : vector<16xi32>
            %lt3A_614 = arith.cmpf olt, %add3A_609, %select_n3A_599 : vector<16xf32>
            %select_n3A_615 = arith.select %lt3A_614, %add3A_609, %select_n3A_599 : vector<16xi1>, vector<16xf32>
            %select_n3A_616 = arith.select %lt3A_614, %add3A_613, %select_n3A_600 : vector<16xi1>, vector<16xi32>
            %scan3A_617 = arith.constant 13 : i32
            %scan3A_618 = arith.addi %scan3A_410, %scan3A_617 : i32
            %get3A_619 = arith.index_cast %scan3A_618 : i32 to index
            %get3A_620 = arith.constant 0 : index
            %get3A_621 = tpu.vector_load %arg20[%get3A_619, %get3A_620] {strides = array<i32>} : memref<64x16xf32, #tpu.memory_space<vmem>>, vector<16xf32>,
            %get3A_622 = arith.index_cast %scan3A_618 : i32 to index
            %get3A_623 = arith.constant 0 : index
            %get3A_624 = tpu.vector_load %arg18[%get3A_622, %get3A_623] {strides = array<i32>} : memref<64x16xf32, #tpu.memory_space<vmem>>, vector<16xf32>,
            %add3A_625 = arith.addf %get3A_621, %get3A_624 : vector<16xf32>
            %mul3A_626 = arith.constant 16 : i32
            %mul3A_627 = arith.muli %scan3A_618, %mul3A_626 : i32
            %add3A_628 = vector.broadcast %mul3A_627 : i32 to vector<16xi32>
            %add3A_629 = arith.addi %iota3A, %add3A_628 : vector<16xi32>
            %lt3A_630 = arith.cmpf olt, %add3A_625, %select_n3A_615 : vector<16xf32>
            %select_n3A_631 = arith.select %lt3A_630, %add3A_625, %select_n3A_615 : vector<16xi1>, vector<16xf32>
            %select_n3A_632 = arith.select %lt3A_630, %add3A_629, %select_n3A_616 : vector<16xi1>, vector<16xi32>
            %scan3A_633 = arith.constant 14 : i32
            %scan3A_634 = arith.addi %scan3A_410, %scan3A_633 : i32
            %get3A_635 = arith.index_cast %scan3A_634 : i32 to index
            %get3A_636 = arith.constant 0 : index
            %get3A_637 = tpu.vector_load %arg20[%get3A_635, %get3A_636] {strides = array<i32>} : memref<64x16xf32, #tpu.memory_space<vmem>>, vector<16xf32>,
            %get3A_638 = arith.index_cast %scan3A_634 : i32 to index
            %get3A_639 = arith.constant 0 : index
            %get3A_640 = tpu.vector_load %arg18[%get3A_638, %get3A_639] {strides = array<i32>} : memref<64x16xf32, #tpu.memory_space<vmem>>, vector<16xf32>,
            %add3A_641 = arith.addf %get3A_637, %get3A_640 : vector<16xf32>
            %mul3A_642 = arith.constant 16 : i32
            %mul3A_643 = arith.muli %scan3A_634, %mul3A_642 : i32
            %add3A_644 = vector.broadcast %mul3A_643 : i32 to vector<16xi32>
            %add3A_645 = arith.addi %iota3A, %add3A_644 : vector<16xi32>
            %lt3A_646 = arith.cmpf olt, %add3A_641, %select_n3A_631 : vector<16xf32>
            %select_n3A_647 = arith.select %lt3A_646, %add3A_641, %select_n3A_631 : vector<16xi1>, vector<16xf32>
            %select_n3A_648 = arith.select %lt3A_646, %add3A_645, %select_n3A_632 : vector<16xi1>, vector<16xi32>
            %scan3A_649 = arith.constant 15 : i32
            %scan3A_650 = arith.addi %scan3A_410, %scan3A_649 : i32
            %get3A_651 = arith.index_cast %scan3A_650 : i32 to index
            %get3A_652 = arith.constant 0 : index
            %get3A_653 = tpu.vector_load %arg20[%get3A_651, %get3A_652] {strides = array<i32>} : memref<64x16xf32, #tpu.memory_space<vmem>>, vector<16xf32>,
            %get3A_654 = arith.index_cast %scan3A_650 : i32 to index
            %get3A_655 = arith.constant 0 : index
            %get3A_656 = tpu.vector_load %arg18[%get3A_654, %get3A_655] {strides = array<i32>} : memref<64x16xf32, #tpu.memory_space<vmem>>, vector<16xf32>,
            %add3A_657 = arith.addf %get3A_653, %get3A_656 : vector<16xf32>
            %mul3A_658 = arith.constant 16 : i32
            %mul3A_659 = arith.muli %scan3A_650, %mul3A_658 : i32
            %add3A_660 = vector.broadcast %mul3A_659 : i32 to vector<16xi32>
            %add3A_661 = arith.addi %iota3A, %add3A_660 : vector<16xi32>
            %lt3A_662 = arith.cmpf olt, %add3A_657, %select_n3A_647 : vector<16xf32>
            %select_n3A_663 = arith.select %lt3A_662, %add3A_657, %select_n3A_647 : vector<16xi1>, vector<16xf32>
            %select_n3A_664 = arith.select %lt3A_662, %add3A_661, %select_n3A_648 : vector<16xi1>, vector<16xi32>
            scf.yield %select_n3A_663, %select_n3A_664 : vector<16xf32>, vector<16xi32>
          }
          %scan3A_246 = arith.constant 32 : i32
          %iota3A_247 = tpu.iota {dimensions = array<i32: 0>} : vector<16xi32>
          %add3A_248 = arith.constant 8 : i32
          %add3A_249 = vector.broadcast %add3A_248 : i32 to vector<16xi32>
          %add3A_250 = arith.addi %iota3A_247, %add3A_249 : vector<16xi32>
          %and3A_251 = arith.constant 15 : i32
          %and3A_252 = vector.broadcast %and3A_251 : i32 to vector<16xi32>
          %and3A_253 = arith.andi %add3A_250, %and3A_252 : vector<16xi32>
          %broadcast_in_dim3A_254 = vector.shape_cast %and3A_253 : vector<16xi32> to vector<16x1xi32>
          %gather3A_255 = vector.shape_cast %broadcast_in_dim3A_254 : vector<16x1xi32> to vector<16xi32>
          %gather3A_256 = tpu.dynamic_gather %scan3A_245#0[%gather3A_255] in [0] : vector<16xf32>, vector<16xi32> -> vector<16xf32>
          %min3A_257 = arith.minimumf %scan3A_245#0, %gather3A_256 : vector<16xf32>
          %add3A_258 = arith.constant 4 : i32
          %add3A_259 = vector.broadcast %add3A_258 : i32 to vector<16xi32>
          %add3A_260 = arith.addi %iota3A_247, %add3A_259 : vector<16xi32>
          %and3A_261 = arith.constant 15 : i32
          %and3A_262 = vector.broadcast %and3A_261 : i32 to vector<16xi32>
          %and3A_263 = arith.andi %add3A_260, %and3A_262 : vector<16xi32>
          %broadcast_in_dim3A_264 = vector.shape_cast %and3A_263 : vector<16xi32> to vector<16x1xi32>
          %gather3A_265 = vector.shape_cast %broadcast_in_dim3A_264 : vector<16x1xi32> to vector<16xi32>
          %gather3A_266 = tpu.dynamic_gather %min3A_257[%gather3A_265] in [0] : vector<16xf32>, vector<16xi32> -> vector<16xf32>
          %min3A_267 = arith.minimumf %min3A_257, %gather3A_266 : vector<16xf32>
          %add3A_268 = arith.constant 2 : i32
          %add3A_269 = vector.broadcast %add3A_268 : i32 to vector<16xi32>
          %add3A_270 = arith.addi %iota3A_247, %add3A_269 : vector<16xi32>
          %and3A_271 = arith.constant 15 : i32
          %and3A_272 = vector.broadcast %and3A_271 : i32 to vector<16xi32>
          %and3A_273 = arith.andi %add3A_270, %and3A_272 : vector<16xi32>
          %broadcast_in_dim3A_274 = vector.shape_cast %and3A_273 : vector<16xi32> to vector<16x1xi32>
          %gather3A_275 = vector.shape_cast %broadcast_in_dim3A_274 : vector<16x1xi32> to vector<16xi32>
          %gather3A_276 = tpu.dynamic_gather %min3A_267[%gather3A_275] in [0] : vector<16xf32>, vector<16xi32> -> vector<16xf32>
          %min3A_277 = arith.minimumf %min3A_267, %gather3A_276 : vector<16xf32>
          %add3A_278 = arith.constant 1 : i32
          %add3A_279 = vector.broadcast %add3A_278 : i32 to vector<16xi32>
          %add3A_280 = arith.addi %iota3A_247, %add3A_279 : vector<16xi32>
          %and3A_281 = arith.constant 15 : i32
          %and3A_282 = vector.broadcast %and3A_281 : i32 to vector<16xi32>
          %and3A_283 = arith.andi %add3A_280, %and3A_282 : vector<16xi32>
          %broadcast_in_dim3A_284 = vector.shape_cast %and3A_283 : vector<16xi32> to vector<16x1xi32>
          %gather3A_285 = vector.shape_cast %broadcast_in_dim3A_284 : vector<16x1xi32> to vector<16xi32>
          %gather3A_286 = tpu.dynamic_gather %min3A_277[%gather3A_285] in [0] : vector<16xf32>, vector<16xi32> -> vector<16xf32>
          %min3A_287 = arith.minimumf %min3A_277, %gather3A_286 : vector<16xf32>
          %eq3A_288 = arith.cmpf oeq, %scan3A_245#0, %min3A_287 : vector<16xf32>
          %jit3A_289 = arith.constant 1073741824 : i32
          %broadcast_in_dim3A_290 = vector.broadcast %jit3A_289 : i32 to vector<16xi32>
          %select_n3A_291 = arith.select %eq3A_288, %scan3A_245#1, %broadcast_in_dim3A_290 : vector<16xi1>, vector<16xi32>
          %iota3A_292 = tpu.iota {dimensions = array<i32: 0>} : vector<16xi32>
          %add3A_293 = arith.constant 8 : i32
          %add3A_294 = vector.broadcast %add3A_293 : i32 to vector<16xi32>
          %add3A_295 = arith.addi %iota3A_292, %add3A_294 : vector<16xi32>
          %and3A_296 = arith.constant 15 : i32
          %and3A_297 = vector.broadcast %and3A_296 : i32 to vector<16xi32>
          %and3A_298 = arith.andi %add3A_295, %and3A_297 : vector<16xi32>
          %broadcast_in_dim3A_299 = vector.shape_cast %and3A_298 : vector<16xi32> to vector<16x1xi32>
          %gather3A_300 = vector.shape_cast %broadcast_in_dim3A_299 : vector<16x1xi32> to vector<16xi32>
          %gather3A_301 = tpu.dynamic_gather %select_n3A_291[%gather3A_300] in [0] : vector<16xi32>, vector<16xi32> -> vector<16xi32>
          %min3A_302 = arith.minsi %select_n3A_291, %gather3A_301 : vector<16xi32>
          %add3A_303 = arith.constant 4 : i32
          %add3A_304 = vector.broadcast %add3A_303 : i32 to vector<16xi32>
          %add3A_305 = arith.addi %iota3A_292, %add3A_304 : vector<16xi32>
          %and3A_306 = arith.constant 15 : i32
          %and3A_307 = vector.broadcast %and3A_306 : i32 to vector<16xi32>
          %and3A_308 = arith.andi %add3A_305, %and3A_307 : vector<16xi32>
          %broadcast_in_dim3A_309 = vector.shape_cast %and3A_308 : vector<16xi32> to vector<16x1xi32>
          %gather3A_310 = vector.shape_cast %broadcast_in_dim3A_309 : vector<16x1xi32> to vector<16xi32>
          %gather3A_311 = tpu.dynamic_gather %min3A_302[%gather3A_310] in [0] : vector<16xi32>, vector<16xi32> -> vector<16xi32>
          %min3A_312 = arith.minsi %min3A_302, %gather3A_311 : vector<16xi32>
          %add3A_313 = arith.constant 2 : i32
          %add3A_314 = vector.broadcast %add3A_313 : i32 to vector<16xi32>
          %add3A_315 = arith.addi %iota3A_292, %add3A_314 : vector<16xi32>
          %and3A_316 = arith.constant 15 : i32
          %and3A_317 = vector.broadcast %and3A_316 : i32 to vector<16xi32>
          %and3A_318 = arith.andi %add3A_315, %and3A_317 : vector<16xi32>
          %broadcast_in_dim3A_319 = vector.shape_cast %and3A_318 : vector<16xi32> to vector<16x1xi32>
          %gather3A_320 = vector.shape_cast %broadcast_in_dim3A_319 : vector<16x1xi32> to vector<16xi32>
          %gather3A_321 = tpu.dynamic_gather %min3A_312[%gather3A_320] in [0] : vector<16xi32>, vector<16xi32> -> vector<16xi32>
          %min3A_322 = arith.minsi %min3A_312, %gather3A_321 : vector<16xi32>
          %add3A_323 = arith.constant 1 : i32
          %add3A_324 = vector.broadcast %add3A_323 : i32 to vector<16xi32>
          %add3A_325 = arith.addi %iota3A_292, %add3A_324 : vector<16xi32>
          %and3A_326 = arith.constant 15 : i32
          %and3A_327 = vector.broadcast %and3A_326 : i32 to vector<16xi32>
          %and3A_328 = arith.andi %add3A_325, %and3A_327 : vector<16xi32>
          %broadcast_in_dim3A_329 = vector.shape_cast %and3A_328 : vector<16xi32> to vector<16x1xi32>
          %gather3A_330 = vector.shape_cast %broadcast_in_dim3A_329 : vector<16x1xi32> to vector<16xi32>
          %gather3A_331 = tpu.dynamic_gather %min3A_322[%gather3A_330] in [0] : vector<16xi32>, vector<16xi32> -> vector<16xi32>
          %min3A_332 = arith.minsi %min3A_322, %gather3A_331 : vector<16xi32>
          %eq3A_333 = arith.cmpi eq, %iota3A, %all_reduce_ffs3A : vector<16xi32>
          %select_n3A_334 = arith.select %eq3A_333, %min3A_287, %gather3A_119 : vector<16xi1>, vector<16xf32>
          tpu.vector_store_idx %arg16[%min3A_118, %iota3A], %select_n3A_334 : memref<64x16xf32, #tpu.memory_space<vmem>>[vector<16xi32>, vector<16xi32>], vector<16xf32>,
          %shift_right_logical3A_335 = arith.constant 4 : i32
          %shift_right_logical3A_336 = vector.broadcast %shift_right_logical3A_335 : i32 to vector<16xi32>
          %shift_right_logical3A_337 = arith.shrui %or3A, %shift_right_logical3A_336 : vector<16xi32>
          %and3A_338 = arith.constant 15 : i32
          %and3A_339 = vector.broadcast %and3A_338 : i32 to vector<16xi32>
          %and3A_340 = arith.andi %or3A, %and3A_339 : vector<16xi32>
          %iota3A_341 = tpu.iota {dimensions = array<i32: 0>} : vector<16xi32>
          %eq3A_342 = arith.constant 0 : i32
          %eq3A_343 = vector.broadcast %eq3A_342 : i32 to vector<16xi32>
          %eq3A_344 = arith.cmpi eq, %iota3A_341, %eq3A_343 : vector<16xi32>
          tpu.vector_store_idx %arg17[%shift_right_logical3A_337, %and3A_340], %min3A_332 masked %eq3A_344 : memref<64x16xi32, #tpu.memory_space<vmem>>[vector<16xi32>, vector<16xi32>], vector<16xi32>, vector<16xi1>
          %iota3A_345 = tpu.iota {dimensions = array<i32: 0>} : vector<16xi32>
          %add3A_346 = arith.constant 8 : i32
          %add3A_347 = vector.broadcast %add3A_346 : i32 to vector<16xi32>
          %add3A_348 = arith.addi %iota3A_345, %add3A_347 : vector<16xi32>
          %and3A_349 = arith.constant 15 : i32
          %and3A_350 = vector.broadcast %and3A_349 : i32 to vector<16xi32>
          %and3A_351 = arith.andi %add3A_348, %and3A_350 : vector<16xi32>
          %broadcast_in_dim3A_352 = vector.shape_cast %and3A_351 : vector<16xi32> to vector<16x1xi32>
          %gather3A_353 = vector.shape_cast %broadcast_in_dim3A_352 : vector<16x1xi32> to vector<16xi32>
          %gather3A_354 = tpu.dynamic_gather %select_n3A_334[%gather3A_353] in [0] : vector<16xf32>, vector<16xi32> -> vector<16xf32>
          %min3A_355 = arith.minimumf %select_n3A_334, %gather3A_354 : vector<16xf32>
          %add3A_356 = arith.constant 4 : i32
          %add3A_357 = vector.broadcast %add3A_356 : i32 to vector<16xi32>
          %add3A_358 = arith.addi %iota3A_345, %add3A_357 : vector<16xi32>
          %and3A_359 = arith.constant 15 : i32
          %and3A_360 = vector.broadcast %and3A_359 : i32 to vector<16xi32>
          %and3A_361 = arith.andi %add3A_358, %and3A_360 : vector<16xi32>
          %broadcast_in_dim3A_362 = vector.shape_cast %and3A_361 : vector<16xi32> to vector<16x1xi32>
          %gather3A_363 = vector.shape_cast %broadcast_in_dim3A_362 : vector<16x1xi32> to vector<16xi32>
          %gather3A_364 = tpu.dynamic_gather %min3A_355[%gather3A_363] in [0] : vector<16xf32>, vector<16xi32> -> vector<16xf32>
          %min3A_365 = arith.minimumf %min3A_355, %gather3A_364 : vector<16xf32>
          %add3A_366 = arith.constant 2 : i32
          %add3A_367 = vector.broadcast %add3A_366 : i32 to vector<16xi32>
          %add3A_368 = arith.addi %iota3A_345, %add3A_367 : vector<16xi32>
          %and3A_369 = arith.constant 15 : i32
          %and3A_370 = vector.broadcast %and3A_369 : i32 to vector<16xi32>
          %and3A_371 = arith.andi %add3A_368, %and3A_370 : vector<16xi32>
          %broadcast_in_dim3A_372 = vector.shape_cast %and3A_371 : vector<16xi32> to vector<16x1xi32>
          %gather3A_373 = vector.shape_cast %broadcast_in_dim3A_372 : vector<16x1xi32> to vector<16xi32>
          %gather3A_374 = tpu.dynamic_gather %min3A_365[%gather3A_373] in [0] : vector<16xf32>, vector<16xi32> -> vector<16xf32>
          %min3A_375 = arith.minimumf %min3A_365, %gather3A_374 : vector<16xf32>
          %add3A_376 = arith.constant 1 : i32
          %add3A_377 = vector.broadcast %add3A_376 : i32 to vector<16xi32>
          %add3A_378 = arith.addi %iota3A_345, %add3A_377 : vector<16xi32>
          %and3A_379 = arith.constant 15 : i32
          %and3A_380 = vector.broadcast %and3A_379 : i32 to vector<16xi32>
          %and3A_381 = arith.andi %add3A_378, %and3A_380 : vector<16xi32>
          %broadcast_in_dim3A_382 = vector.shape_cast %and3A_381 : vector<16xi32> to vector<16x1xi32>
          %gather3A_383 = vector.shape_cast %broadcast_in_dim3A_382 : vector<16x1xi32> to vector<16xi32>
          %gather3A_384 = tpu.dynamic_gather %min3A_375[%gather3A_383] in [0] : vector<16xf32>, vector<16xi32> -> vector<16xf32>
          %min3A_385 = arith.minimumf %min3A_375, %gather3A_384 : vector<16xf32>
          %eq3A_386 = arith.constant 0 : i32
          %eq3A_387 = vector.broadcast %eq3A_386 : i32 to vector<16xi32>
          %eq3A_388 = arith.cmpi eq, %shift_right_logical3A_132, %eq3A_387 : vector<16xi32>
          %eq3A_389 = arith.cmpi eq, %iota3A, %and3A_135 : vector<16xi32>
          %and3A_390 = arith.andi %eq3A_388, %eq3A_389 : vector<16xi1>
          %select_n3A_391 = arith.select %and3A_390, %min3A_385, %while3A_17 : vector<16xi1>, vector<16xf32>
          %eq3A_392 = arith.constant 1 : i32
          %eq3A_393 = vector.broadcast %eq3A_392 : i32 to vector<16xi32>
          %eq3A_394 = arith.cmpi eq, %shift_right_logical3A_132, %eq3A_393 : vector<16xi32>
          %eq3A_395 = arith.cmpi eq, %iota3A, %and3A_135 : vector<16xi32>
          %and3A_396 = arith.andi %eq3A_394, %eq3A_395 : vector<16xi1>
          %select_n3A_397 = arith.select %and3A_396, %min3A_385, %while3A_18 : vector<16xi1>, vector<16xf32>
          %eq3A_398 = arith.constant 2 : i32
          %eq3A_399 = vector.broadcast %eq3A_398 : i32 to vector<16xi32>
          %eq3A_400 = arith.cmpi eq, %shift_right_logical3A_132, %eq3A_399 : vector<16xi32>
          %eq3A_401 = arith.cmpi eq, %iota3A, %and3A_135 : vector<16xi32>
          %and3A_402 = arith.andi %eq3A_400, %eq3A_401 : vector<16xi1>
          %select_n3A_403 = arith.select %and3A_402, %min3A_385, %while3A_19 : vector<16xi1>, vector<16xf32>
          %eq3A_404 = arith.constant 3 : i32
          %eq3A_405 = vector.broadcast %eq3A_404 : i32 to vector<16xi32>
          %eq3A_406 = arith.cmpi eq, %shift_right_logical3A_132, %eq3A_405 : vector<16xi32>
          %eq3A_407 = arith.cmpi eq, %iota3A, %and3A_135 : vector<16xi32>
          %and3A_408 = arith.andi %eq3A_406, %eq3A_407 : vector<16xi1>
          %select_n3A_409 = arith.select %and3A_408, %min3A_385, %while3A_20 : vector<16xi1>, vector<16xf32>
          scf.yield %while3A_16, %select_n3A_391, %select_n3A_397, %select_n3A_403, %select_n3A_409 : i32, vector<16xf32>, vector<16xf32>, vector<16xf32>, vector<16xf32>
        }
        scf.yield %cond3A_141#0, %cond3A_141#1, %cond3A_141#2, %cond3A_141#3, %cond3A_141#4 : i32, vector<16xf32>, vector<16xf32>, vector<16xf32>, vector<16xf32>
      }
      "tpu.region"() ({
        %run_scoped3A = tpu.sem_alloc : memref<!tpu.dma_semaphore, #tpu.memory_space<semaphore_mem>>
        tpu.enqueue_dma source(%arg19 : memref<64x16xi32, #tpu.memory_space<vmem>>) target(%arg3 : memref<64x16xi32, #tpu.memory_space<hbm>>) target_semaphore(%run_scoped3A : memref<!tpu.dma_semaphore, #tpu.memory_space<semaphore_mem>>)
        tpu.wait_dma2 semaphore(%run_scoped3A : memref<!tpu.dma_semaphore, #tpu.memory_space<semaphore_mem>>) src(%arg19 : memref<64x16xi32, #tpu.memory_space<vmem>>) dst(%arg3 : memref<64x16xi32, #tpu.memory_space<hbm>>)
        tpu.yield
      }) : () -> ()
    } else {
    }
    return
  }
}

module attributes {stable_mosaic.version = 14 : i64} {
  func.func @_cost_body(%arg0: memref<1024x256xf32, #tpu.memory_space<vmem>>, %arg1: memref<1024x256xf32, #tpu.memory_space<vmem>>, %arg2: memref<1024x1024xf32, #tpu.memory_space<vmem>>) attributes {dimension_semantics = [], scalar_prefetch = 0 : i64, scratch_operands = 0 : i64, tpu.core_type = #tpu.core_type<tc>} {
    %get3A = arith.constant 0 : index
    %get3A_0 = arith.constant 0 : index
    %get3A_1 = vector.load %arg0[%get3A, %get3A_0] : memref<1024x256xf32, #tpu.memory_space<vmem>>, vector<1024x256xf32>
    %get3A_2 = arith.constant 0 : index
    %get3A_3 = arith.constant 0 : index
    %get3A_4 = vector.load %arg1[%get3A_2, %get3A_3] : memref<1024x256xf32, #tpu.memory_space<vmem>>, vector<1024x256xf32>
    %mul3A = arith.mulf %get3A_1, %get3A_1 : vector<1024x256xf32>
    %reduce_sum3A = arith.constant dense<0.000000e+00> : vector<1024xf32>
    %reduce_sum3A_5 = vector.multi_reduction <add>, %mul3A, %reduce_sum3A [1] : vector<1024x256xf32> to vector<1024xf32>
    %broadcast_in_dim3A = vector.shape_cast %reduce_sum3A_5 : vector<1024xf32> to vector<1024x1xf32>
    %mul3A_6 = arith.mulf %get3A_4, %get3A_4 : vector<1024x256xf32>
    %reduce_sum3A_7 = arith.constant dense<0.000000e+00> : vector<1024xf32>
    %reduce_sum3A_8 = vector.multi_reduction <add>, %mul3A_6, %reduce_sum3A_7 [1] : vector<1024x256xf32> to vector<1024xf32>
    %broadcast_in_dim3A_9 = vector.shape_cast %reduce_sum3A_8 : vector<1024xf32> to vector<1x1024xf32>
    %dot_general3A = arith.constant dense<0.000000e+00> : vector<1024x1024xf32>
    %dot_general3A_10 = tpu.matmul %get3A_1, %get3A_4, %dot_general3A {dimension_numbers = #tpu.dot_dimension_numbers<[1], [1], [0], [0], [0, 0, 1, 0], [], []>, transpose_lhs_hint = false} : vector<1024x256xf32>, vector<1024x256xf32>, vector<1024x1024xf32> -> vector<1024x1024xf32>
    %add3A = vector.broadcast %broadcast_in_dim3A : vector<1024x1xf32> to vector<1024x1024xf32>
    %add3A_11 = vector.broadcast %broadcast_in_dim3A_9 : vector<1x1024xf32> to vector<1024x1024xf32>
    %add3A_12 = arith.addf %add3A, %add3A_11 : vector<1024x1024xf32>
    %mul3A_13 = arith.constant 2.000000e+00 : f32
    %mul3A_14 = vector.broadcast %mul3A_13 : f32 to vector<1024x1024xf32>
    %mul3A_15 = arith.mulf %mul3A_14, %dot_general3A_10 : vector<1024x1024xf32>
    %sub3A = arith.subf %add3A_12, %mul3A_15 : vector<1024x1024xf32>
    %max3A = arith.constant 0.000000e+00 : f32
    %max3A_16 = vector.broadcast %max3A : f32 to vector<1024x1024xf32>
    %max3A_17 = arith.maximumf %sub3A, %max3A_16 : vector<1024x1024xf32>
    %swap3A = arith.constant 0 : index
    %swap3A_18 = arith.constant 0 : index
    %swap3A_19 = vector.load %arg2[%swap3A, %swap3A_18] : memref<1024x1024xf32, #tpu.memory_space<vmem>>, vector<1024x1024xf32>
    tpu.vector_store %arg2[%swap3A, %swap3A_18], %max3A_17 {strides = array<i32>} : memref<1024x1024xf32, #tpu.memory_space<vmem>>, vector<1024x1024xf32>,
    return
  }
}

</mosaic_0001>

<sc_bundles>
// kernel: kernel.4.cloned.1.call-start
scs
__scs_entry_jumppad:
0x0: {  	(pc) =	sbr.rel $0x88, $3  }
0x1: {  	(tag) =	ssettag $0x0;
	lr =	simm.s32 $0x1  }
0x2: {  	[smem:$0x3F9F] =	sst lr;
	_ =	strace $0xD0000000  }
0x3: {  	_ = 	snop  }
0x4: {  	_ = 	snop  }
0x5: {  	_ = 	snop  }
0x6: {  	_ = 	snop  }
0x7: {  	_ = 	snop  }
__scs_overlays_trampoline_lowered:
0x8: {  	[smem:$0x3FAE] =	sst s0  }
0x9: {  	[smem:$0x3FAF] =	sst s1  }
0xa: {  	[smem:$0x3FB0] =	sst s2  }
0xb: {  	[smem:$0x3FB1] =	sst s3  }
0xc: {  	[smem:$0x3FB2] =	sst s4  }
0xd: {  	[smem:$0x3FB3] =	sst s5  }
0xe: {  	[smem:$0x3FB4] =	sst s6  }
0xf: {  	[smem:$0x3FB5] =	sst s7  }
0x10: {  	[smem:$0x3FB6] =	sst s8  }
0x11: {  	[smem:$0x3FB7] =	sst s9;
	s0 =	simm.s32 @!p0 $0x0  }
0x12: {  	s1 =	sld [smem:$0x3F9D];
	s0 =	simm.s32 @p0 $0x1  }
0x13: {  	[smem:$0x3FB8] =	sst s0;
	s0 =	simm.s32 @!p1 $0x0  }
0x14: {  	s2 =	sld [smem:$0x3F9C];
	s0 =	simm.s32 @p1 $0x1  }
0x15: {  	[smem:$0x3FB9] =	sst s0;
	s0 =	simm.s32 @!p2 $0x0  }
0x16: {  	s3 =	sld [smem:$0x3FDB];
	s0 =	simm.s32 @p2 $0x1  }
0x17: {  	s4 =	simm.s32 $0x1BF5;
	[smem:$0x3FBB] =	sst s0  }
0x18: {  	s0 =	sld [smem:$0x3F9E];
	_ =	swait.ge [sflag:s4], $0x0  }
0x19: {  	s7 =	sld [smem:$0x3F9F]  }
0x1a: {  	s8 =	sadd.s32 $0xFFFFE003, lr  }
0x1b: {  	s9 =	sadd.s32 $0xFFFFFEF7, lr;
	s5 =	simm.s32 $0xFFFFFFFF;
	p2 =	slt.u32 s8, $0xFFFFF086  }
0x1c: {  	p1 =	slt.u32 s9, $0xF7A;
	s5 =	simm.s32 @!p2 $0x0  }
0x1d: {  	s5 =	simm.s32 @p1 $0x1;
	p0 =	seq.s32 s7, s2  }
0x1e: {  	s7 =	smul.u32 @!p0 $0xF7A, s2;
	p2 =	seq.s32 @!p0 s5, $0x0  }
0x1f: {  	s9 =	smul.u32 $0xF7A, s1;
	s8 =	simm.s32 @!p0 $0x1BF5;
	p2 =	por !p2, p0  }
0x20: {  	[sflag:s8] =	ssyncset.s32 @!p0 $0xFFFFF086;
	s6 =	sadd.s32 @!p0 s3, s7;
	s7 =	simm.s32 @!p0 $0x108  }
0x21: {  	s3 =	sadd.s32 s3, s9;
	s6 =	sadd.s32 @!p0 $0x88, s6;
	s7 =	simm.s32 @p2 $0x1082  }
0x22: {  	[simem:s7], [sflag:s8] =	dma.local @!p0 [hbm:s6], $0xF7A  }
0x23: {  	s9 =	sor.u32 $0xD0000000, s2;
	s6 =	simm.s32 $0x108;
	_ =	swait.ge @!p0 [sflag:s8], $0x0  }
0x24: {  	s3 =	sadd.s32 $0x88, s3;
	s6 =	simm.s32 @!p1 $0x1082;
	[sflag:s4] =	ssyncset.s32 $0xFFFFF086  }
0x25: {  	[simem:s6], [sflag:s4] =	dma.local [hbm:s3], $0xF7A  }
0x26: {  	[smem:$0x3F9F] =	sst s1;
	(tag) =	ssettag s2;
	_ =	strace s9  }
0x27: {  	s1 =	sld [smem:$0x3FAF]  }
0x28: {  	s2 =	sld [smem:$0x3FB0]  }
0x29: {  	s4 =	sld [smem:$0x3FB2]  }
0x2a: {  	p0 =	seq.s32 s5, $0x0;
	s5 =	sld [smem:$0x3FB3]  }
0x2b: {  	s6 =	sld [smem:$0x3FB4]  }
0x2c: {  	s7 =	sld [smem:$0x3FB5]  }
0x2d: {  	s3 =	simm.s32 $0x108;
	s8 =	sld [smem:$0x3FB6]  }
0x2e: {  	s3 =	simm.s32 @!p0 $0x1082;
	s9 =	sld [smem:$0x3FB7]  }
0x2f: {  	lr =	sadd.s32 s0, s3;
	s0 =	sld [smem:$0x3FAE]  }
0x30: {  	s3 =	sld [smem:$0x3FB1]  }
0x31: {  	[smem:$0x3FBA] =	sst s10  }
0x32: {  	s10 =	sld [smem:$0x3FB8];
	_ =	sdelay $0x3  }
0x33: {  	p0 =	seq.s32 s10, $0x1;
	s10 =	sld [smem:$0x3FBA];
	_ =	sdelay $0x3  }
0x34: {  	[smem:$0x3FBA] =	sst s10  }
0x35: {  	s10 =	sld [smem:$0x3FB9];
	_ =	sdelay $0x3  }
0x36: {  	p1 =	seq.s32 s10, $0x1;
	s10 =	sld [smem:$0x3FBA];
	_ =	sdelay $0x3  }
0x37: {  	[smem:$0x3FBA] =	sst s10  }
0x38: {  	s10 =	sld [smem:$0x3FBB]  }
0x39: {  	_ = 	snop;
	(pc) =	sbr.ind lr, $3  }
0x3a: {  	_ = 	snop  }
0x3b: {  	_ = 	snop  }
0x3c: {  	p2 =	seq.s32 s10, $0x1;
	s10 =	sld [smem:$0x3FBA]  }
0x3d: {  	_ =	shalt  }
0x3e: {  	_ =	shalt  }
0x3f: {  	_ =	shalt  }
0x40: {  	_ =	shalt  }
0x41: {  	_ =	shalt  }
0x42: {  	_ =	shalt  }
0x43: {  	_ =	shalt  }
0x44: {  	_ =	shalt  }
0x45: {  	_ =	shalt  }
0x46: {  	_ =	shalt  }
0x47: {  	_ =	shalt  }
0x48: {  	_ =	shalt  }
0x49: {  	_ =	shalt  }
0x4a: {  	_ =	shalt  }
0x4b: {  	_ =	shalt  }
0x4c: {  	_ =	shalt  }
0x4d: {  	_ =	shalt  }
0x4e: {  	_ =	shalt  }
0x4f: {  	_ =	shalt  }
0x50: {  	_ =	shalt  }
0x51: {  	_ =	shalt  }
0x52: {  	_ =	shalt  }
0x53: {  	_ =	shalt  }
0x54: {  	_ =	shalt  }
0x55: {  	_ =	shalt  }
0x56: {  	_ =	shalt  }
0x57: {  	_ =	shalt  }
0x58: {  	_ =	shalt  }
0x59: {  	_ =	shalt  }
0x5a: {  	_ =	shalt  }
0x5b: {  	_ =	shalt  }
0x5c: {  	_ =	shalt  }
0x5d: {  	_ =	shalt  }
0x5e: {  	_ =	shalt  }
0x5f: {  	_ =	shalt  }
0x60: {  	_ =	shalt  }
0x61: {  	_ =	shalt  }
0x62: {  	_ =	shalt  }
0x63: {  	_ =	shalt  }
0x64: {  	_ =	shalt  }
0x65: {  	_ =	shalt  }
0x66: {  	_ =	shalt  }
0x67: {  	_ =	shalt  }
0x68: {  	_ =	shalt  }
0x69: {  	_ =	shalt  }
0x6a: {  	_ =	shalt  }
0x6b: {  	_ =	shalt  }
0x6c: {  	_ =	shalt  }
0x6d: {  	_ =	shalt  }
0x6e: {  	_ =	shalt  }
0x6f: {  	_ =	shalt  }
0x70: {  	_ =	shalt  }
0x71: {  	_ =	shalt  }
0x72: {  	_ =	shalt  }
0x73: {  	_ =	shalt  }
0x74: {  	_ =	shalt  }
0x75: {  	_ =	shalt  }
0x76: {  	_ =	shalt  }
0x77: {  	_ =	shalt  }
0x78: {  	_ =	shalt  }
0x79: {  	_ =	shalt  }
0x7a: {  	_ =	shalt  }
0x7b: {  	_ =	shalt  }
0x7c: {  	_ =	shalt  }
0x7d: {  	_ =	shalt  }
0x7e: {  	_ =	shalt  }
0x7f: {  	_ =	shalt  }
0x80: {  	_ =	shalt  }
0x81: {  	_ =	shalt  }
0x82: {  	_ =	shalt  }
0x83: {  	_ =	shalt  }
0x84: {  	_ =	shalt  }
0x85: {  	_ =	shalt  }
0x86: {  	_ =	shalt  }
0x87: {  	_ =	shalt  }
.Lfunc_end0:
.L_simem_size_0:
called_computation_lowered:
.L_overlay_start_0:
0x88: {  	s0 =	sld [smem:$0x3FD9]  }
0x89: {  	s1 =	sld [smem:$0x3FFE];
	_ =	sdelay $0x3  }
0x8a: {  	s0 =	sadd.s32 s1, s0  }
0x8b: {  	[smem:$0x3FC6] =	sst s0  }
0x8c: {  	_ = 	snop  }
0x8d: {  	s0 =	sld [smem:$0x3FD0];
	(tm) =	ssettm $0x1  }
0x8e: {  	s16 =	sld [smem:$0x3FFB];
	_ =	sdelay $0x3  }
0x8f: {  	_ =	strace s16  }
0x90: {  	s1 =	sld [smem:$0x3FFC];
	_ =	sdelay $0x3  }
0x91: {  	_ =	strace s1  }
0x92: {  	s1 =	sld [smem:$0x3FFD];
	_ =	sdelay $0x3  }
0x93: {  	_ =	strace s1  }
0x94: {  	_ =	strace $0x8FFFFFFF  }
0x95: {  	s17 =	sld [smem:$0x3FDB];
	_ =	sdelay $0x1  }
0x96: {  	s2 =	simm.s32 $_scs_section_size  }
0x97: {  	s3 =	simm.s32 $_size__tile_overlayer_lowered;
	s4 =	simm.s32 $_tile_overlayer_lowered  }
0x98: {  	s20 =	simm.s32 $0x1BFF;
	s19 =	sshll.u32 s4, $0x1;
	s1 =	sadd.s32 s2, s17  }
0x99: {  	s5 =	simm.s32 $0x0;
	s18 =	sshll.u32 s3, $0x1;
	s3 =	sadd.s32 s19, s1  }
0x9a: {  	[timem:s5], [sflag:s20] =	dma.local [hbm:s3], s18  }
0x9b: {  	_ =	swait.ge [sflag:s20], s18  }
0x9c: {  	s2 =	ssub.s32 $0x0, s18;
	[sflag:s20] =	ssyncset.done $0x0  }
0x9d: {  	[sflag:s20] =	ssyncadd.s32 s2;
	_ =	sdelay $0x1  }
0x9e: {  	s21 =	simm.s32 $0x1B8B  }
0x9f: {  	_ =	swait.ge [sflag:s21], $0x1  }
0xa0: {  	[sflag:s21] =	ssyncset.done $0x0  }
0xa1: {  	s23 =	simm.s32 $0x1B8E;
	s22 =	sld [smem:$0x3FFE];
	[sflag:s21] =	ssyncadd.s32 $0xFFFFFFFF  }
0xa2: {  	s24 =	simm.s32 $execute0_lowered;
	[smem:$0x3FD2] =	sst s23  }
0xa3: {  	s3 =	sshll.u32 s24, $0x1;
	_ =	strace $0x80000046;
	[dreg:$0x1] =	wrdreg $0xFFFFFFFF  }
0xa4: {  	s25 =	simm.s32 $_size_execute0_lowered;
	s1 =	sadd.s32 s1, s3;
	[dreg:$0x0] =	wrdreg $0x0  }
0xa5: {  	s3 =	sshll.u32 s25, $0x1;
	[dreg:$0x2] =	wrdreg s1  }
0xa6: {  	[dreg:$0x3] =	wrdreg s3  }
0xa7: {  	[dreg:$0x4] =	wrdreg $0xC0  }
0xa8: {  	_ =	task [dreg:s5], $0x5FFFF  }
0xa9: {  	[dreg:$0x1] =	wrdreg $0xFFFFFFFF  }
0xaa: {  	[dreg:$0x0] =	wrdreg $0x60  }
0xab: {  	[dreg:$0x2] =	wrdreg s22  }
0xac: {  	[dreg:$0x3] =	wrdreg s0  }
0xad: {  	[dreg:$0x4] =	wrdreg $0x100800  }
0xae: {  	[dreg:$0x5] =	wrdreg $0x120800  }
0xaf: {  	[dreg:$0x6] =	wrdreg $0x140800  }
0xb0: {  	[dreg:$0x7] =	wrdreg $0x160800  }
0xb1: {  	[dreg:$0x8] =	wrdreg $0x180800  }
0xb2: {  	[dreg:$0x9] =	wrdreg $0x1A0800  }
0xb3: {  	[dreg:$0xa] =	wrdreg $0x1C0800  }
0xb4: {  	[dreg:$0xb] =	wrdreg $0x1E0800  }
0xb5: {  	[dreg:$0xc] =	wrdreg $0x1E0C00  }
0xb6: {  	[dreg:$0xd] =	wrdreg $0x9  }
0xb7: {  	_ =	task.clear_ibuf [dreg:s5], $0xEFFFF;
	_ =	strace $0x90000046  }
0xb8: {  	s26 =	simm.s32 $0x9;
	_ =	strace $0x80000048  }
0xb9: {  	_ =	swait.ge [sflag:s26], $0x1  }
0xba: {  	[sflag:s26] =	ssyncadd.s32 $0xFFFFFFFF  }
0xbb: {  	_ =	strace $0x90000048  }
0xbc: {  	_ =	sfence  }
0xbd: {  	s28 =	sld [smem:$0x0];
	_ =	sdelay $0x1  }
0xbe: {  	s29 =	srdreg.scid  }
0xbf: {  	s30 =	sshll.u32 s29, $0xD;
	s31 =	sshrl.u32 s29, $0x2  }
0xc0: {  	s2 =	sand.u32 $0x4000, s30;
	s1 =	sand.u32 $0x1, s29;
	s0 =	sadd.s32 s31, s28  }
0xc1: {  	s1 =	sor.u32 s2, s1;
	s0 =	sshll.u32 s0, $0x11  }
0xc2: {  	s0 =	sor.u32 s0, s1  }
0xc3: {  	s0 =	sadd.s32 $0x8F2B, s0  }
0xc4: {  	[sflag:s0] =	ssyncadd.remote.s32 $0x1  }
0xc5: {  	_ =	sfence.sel $0xFFFF  }
0xc6: {  	[dreg:$0x0] =	wrdreg $0xFFFFFFFF;
	(pc) =	sbr.abs _section_cstart, $3  }
0xc7: {  	[dreg:$0x1] =	wrdreg $0xFFFFFFFF  }
0xc8: {  	_ =	task.clear_ibuf [dreg:s5], $0x2FFFF;
	_ =	strace $0x9FFFFFFF  }
0xc9: {  	(tm) =	ssettm $0x7FFFFFFF  }
tec
execute0_lowered:
.L_overlay_start_1:
0x0: {  	(tag) =	ssettag $0x1  }
0x1: {  	s10 =	rddreg [dreg:$0x0]  }
0x2: {  	s0 =	rddreg [dreg:$0x1]  }
0x3: {  	s2 =	rddreg [dreg:$0x2]  }
0x4: {  	s3 =	rddreg [dreg:$0x3]  }
0x5: {  	s4 =	rddreg [dreg:$0x4]  }
0x6: {  	s5 =	rddreg [dreg:$0x5]  }
0x7: {  	s6 =	rddreg [dreg:$0x6]  }
0x8: {  	s7 =	rddreg [dreg:$0x7]  }
0x9: {  	s8 =	rddreg [dreg:$0x8]  }
0xa: {  	s12 =	rddreg [dreg:$0x9]  }
0xb: {  	s11 =	rddreg [dreg:$0xa]  }
0xc: {  	s1 =	rddreg [dreg:$0xb];
	s14 =	simm.s32 $0x0;
	s13 =	stileid.u32  }
0xd: {  	[smem:$0x7FF] =	sst s14;
	s9 =	sadd.s32 $0x100800, s10;
	s15 =	sshll.u32 s13, $0xD  }
0xe: {  	s31 =	simm.s32 $0x3;
	_ =	strace $0x80000047;
	s15 =	sadd.s32 s9, s15  }
0xf: {  	[tilespmem:s14], [sflag:$0x3] =	stream.linear.gather [hbm4b:s15+s14], $0x10000, $0x38;
	[tilespmem:$0x1F500] =	vst v63  }
0x10: {  	p0 =	sgt.u32 s13, $0x1;
	s15 =	sshll.u32 s13, $0x12;
	_ =	swait.ge [sflag:s31], $0x10000  }
0x11: {  	s16 =	sshrl.u32 @!p0 s15, $0x2;
	[sflag:s31] =	ssyncset.done $0x0  }
0x12: {  	s14 =	sadd.s32 @!p0 s16, s2;
	s16 =	simm.s32 @!p0 $0x0;
	[sflag:s31] =	ssyncadd.s32 $0xFFFF0000  }
0x13: {  	[spmem:s14] =	stream.linear.scatter @!p0 [tilespmem:s16], [sflag:$0x3], $0x10000, $0x38;
	[tilespmem:$0x1F500] =	vst v63  }
0x14: {  	s16 =	sand.u32 $0xE, s13  }
0x15: {  	p1 =	sgt.s32 s16, $0x7  }
.Ltmp0:
0x16: {  	_ = 	snop;
	(pc) =	sbr.rel @p1 .LBB2_3-.Ltmp0, $4  }
0x17: {  	s14 =	simm.s32 @!p0 $0x3  }
0x18: {  	_ =	swait.ge @!p0 [sflag:s14], $0x10000  }
0x19: {  	[sflag:s14] =	ssyncset.done @!p0 $0x0  }
0x1a: {  	s15 =	sshrl.u32 s15, $0x2;
	[sflag:s14] =	ssyncadd.s32 @!p0 $0xFFFF0000;
	s14 =	sshll.u32 s13, $0x6  }
0x1b: {  	p0 =	seq.s32 s16, $0x2  }
0x1c: {  	p1 =	seq.s32 @!p0 s16, $0x4  }
0x1d: {  	p1 =	por p0, p1  }
0x1e: {  	p2 =	seq.s32 @!p1 s16, $0x6  }
0x1f: {  	p2 =	por p1, p2  }
.Ltmp1:
0x20: {  	_ = 	snop;
	(pc) =	sbr.rel @!p2 .LBB2_8-.Ltmp1, $1  }
0x21: {  	_ =	sdelay $0x3  }
.Ltmp2:
0x22: {  	(pc) =	sbr.rel .LBB2_7-.Ltmp2, $4  }
0x23: {  	s16 =	sadd.s32 s15, s4;
	s17 =	sadd.s32 s15, s3  }
0x24: {  	s31 =	sadd.s32 s15, s5;
	s16 =	sadd.s32 $0xFFFC0000, s16;
	s17 =	sadd.s32 $0xFFFE0000, s17  }
0x25: {  	s15 =	sadd.s32 $0xFFFA0000, s31;
	s16 =	smov.u32 @p0 s17  }
0x26: {  	s15 =	smov.u32 @p1 s16  }
.LBB2_3:
0x27: {  	p0 =	seq.s32 s16, $0x8  }
0x28: {  	p1 =	seq.s32 @!p0 s16, $0xA  }
0x29: {  	p1 =	por p0, p1  }
.Ltmp3:
0x2a: {  	_ = 	snop;
	(pc) =	sbr.rel @p1 .LBB2_4-.Ltmp3, $1  }
0x2b: {  	_ =	sdelay $0x3  }
0x2c: {  	p0 =	seq.s32 s16, $0xC  }
.Ltmp4:
0x2d: {  	_ = 	snop;
	(pc) =	sbr.rel @!p0 .LBB2_8-.Ltmp4, $1  }
0x2e: {  	_ =	sdelay $0x3  }
.Ltmp5:
0x2f: {  	(pc) =	sbr.rel .LBB2_7-.Ltmp5, $3  }
0x30: {  	_ =	sdelay $0x1  }
0x31: {  	s15 =	sadd.s32 s15, s8  }
0x32: {  	s15 =	sadd.s32 $0xFFF40000, s15  }
.LBB2_4:
0x33: {  	s16 =	sadd.s32 s15, s7;
	s17 =	sadd.s32 s15, s6  }
0x34: {  	s15 =	sadd.s32 $0xFFF60000, s16;
	s16 =	sadd.s32 $0xFFF80000, s17  }
0x35: {  	s15 =	smov.u32 @p0 s16  }
.LBB2_7:
0x36: {  	s16 =	simm.s32 $0x0;
	s31 =	simm.s32 $0x3  }
0x37: {  	[spmem:s15] =	stream.linear.scatter [tilespmem:s16], [sflag:$0x3], $0x10000, $0x38;
	[tilespmem:$0x1F500] =	vst v63  }
0x38: {  	_ =	swait.ge [sflag:s31], $0x10000  }
0x39: {  	[sflag:s31] =	ssyncset.done $0x0  }
0x3a: {  	[sflag:s31] =	ssyncadd.s32 $0xFFFF0000  }
.LBB2_8:
0x3b: {  	v0 =	vimm.s32 $0xFEDCBA98;
	v1 =	vimm.s32 $0x76543210  }
0x3c: {  	v2 =	vimm.s32 $0x3210FEDC;
	v3 =	vimm.s32 $0xBA987654;
	v4 =	vimm.s32 $0x10FEDCBA  }
0x3d: {  	v5 =	vimm.s32 $0x98765432;
	v6 =	vimm.s32 $0xFEDCBA9;
	v7 =	vimm.s32 $0x87654321  }
0x3e: {  	v0 =	vunpack.c.l.s4.s8 v0;
	v1 =	vunpack.c.l.s4.s8 v1;
	v2 =	vunpack.c.l.s4.s8 v2  }
0x3f: {  	v3 =	vunpack.c.l.s4.s8 v3;
	v4 =	vunpack.c.l.s4.s8 v4;
	v5 =	vunpack.c.l.s4.s8 v5  }
0x40: {  	v6 =	vunpack.c.l.s4.s8 v6;
	v7 =	vunpack.c.l.s4.s8 v7;
	v0 =	vunpack.c.0.s8.s32 v0  }
0x41: {  	v2 =	vunpack.c.0.s8.s32 v2;
	v3 =	vunpack.c.0.s8.s32 v3;
	v4 =	vunpack.c.0.s8.s32 v4  }
0x42: {  	v5 =	vunpack.c.0.s8.s32 v5;
	v6 =	vunpack.c.0.s8.s32 v6;
	v7 =	vunpack.c.0.s8.s32 v7  }
0x43: {  	v1 =	vunpack.c.0.s8.s32 v1;
	v2 =	vcombine.low v3, v2  }
0x44: {  	s15 =	sadd.s32 s14, s12;
	s14 =	sadd.s32 s14, s11;
	v3 =	vcombine.low v5, v4;
	v4 =	vand.u32 $0xF, v0;
	v5 =	vcombine.low v7, v6  }
0x45: {  	s10 =	sadd.s32 $0x100840, s10;
	s16 =	simm.s32 $0x0;
	s17 =	simm.s32 $0x40;
	v0 =	vlaneseq.u32;
	v1 =	vcombine.low v4, v1  }
0x46: {  	s18 =	simm.s32 $0x10000;
	s19 =	simm.s32 $0x10040;
	s20 =	simm.s32 $0x0;
	v2 =	vand.u32 $0xF, v2;
	v3 =	vand.u32 $0xF, v3;
	v4 =	vand.u32 $0xF, v5  }
.LBB2_9:
0x47: {  	v5 =	vld [tilespmem:s17+$0xFFFFFFC0];
	_ =	sdelay $0x1  }
0x48: {  	v6 =	vld [tilespmem:s17+$0xFFFFFFD0];
	_ =	sdelay $0x1  }
0x49: {  	v7 =	vimm.f32 $+Inf;
	v8 =	vld [tilespmem:s17+$0xFFFFFFE0]  }
0x4a: {  	vm0 =	vlt.f32 v5, v7  }
0x4b: {  	v5 =	vsel vm0, v5, v7;
	v7 =	vld [tilespmem:s17+$0xFFFFFFF0]  }
0x4c: {  	vm1 =	vlt.f32 v6, v5  }
0x4d: {  	v5 =	vsel vm1, v6, v5  }
0x4e: {  	vm2 =	vlt.f32 v8, v5  }
0x4f: {  	v9 =	vld [tilespmem:s17+$0x0];
	v10 =	vor.u32 s16, v0;
	s21 =	simm.s32 $0x10;
	v6 =	vimm.s32 $0x40000000;
	v8 =	vsel vm2, v8, v5  }
0x50: {  	s28 =	simm.s32 $0x20;
	v6 =	vsel vm0, v10, v6;
	v10 =	vor.u32 s21, v0;
	vm0 =	vlt.f32 v7, v8  }
0x51: {  	s29 =	simm.s32 $0x30;
	v5 =	vld [tilespmem:s17+$0x10];
	v6 =	vsel vm1, v10, v6;
	v7 =	vsel vm0, v7, v8;
	v8 =	vor.u32 s28, v0  }
0x52: {  	v6 =	vsel vm2, v8, v6;
	v8 =	vor.u32 s29, v0  }
0x53: {  	v8 =	vsel vm0, v8, v6;
	v6 =	vld [tilespmem:s17+$0x20]  }
0x54: {  	s30 =	simm.s32 $0x40;
	vm1 =	vlt.f32 v9, v7  }
0x55: {  	s31 =	simm.s32 $0x50;
	v11 =	vor.u32 s30, v0;
	v10 =	vsel vm1, v9, v7;
	v7 =	vld [tilespmem:s17+$0x30]  }
0x56: {  	s22 =	simm.s32 $0x0;
	s23 =	sadd.s32 $0x80, s17;
	s21 =	simm.s32 $0x0;
	v9 =	vor.u32 s31, v0;
	v8 =	vsel vm1, v11, v8;
	vm0 =	vlt.f32 v5, v10  }
.LBB2_10:
0x57: {  	v11 =	vld [tilespmem:s23+$0xFFFFFFC0];
	s22 =	sadd.s32 $0x8, s22;
	v5 =	vsel vm0, v5, v10;
	v8 =	vsel vm0, v9, v8;
	s24 =	sadd.s32 $0x60, s21  }
0x58: {  	p0 =	slt.u32 s22, $0x38;
	v9 =	vor.u32 s24, v0;
	vm0 =	vlt.f32 v6, v5  }
0x59: {  	s24 =	sadd.s32 $0x70, s21;
	v10 =	vld [tilespmem:s23+$0xFFFFFFD0];
	v5 =	vsel vm0, v6, v5;
	v6 =	vsel vm0, v9, v8  }
0x5a: {  	v8 =	vor.u32 s24, v0;
	vm0 =	vlt.f32 v7, v5  }
0x5b: {  	s21 =	sadd.s32 $0x80, s21;
	v9 =	vld [tilespmem:s23+$0xFFFFFFE0];
	v5 =	vsel vm0, v7, v5;
	v6 =	vsel vm0, v8, v6  }
0x5c: {  	v7 =	vor.u32 s21, v0;
	vm0 =	vlt.f32 v11, v5  }
0x5d: {  	s24 =	sadd.s32 $0x10, s21;
	v5 =	vsel vm0, v11, v5;
	v6 =	vsel vm0, v7, v6;
	v7 =	vld [tilespmem:s23+$0xFFFFFFF0]  }
0x5e: {  	v8 =	vor.u32 s24, v0;
	vm0 =	vlt.f32 v10, v5  }
0x5f: {  	s24 =	sadd.s32 $0x20, s21;
	v5 =	vsel vm0, v10, v5;
	v6 =	vsel vm0, v8, v6;
	v8 =	vld [tilespmem:s23+$0x0]  }
0x60: {  	v10 =	vor.u32 s24, v0;
	vm0 =	vlt.f32 v9, v5  }
0x61: {  	s24 =	sadd.s32 $0x30, s21;
	v9 =	vsel vm0, v9, v5;
	v6 =	vsel vm0, v10, v6;
	v5 =	vld [tilespmem:s23+$0x10]  }
.Ltmp6:
0x62: {  	v10 =	vor.u32 s24, v0;
	vm0 =	vlt.f32 v7, v9;
	(pc) =	sbr.rel @p0 .LBB2_10-.Ltmp6, $4  }
0x63: {  	s24 =	sadd.s32 $0x40, s21;
	v7 =	vsel vm0, v7, v9;
	v9 =	vsel vm0, v10, v6;
	v6 =	vld [tilespmem:s23+$0x20]  }
0x64: {  	v11 =	vor.u32 s24, v0;
	vm0 =	vlt.f32 v8, v7  }
0x65: {  	s24 =	sadd.s32 $0x50, s21;
	v10 =	vsel vm0, v8, v7;
	v8 =	vsel vm0, v11, v9;
	v7 =	vld [tilespmem:s23+$0x30]  }
0x66: {  	v9 =	vor.u32 s24, v0;
	s23 =	sadd.s32 $0x80, s23;
	vm0 =	vlt.f32 v5, v10  }
0x67: {  	v5 =	vsel vm0, v5, v10  }
0x68: {  	vm1 =	vlt.f32 v6, v5  }
0x69: {  	v5 =	vsel vm1, v6, v5  }
0x6a: {  	vm2 =	vlt.f32 v7, v5  }
0x6b: {  	v5 =	vsel vm2, v7, v5  }
0x6c: {  	v6 =	vperm.xlane v5, v1;
	_ =	sdelay $0x1  }
0x6d: {  	v6 =	vmin.f32 v5, v6  }
0x6e: {  	v7 =	vperm.xlane v6, v2;
	_ =	sdelay $0x1  }
0x6f: {  	v6 =	vmin.f32 v6, v7  }
0x70: {  	v7 =	vperm.xlane v6, v3;
	_ =	sdelay $0x1  }
0x71: {  	v6 =	vmin.f32 v6, v7  }
0x72: {  	s22 =	sadd.s32 $0x60, s21;
	v7 =	vperm.xlane v6, v4  }
0x73: {  	v8 =	vsel vm0, v9, v8;
	s31 =	sadd.s32 $0x70, s21;
	v61 =	vor.u32 s22, v0  }
0x74: {  	v62 =	vor.u32 s31, v0;
	v8 =	vsel vm1, v61, v8;
	v6 =	vmin.f32 v6, v7  }
0x75: {  	v7 =	vsel vm2, v62, v8;
	vm15 =	veq.f32 v5, v6  }
0x76: {  	v5 =	vnsel vm15, $0x40000000, v7  }
0x77: {  	v7 =	vperm.xlane v5, v1;
	_ =	sdelay $0x1  }
0x78: {  	vm0 =	vlt.s32 v5, v7  }
0x79: {  	v5 =	vsel vm0, v5, v7  }
0x7a: {  	v7 =	vperm.xlane v5, v2;
	_ =	sdelay $0x1  }
0x7b: {  	vm0 =	vlt.s32 v5, v7  }
0x7c: {  	v5 =	vsel vm0, v5, v7  }
0x7d: {  	v7 =	vperm.xlane v5, v3;
	_ =	sdelay $0x1  }
0x7e: {  	v63 =	vmov s20;
	s20 =	sadd.s32 $0x1, s20;
	vm0 =	vlt.s32 v5, v7  }
0x7f: {  	p0 =	sne.s32 s20, $0x40;
	v5 =	vsel vm0, v5, v7  }
.Ltmp7:
0x80: {  	v7 =	vperm.xlane v5, v4;
	(pc) =	sbr.rel @p0 .LBB2_9-.Ltmp7, $4  }
0x81: {  	_ = 	snop  }
0x82: {  	vm0 =	vlt.s32 v5, v7  }
0x83: {  	[tilespmem:v63+s18+$0x0] =	vst.idx.msk $0x1, v6;
	v5 =	vsel vm0, v5, v7  }
0x84: {  	s17 =	sadd.s32 $0x400, s17;
	[tilespmem:v63+s19+$0x0] =	vst.idx.msk $0x1, v5  }
0x85: {  	s16 =	simm.s32 $0x10000  }
0x86: {  	[spmem:s15] =	stream.linear.scatter [tilespmem:s16], [sflag:$0x3], $0x40, $0x38;
	[tilespmem:$0x1F500] =	vst v63  }
0x87: {  	s15 =	simm.s32 $0x3  }
0x88: {  	_ =	swait.ge [sflag:s15], $0x40  }
0x89: {  	[sflag:s15] =	ssyncset.done $0x0  }
0x8a: {  	s31 =	simm.s32 $0x10040;
	[sflag:s15] =	ssyncadd.s32 $0xFFFFFFC0  }
0x8b: {  	[spmem:s14] =	stream.linear.scatter [tilespmem:s31], [sflag:$0x3], $0x40, $0x38;
	[tilespmem:$0x1F500] =	vst v63  }
0x8c: {  	_ =	swait.ge [sflag:s15], $0x40  }
0x8d: {  	[sflag:s15] =	ssyncset.done $0x0  }
0x8e: {  	[sflag:s15] =	ssyncadd.s32 $0xFFFFFFC0  }
0x8f: {  	p0 =	sne.s32 s13, $0x0;
	[bflag:$0x0] =	sbarrier.arrive $0xFFFF  }
0x90: {  	_ =	sfence.sel @p0 $0x180000  }
0x91: {  	[bflag:$0x0] =	sbarrier.arrive @p0 $0xFFFF  }
0x92: {  	_ =	strace @p0 $0x90000047  }
0x93: {  	[bflag:$0x2] =	sbarrier.arrive @p0 $0xFFFF  }
0x94: {  	_ =	shalt @p0  }
.LBB2_13:
0x95: {  	s13 =	simm.s32 $0x1E100;
	v0 =	vimm.s32 $0xFEDCBA98;
	s18 =	simm.s32 $0x1E500  }
0x96: {  	v2 =	vimm.s32 $0x76543210;
	v3 =	vimm.s32 $0x3210FEDC;
	v4 =	vimm.s32 $0xBA987654  }
0x97: {  	v5 =	vimm.s32 $0x10FEDCBA;
	v6 =	vimm.s32 $0x98765432;
	v7 =	vimm.s32 $0xFEDCBA9;
	s14 =	simm.s32 $0x2  }
0x98: {  	v8 =	vimm.s32 $0x87654321;
	[tilespmem:s13], [sflag:$0x3] =	stream.linear.gather [spmem:s12], $0x400, $0x38;
	[tilespmem:$0x1F500] =	vst v63  }
0x99: {  	vm8 =	vmxor vm8, vm8;
	s26 =	simm.s32 $0x3;
	p0 =	por $0x0, $0x0;
	v1 =	vunpack.c.l.s4.s8 v0;
	v0 =	vimm.f32 $0.0e+00;
	_ =	swait.ge [sflag:s15], $0x400  }
0x9a: {  	s29 =	simm.s32 $0x6;
	s31 =	simm.s32 $0xFFFFFFF7;
	v2 =	vunpack.c.l.s4.s8 v2;
	v3 =	vunpack.c.l.s4.s8 v3;
	v4 =	vunpack.c.l.s4.s8 v4;
	[sflag:s15] =	ssyncset.done $0x0  }
0x9b: {  	v5 =	vunpack.c.l.s4.s8 v5;
	v6 =	vunpack.c.l.s4.s8 v6;
	v7 =	vunpack.c.l.s4.s8 v7;
	s14 =	sand.u32 $0xA, s14;
	s28 =	sand.u32 $0xB, s26;
	[sflag:s15] =	ssyncadd.s32 $0xFFFFFC00  }
0x9c: {  	v8 =	vunpack.c.l.s4.s8 v8;
	vm3 =	vmmov vm8;
	vm1 =	vmmov vm8;
	[tilespmem:s18], [sflag:$0x3] =	stream.linear.gather [spmem:s11], $0x400, $0x38;
	[tilespmem:$0x1F500] =	vst v63  }
0x9d: {  	vm10 =	vmmov vm8;
	s30 =	sand.u32 $0xE, s29;
	s12 =	sand.u32 $0xF, s31;
	v10 =	vmov s14;
	v14 =	vmov s28;
	_ =	swait.ge [sflag:s15], $0x400  }
0x9e: {  	vm3 =	vmneg @p0 vm3;
	v56 =	vmov s30;
	v60 =	vmov s12;
	[sflag:s15] =	ssyncset.done $0x0  }
0x9f: {  	s19 =	simm.s32 $0x1E940;
	v1 =	vunpack.c.0.s8.s32 v1;
	v3 =	vunpack.c.0.s8.s32 v3;
	v4 =	vunpack.c.0.s8.s32 v4;
	[sflag:s15] =	ssyncadd.s32 $0xFFFFFC00  }
0xa0: {  	s20 =	simm.s32 $0x1E140;
	p0 =	por $0x1, $0x1;
	v5 =	vunpack.c.0.s8.s32 v5;
	v6 =	vunpack.c.0.s8.s32 v6;
	v7 =	vunpack.c.0.s8.s32 v7;
	[tilespmem:s19+$0xFFFFFFC0] =	vst v0  }
0xa1: {  	v8 =	vunpack.c.0.s8.s32 v8;
	v2 =	vunpack.c.0.s8.s32 v2;
	vm1 =	vmneg @p0 vm1;
	p0 =	por $0x0, $0x0;
	v9 =	vld [tilespmem:s20+$0xFFFFFFC0]  }
0xa2: {  	vm10 =	vmneg @p0 vm10;
	v3 =	vcombine.low v4, v3;
	v4 =	vcombine.low v6, v5;
	[tilespmem:s19+$0xFFFFFFD0] =	vst v0  }
0xa3: {  	v1 =	vand.u32 $0xF, v1;
	v5 =	vcombine.low v8, v7;
	v6 =	vimm.f32 $+Inf;
	s11 =	simm.s32 $0x0;
	v7 =	vld [tilespmem:s20+$0xFFFFFFD0];
	[tilespmem:s19+$0xFFFFFFE0] =	vst v0  }
0xa4: {  	v1 =	vcombine.low v1, v2;
	s21 =	sand.u32 $0x8, s11;
	v2 =	vand.u32 $0xF, v3;
	v3 =	vand.u32 $0xF, v4;
	v11 =	vld [tilespmem:s20+$0xFFFFFFE0]  }
0xa5: {  	s16 =	simm.s32 $0x1;
	s22 =	simm.s32 $0x4;
	p0 =	por $0x0, $0x0;
	v4 =	vand.u32 $0xF, v5;
	v5 =	vlaneseq.u32;
	v8 =	vmov s21;
	[tilespmem:s19+$0xFFFFFFF0] =	vst v0  }
0xa6: {  	s23 =	sand.u32 $0x9, s16;
	s14 =	sand.u32 $0xC, s22;
	vm8 =	vmneg @p0 vm8;
	vm9 =	veq.s32 v8, v5;
	v13 =	vld [tilespmem:s20+$0xFFFFFFF0];
	v12 =	vperm.xlane v9, v1  }
0xa7: {  	s24 =	simm.s32 $0x5;
	vm2 =	veq.s32 v10, v5;
	v8 =	vmov s23;
	v10 =	vmov s14  }
0xa8: {  	s25 =	sand.u32 $0xD, s24;
	vm5 =	veq.s32 v14, v5;
	vm7 =	veq.s32 v10, v5;
	v9 =	vmin.f32 v9, v12  }
0xa9: {  	[tilespmem:s19+$0x0] =	vst v0;
	v12 =	vmov s25;
	v15 =	vperm.xlane v11, v1;
	v10 =	vperm.xlane v9, v2  }
0xaa: {  	vm0 =	veq.s32 v8, v5;
	v8 =	vld [tilespmem:s20+$0x0];
	vm6 =	veq.s32 v12, v5;
	v12 =	vperm.xlane v7, v1  }
0xab: {  	[tilespmem:s19+$0x10] =	vst v0;
	v11 =	vmin.f32 v11, v15;
	v15 =	vperm.xlane v13, v1;
	v9 =	vmin.f32 v9, v10  }
0xac: {  	v14 =	vld [tilespmem:s20+$0x10];
	v7 =	vmin.f32 v7, v12;
	v16 =	vperm.xlane v11, v2;
	v10 =	vperm.xlane v9, v3  }
0xad: {  	vm4 =	vmand vm3, vm9;
	v12 =	vperm.xlane v7, v2;
	v13 =	vmin.f32 v13, v15  }
0xae: {  	v11 =	vmin.f32 v11, v16;
	v19 =	vperm.xlane v13, v2;
	v9 =	vmin.f32 v9, v10  }
0xaf: {  	v7 =	vmin.f32 v7, v12;
	v12 =	vperm.xlane v8, v1;
	v53 =	vperm.xlane v11, v3  }
0xb0: {  	vm12 =	vmand vm10, vm7;
	v10 =	vperm.xlane v9, v4;
	v15 =	vperm.xlane v7, v3  }
0xb1: {  	v13 =	vmin.f32 v13, v19;
	v8 =	vmin.f32 v8, v12;
	v12 =	vperm.xlane v14, v1  }
0xb2: {  	v54 =	vperm.xlane v13, v3;
	v11 =	vmin.f32 v11, v53;
	v9 =	vmin.f32 v9, v10  }
0xb3: {  	v7 =	vmin.f32 v7, v15;
	v18 =	vperm.xlane v8, v2;
	v51 =	vsel vm4, v9, v6  }
0xb4: {  	[tilespmem:s19+$0x20] =	vst v0;
	vm4 =	vmand vm1, vm9;
	v17 =	vperm.xlane v7, v4;
	v12 =	vmin.f32 v14, v12  }
0xb5: {  	v10 =	vld [tilespmem:s20+$0x20];
	v13 =	vmin.f32 v13, v54;
	v15 =	vsel vm4, v9, v6;
	vm4 =	vmand vm10, vm9  }
0xb6: {  	v8 =	vmin.f32 v8, v18;
	v55 =	vperm.xlane v12, v2;
	v18 =	vperm.xlane v11, v4  }
0xb7: {  	v14 =	vsel vm4, v9, v6;
	vm4 =	vmand vm1, vm0;
	v7 =	vmin.f32 v7, v17  }
0xb8: {  	v57 =	vperm.xlane v8, v3;
	v15 =	vsel vm4, v7, v15;
	vm4 =	vmand vm8, vm9  }
0xb9: {  	v19 =	vmin.f32 v12, v55;
	v18 =	vmin.f32 v11, v18;
	v11 =	vperm.xlane v13, v4  }
0xba: {  	[tilespmem:s19+$0x30] =	vst v0;
	v52 =	vperm.xlane v10, v1;
	v6 =	vsel vm4, v9, v6;
	vm4 =	vmand vm3, vm0  }
0xbb: {  	vm9 =	veq.s32 v56, v5;
	v9 =	vld [tilespmem:s20+$0x30];
	v8 =	vmin.f32 v8, v57;
	v16 =	vsel vm4, v7, v51  }
0xbc: {  	vm4 =	vmand vm3, vm2;
	v13 =	vmin.f32 v13, v11;
	v10 =	vmin.f32 v10, v52  }
0xbd: {  	v12 =	vsel vm4, v18, v16;
	vm4 =	vmand vm8, vm0;
	vm0 =	vmand vm10, vm0  }
0xbe: {  	v6 =	vsel vm4, v7, v6;
	vm4 =	vmand vm3, vm5;
	v7 =	vsel vm0, v7, v14  }
0xbf: {  	vm0 =	vmand vm8, vm7;
	v20 =	vsel vm4, v13, v12;
	vm4 =	vmand vm1, vm2  }
0xc0: {  	v11 =	vperm.xlane v9, v1;
	v12 =	vsel vm4, v18, v15;
	vm4 =	vmand vm8, vm2  }
0xc1: {  	v15 =	vperm.xlane v8, v4;
	vm2 =	vmand vm10, vm2;
	v6 =	vsel vm4, v18, v6  }
0xc2: {  	vm4 =	vmand vm1, vm5;
	v61 =	vsel vm2, v18, v7;
	vm2 =	vmand vm8, vm6  }
0xc3: {  	v9 =	vmin.f32 v9, v11;
	v11 =	vperm.xlane v19, v3;
	v58 =	vsel vm4, v13, v12  }
0xc4: {  	vm4 =	vmand vm3, vm7;
	v12 =	vmin.f32 v8, v15;
	v8 =	vperm.xlane v10, v2  }
0xc5: {  	v15 =	vsel vm4, v12, v20;
	vm4 =	vmand vm8, vm5;
	v59 =	vperm.xlane v9, v2  }
0xc6: {  	v11 =	vmin.f32 v19, v11;
	v6 =	vsel vm4, v13, v6;
	vm4 =	vmand vm1, vm7  }
0xc7: {  	v8 =	vmin.f32 v10, v8;
	v19 =	vperm.xlane v11, v4;
	v16 =	vsel vm4, v12, v58  }
0xc8: {  	vm4 =	vmand vm3, vm6;
	v9 =	vmin.f32 v9, v59;
	v6 =	vsel vm0, v12, v6  }
0xc9: {  	vm0 =	vmand vm1, vm6;
	v10 =	vmin.f32 v11, v19;
	v11 =	vperm.xlane v8, v3  }
0xca: {  	vm6 =	vmand vm10, vm6;
	v14 =	vperm.xlane v9, v3;
	v15 =	vsel vm4, v10, v15  }
0xcb: {  	v62 =	vsel vm2, v10, v6;
	vm4 =	veq.s32 v60, v5;
	v8 =	vmin.f32 v8, v11  }
0xcc: {  	v14 =	vmin.f32 v9, v14;
	vm2 =	vmand vm10, vm5;
	v11 =	vperm.xlane v8, v4  }
0xcd: {  	v63 =	vperm.xlane v14, v4;
	v6 =	vsel vm2, v13, v61;
	vm2 =	vmand vm8, vm9  }
0xce: {  	v11 =	vmin.f32 v8, v11;
	v8 =	vsel vm0, v10, v16;
	vm0 =	vmand vm1, vm9  }
0xcf: {  	vm5 =	vmand vm8, vm4;
	v13 =	vmin.f32 v14, v63;
	v7 =	vsel vm0, v11, v8  }
0xd0: {  	vm0 =	vmand vm3, vm9;
	v9 =	vsel vm2, v11, v62;
	vm2 =	vmand vm3, vm4  }
0xd1: {  	s13 =	simm.s32 $0x1E9C0;
	s12 =	simm.s32 $0x1E1C0;
	vm3 =	vmand vm10, vm9;
	v8 =	vsel vm0, v11, v15;
	vm0 =	vmand vm10, vm4  }
.LBB2_14:
0xd2: {  	v12 =	vsel vm12, v12, v6  }
0xd3: {  	vm1 =	vmand vm1, vm4;
	v6 =	vsel vm5, v13, v9;
	v8 =	vsel vm2, v13, v8  }
0xd4: {  	v30 =	vimm.s32 $0x0;
	v31 =	vimm.s32 $0x0;
	v32 =	vimm.s32 $0x0  }
0xd5: {  	v19 =	vimm.s32 $0x0;
	v20 =	vimm.s32 $0x0;
	v35 =	vimm.s32 $0x0  }
0xd6: {  	v36 =	vimm.s32 $0x0;
	v37 =	vimm.s32 $0x0;
	v38 =	vimm.s32 $0x0  }
0xd7: {  	s15 =	sadd.s32 $0x9, s11;
	v41 =	vimm.s32 $0x0;
	v42 =	vimm.s32 $0x0;
	v44 =	vimm.s32 $0x0  }
0xd8: {  	s14 =	sadd.s32 $0xA, s11;
	s16 =	smov.u32 s11;
	s11 =	sadd.s32 $0x8, s11;
	v46 =	vimm.s32 $0x0;
	v48 =	vimm.s32 $0x0;
	v50 =	vimm.s32 $0x0  }
0xd9: {  	v52 =	vimm.s32 $0x0;
	v54 =	vimm.s32 $0x0;
	v23 =	vimm.s32 $0x0;
	s17 =	sand.u32 $0x8, s11  }
0xda: {  	s18 =	sand.u32 $0xA, s14;
	s19 =	sadd.s32 $0xFFFFFFFF, s16;
	v9 =	vsel vm6, v10, v12;
	v7 =	vsel vm1, v13, v7;
	s15 =	sand.u32 $0x9, s15;
	v10 =	vmov s17  }
0xdb: {  	s25 =	sadd.s32 $0xC, s16;
	s26 =	sadd.s32 $0xD, s16;
	v12 =	vmov s18;
	s24 =	sand.u32 $0xF, s19;
	v9 =	vsel vm3, v11, v9;
	vm3 =	vmxor vm3, vm3  }
0xdc: {  	[tilespmem:s13+$0xFFFFFFC0] =	vst v0;
	s20 =	sadd.s32 $0xE, s16;
	s16 =	sadd.s32 $0xB, s16;
	s28 =	sand.u32 $0xC, s25;
	vm11 =	veq.s32 v10, v5;
	v11 =	vmov s24;
	v9 =	vsel vm0, v13, v9  }
0xdd: {  	v14 =	vld [tilespmem:s12+$0xFFFFFFC0];
	s29 =	sand.u32 $0xE, s20;
	s30 =	sand.u32 $0xD, s26;
	s31 =	sand.u32 $0xB, s16;
	vm13 =	veq.s32 v12, v5;
	v12 =	vmov s15;
	v15 =	vmov s28  }
0xde: {  	v16 =	vmov s29;
	v18 =	vmov s30;
	v27 =	vmov s31  }
0xdf: {  	s23 =	sshrl.u32 s11, $0x4;
	[tilespmem:s13+$0xFFFFFFD0] =	vst v0;
	vm14 =	vmmov vm3;
	vm1 =	vmmov vm3;
	vm4 =	veq.s32 v11, v5  }
0xe0: {  	p1 =	seq.s32 s23, $0x1;
	v10 =	vld [tilespmem:s12+$0xFFFFFFD0];
	vm8 =	veq.s32 v15, v5;
	vm6 =	veq.s32 v18, v5;
	vm2 =	veq.s32 v16, v5  }
0xe1: {  	[tilespmem:s13+$0xFFFFFFE0] =	vst v0;
	vm15 =	veq.s32 v12, v5;
	vm12 =	veq.s32 v27, v5;
	vm14 =	vmneg @p1 vm14;
	p1 =	seq.s32 s23, $0x0  }
0xe2: {  	v13 =	vld [tilespmem:s12+$0xFFFFFFE0];
	[tilespmem:s13+$0xFFFFFFF0] =	vst v0;
	vm0 =	vmand vm14, vm4;
	vm1 =	vmneg @p1 vm1;
	v17 =	vperm.xlane v14, v1  }
0xe3: {  	v11 =	vld [tilespmem:s12+$0xFFFFFFF0];
	[tilespmem:s13+$0x0] =	vst v0;
	vm9 =	vmand vm14, vm15;
	v18 =	vsel vm0, $0xFFFFFFFF, v30;
	vm0 =	vmand vm14, vm2  }
0xe4: {  	[tilespmem:$0x1FFF0] =	vst v18;
	v18 =	vsel vm0, $0xFFFFFFFF, v31;
	vm0 =	vmand vm14, vm6;
	v14 =	vmin.f32 v14, v17  }
0xe5: {  	v12 =	vld [tilespmem:s12+$0x0];
	[tilespmem:s13+$0x10] =	vst v0;
	v15 =	vperm.xlane v10, v1;
	v19 =	vsel vm0, $0xFFFFFFFF, v19;
	vm0 =	vmand vm14, vm8  }
0xe6: {  	[tilespmem:$0x1FFD0] =	vst v18;
	v18 =	vsel vm2, $0xFFFFFFFF, v32;
	v17 =	vperm.xlane v14, v2;
	v20 =	vsel vm0, $0xFFFFFFFF, v20  }
0xe7: {  	v29 =	vld [tilespmem:s12+$0x10];
	[tilespmem:s13+$0x20] =	vst v0;
	vm0 =	vmand vm14, vm13;
	v10 =	vmin.f32 v10, v15;
	v15 =	vperm.xlane v13, v1  }
0xe8: {  	v34 =	vld [tilespmem:s12+$0x20];
	[tilespmem:$0x1FF20] =	vst v18;
	v18 =	vsel vm0, $0xFFFFFFFF, v35;
	vm0 =	vmand vm1, vm6;
	v14 =	vmin.f32 v14, v17  }
0xe9: {  	v28 =	vperm.xlane v10, v2;
	[tilespmem:$0x1FF10] =	vst v18;
	v18 =	vsel vm0, $0xFFFFFFFF, v36;
	vm0 =	vmand vm1, vm11  }
0xea: {  	v13 =	vmin.f32 v13, v15;
	v15 =	vperm.xlane v11, v1;
	[tilespmem:$0x1FFA0] =	vst v18;
	v18 =	vsel vm0, $0xFFFFFFFF, v37  }
0xeb: {  	vm0 =	vmand vm14, vm11;
	v21 =	vperm.xlane v14, v3;
	vm14 =	vmand vm14, vm12  }
0xec: {  	v33 =	vperm.xlane v13, v2;
	v16 =	vmin.f32 v10, v28;
	v10 =	vperm.xlane v12, v1  }
0xed: {  	p2 =	seq.s32 s23, $0x2;
	p1 =	seq.s32 s23, $0x3;
	[tilespmem:$0x1FEF0] =	vst v18;
	v18 =	vsel vm0, $0xFFFFFFFF, v38;
	vm0 =	vmmov vm3;
	v40 =	vperm.xlane v34, v1  }
0xee: {  	vm3 =	vmneg @p1 vm3;
	v15 =	vmin.f32 v11, v15;
	vm0 =	vmneg @p2 vm0  }
0xef: {  	v22 =	vperm.xlane v16, v3;
	v14 =	vmin.f32 v14, v21;
	v13 =	vmin.f32 v13, v33  }
0xf0: {  	[tilespmem:s13+$0x30] =	vst v0;
	v10 =	vmin.f32 v12, v10;
	v12 =	vperm.xlane v29, v1;
	vm5 =	vmand vm0, vm2  }
0xf1: {  	v11 =	vld [tilespmem:s12+$0x30];
	vm2 =	vmand vm0, vm6;
	v17 =	vmin.f32 v34, v40;
	vm7 =	vmand vm0, vm11  }
0xf2: {  	[tilespmem:$0x1FF50] =	vst v20;
	v21 =	vperm.xlane v14, v4;
	v39 =	vperm.xlane v10, v2;
	v20 =	vsel vm5, $0xFFFFFFFF, v41  }
0xf3: {  	[tilespmem:$0x1FEE0] =	vst v18;
	vm5 =	vmand vm1, vm15;
	v16 =	vmin.f32 v16, v22;
	v12 =	vmin.f32 v29, v12  }
0xf4: {  	[tilespmem:$0x1FF60] =	vst v20;
	v20 =	vsel vm2, $0xFFFFFFFF, v42;
	vm2 =	vmand vm0, vm15;
	v18 =	vmin.f32 v10, v39  }
0xf5: {  	v10 =	vperm.xlane v12, v2;
	[tilespmem:$0x1FFE0] =	vst v20;
	v20 =	vsel vm2, $0xFFFFFFFF, v44;
	vm2 =	vmand vm3, vm11  }
0xf6: {  	[tilespmem:$0x1FF80] =	vst v19;
	v22 =	vperm.xlane v16, v4;
	v43 =	vperm.xlane v11, v1;
	v19 =	vsel vm2, $0xFFFFFFFF, v46  }
0xf7: {  	vm2 =	vmand vm3, vm15;
	v10 =	vmin.f32 v12, v10;
	v12 =	vperm.xlane v17, v2  }
0xf8: {  	v14 =	vmin.f32 v14, v21;
	[tilespmem:$0x1FF00] =	vst v19;
	v19 =	vsel vm2, $0xFFFFFFFF, v48;
	vm2 =	vmand vm3, vm13  }
0xf9: {  	v62 =	vld [tilespmem:$0x1FEF0];
	[tilespmem:$0x1FF90] =	vst v20;
	v11 =	vmin.f32 v11, v43;
	v20 =	vsel vm2, $0xFFFFFFFF, v50;
	v12 =	vmin.f32 v17, v12  }
0xfa: {  	vm2 =	vmand vm3, vm12;
	v47 =	vperm.xlane v11, v2;
	v49 =	vperm.xlane v12, v3  }
0xfb: {  	v60 =	vld [tilespmem:$0x1FEE0];
	v9 =	vsel vm7, v14, v9;
	v17 =	vsel vm2, $0xFFFFFFFF, v52;
	vm2 =	vmand vm0, vm13  }
0xfc: {  	v63 =	vld [tilespmem:$0x1FF00];
	[tilespmem:$0x1FF40] =	vst v20;
	v20 =	vsel vm2, $0xFFFFFFFF, v54;
	v11 =	vmin.f32 v11, v47;
	v12 =	vmin.f32 v12, v49  }
0xfd: {  	[tilespmem:$0x1FF30] =	vst v19;
	vm2 =	vmand vm0, vm12;
	v53 =	vperm.xlane v11, v3;
	v19 =	vperm.xlane v12, v4  }
0xfe: {  	v23 =	vsel vm2, $0xFFFFFFFF, v23;
	vm2 =	vmand vm1, vm12;
	vm12 =	vnez.u8 v62  }
0xff: {  	[tilespmem:$0x1FF70] =	vst v17;
	v17 =	vmin.f32 v11, v53;
	v11 =	vmin.f32 v12, v19;
	v12 =	vperm.xlane v15, v2  }
0x100: {  	v16 =	vmin.f32 v16, v22;
	vm11 =	vnez.u8 v60;
	v7 =	vsel vm12, v14, v7  }
0x101: {  	v7 =	vsel vm5, v16, v7;
	vm5 =	vnez.u8 v63;
	v15 =	vmin.f32 v15, v12  }
0x102: {  	v8 =	vsel vm11, v14, v8;
	v6 =	vsel vm5, v14, v6;
	v14 =	vld [tilespmem:$0x1FF10];
	v59 =	vperm.xlane v15, v3  }
0x103: {  	v57 =	vperm.xlane v13, v3;
	v56 =	vperm.xlane v17, v4  }
0x104: {  	v15 =	vmin.f32 v15, v59  }
0x105: {  	[tilespmem:$0x1FFB0] =	vst v20;
	v20 =	vmin.f32 v13, v57;
	v13 =	vmin.f32 v17, v56;
	v17 =	vperm.xlane v15, v4;
	_ =	sdelay $0x1  }
0x106: {  	vm7 =	vnez.u8 v14;
	v14 =	vmin.f32 v15, v17;
	v15 =	vld [tilespmem:$0x1FF20];
	_ =	sdelay $0x3  }
0x107: {  	vm10 =	vmand vm1, vm8;
	vm15 =	vmand vm1, vm13  }
0x108: {  	vm13 =	vmand vm3, vm8;
	vm12 =	vmand vm0, vm8;
	vm8 =	vnez.u8 v15;
	v15 =	vld [tilespmem:$0x1FF30];
	_ =	sdelay $0x4  }
0x109: {  	v8 =	vsel vm9, v16, v8;
	vm9 =	vnez.u8 v15;
	v15 =	vld [tilespmem:$0x1FF40];
	_ =	sdelay $0x4  }
0x10a: {  	v6 =	vsel vm9, v16, v6;
	vm9 =	vnez.u8 v15;
	v15 =	vld [tilespmem:$0x1FF50]  }
0x10b: {  	v58 =	vperm.xlane v20, v4;
	_ =	sdelay $0x1  }
0x10c: {  	v61 =	vmin.f32 v20, v58  }
0x10d: {  	v55 =	vperm.xlane v18, v3;
	v7 =	vsel vm15, v61, v7  }
0x10e: {  	v7 =	vsel vm2, v14, v7;
	vm2 =	vnez.u8 v15;
	v15 =	vld [tilespmem:$0x1FF60]  }
0x10f: {  	v18 =	vmin.f32 v18, v55  }
0x110: {  	v12 =	vperm.xlane v18, v4  }
0x111: {  	vm6 =	vmand vm3, vm6;
	v8 =	vsel vm7, v61, v8  }
0x112: {  	vm5 =	vmand vm3, vm4;
	v12 =	vmin.f32 v18, v12;
	v8 =	vsel vm14, v14, v8  }
0x113: {  	v8 =	vsel vm2, v12, v8;
	vm2 =	vmand vm3, vm8;
	vm3 =	vnez.u8 v15;
	v15 =	vld [tilespmem:$0x1FF70];
	_ =	sdelay $0x4  }
0x114: {  	vm7 =	vmand vm1, vm8;
	vm8 =	vnez.u8 v15;
	v15 =	vld [tilespmem:$0x1FF80];
	_ =	sdelay $0x3  }
0x115: {  	v45 =	vperm.xlane v10, v3;
	v6 =	vsel vm9, v61, v6  }
0x116: {  	v6 =	vsel vm8, v14, v6;
	vm8 =	vnez.u8 v15;
	v15 =	vld [tilespmem:$0x1FF90]  }
0x117: {  	v10 =	vmin.f32 v10, v45  }
0x118: {  	v51 =	vperm.xlane v10, v4;
	_ =	sdelay $0x1  }
0x119: {  	v10 =	vmin.f32 v10, v51  }
0x11a: {  	v8 =	vsel vm8, v10, v8;
	vm8 =	vnez.u8 v15;
	v15 =	vld [tilespmem:$0x1FFA0];
	_ =	sdelay $0x4  }
0x11b: {  	v9 =	vsel vm8, v16, v9;
	vm8 =	vnez.u8 v15;
	v15 =	vld [tilespmem:$0x1FFB0];
	_ =	sdelay $0x3  }
0x11c: {  	[tilespmem:$0x1FFC0] =	vst v23;
	v7 =	vsel vm10, v12, v7;
	v6 =	vsel vm13, v12, v6  }
0x11d: {  	v7 =	vsel vm8, v10, v7;
	vm8 =	vnez.u8 v15;
	v15 =	vsel vm6, v10, v6;
	v6 =	vld [tilespmem:$0x1FFC0];
	_ =	sdelay $0x4  }
0x11e: {  	v9 =	vsel vm8, v61, v9;
	vm6 =	vnez.u8 v6  }
0x11f: {  	v6 =	vsel vm6, v14, v9;
	v9 =	vld [tilespmem:$0x1FFD0];
	_ =	sdelay $0x3  }
0x120: {  	v14 =	vld [tilespmem:$0x1FFF0]  }
0x121: {  	p0 =	slt.u32 s11, $0x38;
	vm6 =	vnez.u8 v9;
	v9 =	vld [tilespmem:$0x1FFE0]  }
.Ltmp8:
0x122: {  	_ = 	snop;
	(pc) =	sbr.rel @p0 .LBB2_14-.Ltmp8, $3  }
0x123: {  	_ =	sdelay $0x1  }
0x124: {  	vm0 =	vmand vm0, vm4;
	v7 =	vsel vm7, v11, v7;
	v8 =	vsel vm6, v11, v8  }
0x125: {  	s13 =	sadd.s32 $0x80, s13;
	s12 =	sadd.s32 $0x80, s12;
	vm6 =	vnez.u8 v9;
	v9 =	vsel vm2, v11, v15;
	vm2 =	vnez.u8 v14  }
0x126: {  	v1 =	vsel vm12, v12, v6;
	vm1 =	vmand vm1, vm4;
	v0 =	vsel vm5, v13, v9  }
0x127: {  	v4 =	vimm.s32 $0xFEDCBA98;
	v2 =	vsel vm2, v13, v8;
	v9 =	vimm.s32 $0xBA987654  }
0x128: {  	v12 =	vimm.s32 $0xFEDCBA9;
	v3 =	vsel vm6, v10, v1;
	v1 =	vsel vm1, v13, v7  }
0x129: {  	v6 =	vunpack.c.l.s4.s8 v4;
	v4 =	vlaneseq.u32;
	v7 =	vimm.s32 $0x76543210  }
0x12a: {  	v10 =	vimm.s32 $0x10FEDCBA;
	v9 =	vunpack.c.l.s4.s8 v9;
	v12 =	vunpack.c.l.s4.s8 v12  }
0x12b: {  	v3 =	vsel vm3, v11, v3;
	v5 =	vor.u32 $0x10, v4;
	v7 =	vunpack.c.l.s4.s8 v7  }
0x12c: {  	v11 =	vimm.s32 $0x98765432;
	v8 =	vunpack.c.0.s8.s32 v6;
	v6 =	vimm.s32 $0x3210FEDC  }
0x12d: {  	v3 =	vsel vm0, v13, v3;
	v13 =	vimm.s32 $0x87654321;
	v6 =	vunpack.c.l.s4.s8 v6  }
0x12e: {  	v10 =	vunpack.c.l.s4.s8 v10;
	v11 =	vunpack.c.l.s4.s8 v11;
	v13 =	vunpack.c.l.s4.s8 v13  }
0x12f: {  	v9 =	vunpack.c.0.s8.s32 v9;
	v12 =	vunpack.c.0.s8.s32 v12;
	v14 =	vunpack.c.0.s8.s32 v6  }
.Ltmp9:
0x130: {  	v10 =	vunpack.c.0.s8.s32 v10;
	v11 =	vunpack.c.0.s8.s32 v11;
	v13 =	vunpack.c.0.s8.s32 v13;
	(pc) =	sbr.rel .LBB2_16-.Ltmp9, $4  }
0x131: {  	v15 =	vunpack.c.0.s8.s32 v7;
	v6 =	vor.u32 $0x20, v4;
	v7 =	vcombine.low v9, v14  }
0x132: {  	s11 =	simm.s32 $0x0;
	s12 =	simm.s32 $0x1E100;
	s13 =	simm.s32 $0x1E500;
	v14 =	vand.u32 $0xF, v8;
	v8 =	vcombine.low v11, v10;
	v9 =	vcombine.low v13, v12  }
0x133: {  	s14 =	simm.s32 $0x1E900;
	s15 =	simm.s32 $0x1ED00;
	s16 =	simm.s32 $0x1F100;
	v10 =	vor.u32 $0x30, v4;
	v11 =	vcombine.low v14, v15;
	v15 =	vimm.f32 $+Inf  }
0x134: {  	s17 =	simm.s32 $0x1F300;
	s18 =	simm.s32 $0x1;
	s19 =	simm.s32 $0x2;
	v12 =	vand.u32 $0xF, v7;
	v13 =	vand.u32 $0xF, v8;
	v14 =	vand.u32 $0xF, v9  }
.LBB2_17:
0x135: {  	_ =	sdelay $0x3  }
0x136: {  	[tilespmem:v19+s15+$0x0] =	vst.idx.msk $0x1, v20;
	v18 =	vsel vm0, $0x7F800000, v18  }
0x137: {  	[tilespmem:v17+s12+$0x0] =	vst.idx.msk $0xffff, v18  }
0x138: {  	s11 =	sadd.s32 $0x1, s11;
	[tilespmem:v20+s14+$0x0] =	vst.idx.msk $0x1, v15  }
.LBB2_37:
0x139: {  	v17 =	vperm.xlane v18, v11;
	_ =	sdelay $0x1  }
0x13a: {  	p0 =	slt.s32 s11, $0x400;
	v17 =	vmin.f32 v18, v17  }
0x13b: {  	s2 =	simm.s32 @!p0 $0x0;
	s3 =	simm.s32 @!p0 $0x1ED00;
	v18 =	vperm.xlane v17, v7  }
0x13c: {  	[hbm4b:s0+s2] =	stream.linear.scatter @!p0 [tilespmem:s3], [sflag:$0x3], $0x400, $0x38;
	[tilespmem:$0x1F500] =	vst v63  }
0x13d: {  	s0 =	simm.s32 @!p0 $0x3;
	v17 =	vmin.f32 v17, v18  }
0x13e: {  	_ =	swait.ge @!p0 [sflag:s0], $0x400;
	v18 =	vperm.xlane v17, v8  }
0x13f: {  	[sflag:s0] =	ssyncset.done @!p0 $0x0  }
0x140: {  	v63 =	vshrl.u32 v16, $0x4;
	v16 =	vand.u32 $0xF, v16;
	[sflag:s0] =	ssyncadd.s32 @!p0 $0xFFFFFC00;
	v17 =	vmin.f32 v17, v18  }
0x141: {  	vm0 =	veq.s32 v63, $0x0;
	vm1 =	veq.s32 v16, v4;
	_ =	sfence.sel @!p0 $0x180000;
	v19 =	vperm.xlane v17, v9  }
0x142: {  	vm15 =	veq.s32 v63, $0x1;
	vm2 =	veq.s32 v63, $0x2;
	vm3 =	veq.s32 v63, $0x3;
	[bflag:$0x0] =	sbarrier.arrive @!p0 $0xFFFF  }
0x143: {  	vm0 =	vmand vm0, vm1;
	vm2 =	vmand vm2, vm1;
	_ =	strace @!p0 $0x90000047;
	v16 =	vmin.f32 v17, v19  }
0x144: {  	s0 =	sadd.s32 @!p0 $0x100000, s1;
	[bflag:$0x2] =	sbarrier.arrive @!p0 $0xFFFF;
	v1 =	vsel vm0, v16, v1;
	vm0 =	vmand vm15, vm1;
	vm1 =	vmand vm3, vm1  }
0x145: {  	[sflag:s0] =	ssyncadd.tile.s32 @!p0 $0x1;
	v3 =	vsel vm2, v16, v3;
	v2 =	vsel vm0, v16, v2;
	v0 =	vsel vm1, v16, v0;
	_ =	shalt @!p0  }
.Ltmp10:
0x146: {  	_ = 	snop;
	(pc) =	sbr.rel .LBB2_16-.Ltmp10, $4  }
0x147: {  	_ = 	snop  }
0x148: {  	_ = 	snop  }
0x149: {  	_ = 	snop  }
0x14a: {  	_ = 	snop  }
.LBB2_16:
0x14b: {  	vm0 =	vlt.f32 v2, v1  }
0x14c: {  	v16 =	vsel vm0, v2, v1  }
0x14d: {  	vm1 =	vlt.f32 v3, v16  }
0x14e: {  	v16 =	vsel vm1, v3, v16  }
0x14f: {  	vm2 =	vlt.f32 v0, v16  }
0x150: {  	v16 =	vsel vm2, v0, v16  }
0x151: {  	v17 =	vperm.xlane v16, v11;
	_ =	sdelay $0x1  }
0x152: {  	v17 =	vmin.f32 v16, v17  }
0x153: {  	v18 =	vperm.xlane v17, v12;
	_ =	sdelay $0x1  }
0x154: {  	v17 =	vmin.f32 v17, v18  }
0x155: {  	v18 =	vperm.xlane v17, v13;
	_ =	sdelay $0x1  }
0x156: {  	v17 =	vmin.f32 v17, v18  }
0x157: {  	v18 =	vperm.xlane v17, v14  }
0x158: {  	v19 =	vsel vm0, v5, v4  }
0x159: {  	v19 =	vsel vm1, v6, v19;
	v20 =	vmin.f32 v17, v18  }
0x15a: {  	v17 =	vsel vm2, v10, v19;
	vm0 =	veq.f32 v16, v20  }
0x15b: {  	v16 =	vnsel vm0, $0x40000000, v17  }
0x15c: {  	v17 =	vperm.xlane v16, v11;
	_ =	sdelay $0x1  }
0x15d: {  	vm0 =	vlt.s32 v16, v17  }
0x15e: {  	v16 =	vsel vm0, v16, v17  }
0x15f: {  	v17 =	vperm.xlane v16, v12;
	_ =	sdelay $0x1  }
0x160: {  	vm0 =	vlt.s32 v16, v17  }
0x161: {  	v16 =	vsel vm0, v16, v17  }
0x162: {  	v17 =	vperm.xlane v16, v13;
	_ =	sdelay $0x1  }
0x163: {  	vm0 =	vlt.s32 v16, v17  }
0x164: {  	v16 =	vsel vm0, v16, v17  }
0x165: {  	v17 =	vperm.xlane v16, v14;
	_ =	sdelay $0x1  }
0x166: {  	vm0 =	vlt.s32 v16, v17  }
0x167: {  	v16 =	vsel vm0, v16, v17  }
0x168: {  	v19 =	vshll.u32 v16, $0x4  }
0x169: {  	v17 =	vor.u32 v4, v19;
	_ =	sdelay $0x4  }
0x16a: {  	v18 =	vld.idx.msk [tilespmem:v17+s12+$0x0], $0xffff;
	_ =	sdelay $0x4  }
0x16b: {  	vm0 =	veq.f32 v18, v20  }
0x16c: {  	v21 =	vmctz.xlane vm0;
	_ =	sdelay $0x1  }
0x16d: {  	v20 =	vand.u32 $0xFFFFFFF8, v21  }
0x16e: {  	v22 =	vand.u32 $0x7, v21;
	v20 =	vadd.s32 v20, v19  }
0x16f: {  	v20 =	vor.u32 v22, v20;
	_ =	sdelay $0x4  }
0x170: {  	v20 =	vld.idx.msk [tilespmem:v20+s13+$0x0], $0xffff;
	_ =	sdelay $0x7  }
0x171: {  	v22 =	vld.idx.msk [tilespmem:v20+s14+$0x0], $0xffff;
	_ =	sdelay $0x4  }
0x172: {  	(v2sf) =	vpush v22, $0x0;
	_ =	sdelay $0xe  }
0x173: {  	s20 =	spop (v2sf)  }
0x174: {  	p0 =	sne.f32 s20, $0.0e+00  }
.Ltmp11:
0x175: {  	_ = 	snop;
	(pc) =	sbr.rel @!p0 .LBB2_17-.Ltmp11, $2  }
0x176: {  	_ =	sdelay $0x2  }
0x177: {  	vm0 =	veq.s32 v21, v4;
	v19 =	vor.u32 v21, v19  }
0x178: {  	(v2sf) =	vpush v19, $0x0;
	_ =	sdelay $0xe  }
0x179: {  	s20 =	spop (v2sf)  }
0x17a: {  	p0 =	sgt.u32 s20, $0x7F  }
0x17b: {  	s21 =	sshll.u32 @!p0 s20, $0xA  }
0x17c: {  	s21 =	sand.u32 @!p0 $0x3FFFFC00, s21  }
0x17d: {  	s22 =	simm.s32 @!p0 $0x1F100;
	s21 =	sadd.s32 @!p0 s21, s2  }
0x17e: {  	[tilespmem:s22], [sflag:$0x1] =	stream.linear.gather @!p0 [spmem:s21], $0x200, $0x38;
	[tilespmem:$0x1F500] =	vst v63  }
0x17f: {  	s21 =	sadd.s32 @!p0 $0x200, s21;
	s22 =	simm.s32 @!p0 $0x1F300  }
0x180: {  	[tilespmem:s22], [sflag:$0x2] =	stream.linear.gather @!p0 [spmem:s21], $0x200, $0x38;
	[tilespmem:$0x1F500] =	vst v63  }
0x181: {  	s21 =	sshrl.u32 s20, $0x7  }
0x182: {  	p0 =	sgt.s32 s21, $0x3  }
.Ltmp12:
0x183: {  	_ = 	snop;
	(pc) =	sbr.rel @p0 .LBB2_23-.Ltmp12, $1  }
0x184: {  	_ =	sdelay $0x3  }
0x185: {  	p0 =	seq.s32 s21, $0x1  }
.Ltmp13:
0x186: {  	_ = 	snop;
	(pc) =	sbr.rel @p0 .LBB2_27-.Ltmp13, $1  }
0x187: {  	_ =	sdelay $0x3  }
0x188: {  	p0 =	seq.s32 s21, $0x2  }
.Ltmp14:
0x189: {  	_ = 	snop;
	(pc) =	sbr.rel @p0 .LBB2_28-.Ltmp14, $1  }
0x18a: {  	_ =	sdelay $0x3  }
0x18b: {  	p0 =	seq.s32 s21, $0x3  }
.Ltmp15:
0x18c: {  	_ = 	snop;
	(pc) =	sbr.rel @!p0 .LBB2_31-.Ltmp15, $1  }
0x18d: {  	_ =	sdelay $0x3  }
0x18e: {  	s20 =	sshll.u32 s20, $0xC  }
0x18f: {  	s20 =	sshra.s32 s20, $0x2  }
.Ltmp16:
0x190: {  	s20 =	sadd.s32 s20, s5;
	(pc) =	sbr.rel .LBB2_32-.Ltmp16, $4  }
0x191: {  	s21 =	sadd.s32 $0xFFFA0000, s20  }
0x192: {  	[tilespmem:s16], [sflag:$0x1] =	stream.linear.gather [spmem:s21], $0x200, $0x38;
	[tilespmem:$0x1F500] =	vst v63  }
0x193: {  	s20 =	sadd.s32 $0xFFFA0200, s20  }
0x194: {  	[tilespmem:s17], [sflag:$0x2] =	stream.linear.gather [spmem:s20], $0x200, $0x38;
	[tilespmem:$0x1F500] =	vst v63  }
.LBB2_23:
0x195: {  	p0 =	seq.s32 s21, $0x4  }
.Ltmp17:
0x196: {  	_ = 	snop;
	(pc) =	sbr.rel @p0 .LBB2_29-.Ltmp17, $1  }
0x197: {  	_ =	sdelay $0x3  }
0x198: {  	p0 =	seq.s32 s21, $0x5  }
.Ltmp18:
0x199: {  	_ = 	snop;
	(pc) =	sbr.rel @p0 .LBB2_30-.Ltmp18, $1  }
0x19a: {  	_ =	sdelay $0x3  }
0x19b: {  	p0 =	seq.s32 s21, $0x6  }
.Ltmp19:
0x19c: {  	_ = 	snop;
	(pc) =	sbr.rel @!p0 .LBB2_31-.Ltmp19, $1  }
0x19d: {  	_ =	sdelay $0x3  }
0x19e: {  	s20 =	sshll.u32 s20, $0xC  }
0x19f: {  	s20 =	sshra.s32 s20, $0x2  }
.Ltmp20:
0x1a0: {  	s20 =	sadd.s32 s20, s8;
	(pc) =	sbr.rel .LBB2_32-.Ltmp20, $4  }
0x1a1: {  	s21 =	sadd.s32 $0xFFF40000, s20  }
0x1a2: {  	[tilespmem:s16], [sflag:$0x1] =	stream.linear.gather [spmem:s21], $0x200, $0x38;
	[tilespmem:$0x1F500] =	vst v63  }
0x1a3: {  	s20 =	sadd.s32 $0xFFF40200, s20  }
0x1a4: {  	[tilespmem:s17], [sflag:$0x2] =	stream.linear.gather [spmem:s20], $0x200, $0x38;
	[tilespmem:$0x1F500] =	vst v63  }
.LBB2_27:
0x1a5: {  	s20 =	sshll.u32 s20, $0xC  }
0x1a6: {  	s20 =	sshra.s32 s20, $0x2  }
.Ltmp21:
0x1a7: {  	s20 =	sadd.s32 s20, s3;
	(pc) =	sbr.rel .LBB2_32-.Ltmp21, $4  }
0x1a8: {  	s21 =	sadd.s32 $0xFFFE0000, s20  }
0x1a9: {  	[tilespmem:s16], [sflag:$0x1] =	stream.linear.gather [spmem:s21], $0x200, $0x38;
	[tilespmem:$0x1F500] =	vst v63  }
0x1aa: {  	s20 =	sadd.s32 $0xFFFE0200, s20  }
0x1ab: {  	[tilespmem:s17], [sflag:$0x2] =	stream.linear.gather [spmem:s20], $0x200, $0x38;
	[tilespmem:$0x1F500] =	vst v63  }
.LBB2_29:
0x1ac: {  	s20 =	sshll.u32 s20, $0xC  }
0x1ad: {  	s20 =	sshra.s32 s20, $0x2  }
.Ltmp22:
0x1ae: {  	s20 =	sadd.s32 s20, s6;
	(pc) =	sbr.rel .LBB2_32-.Ltmp22, $4  }
0x1af: {  	s21 =	sadd.s32 $0xFFF80000, s20  }
0x1b0: {  	[tilespmem:s16], [sflag:$0x1] =	stream.linear.gather [spmem:s21], $0x200, $0x38;
	[tilespmem:$0x1F500] =	vst v63  }
0x1b1: {  	s20 =	sadd.s32 $0xFFF80200, s20  }
0x1b2: {  	[tilespmem:s17], [sflag:$0x2] =	stream.linear.gather [spmem:s20], $0x200, $0x38;
	[tilespmem:$0x1F500] =	vst v63  }
.LBB2_31:
0x1b3: {  	p0 =	slt.s32 s20, $0x380  }
0x1b4: {  	s20 =	sshll.u32 @!p0 s20, $0x7  }
.Ltmp23:
0x1b5: {  	s20 =	sand.u32 @!p0 $0x1FFFFF80, s20;
	(pc) =	sbr.rel .LBB2_32-.Ltmp23, $4  }
0x1b6: {  	s22 =	simm.s32 @!p0 $0x0;
	s23 =	simm.s32 @!p0 $0x1F100;
	s21 =	sadd.s32 @!p0 s9, s20  }
0x1b7: {  	[tilespmem:s23], [sflag:$0x1] =	stream.linear.gather @!p0 [hbm4b:s21+s22], $0x200, $0x38;
	[tilespmem:$0x1F500] =	vst v63  }
0x1b8: {  	s20 =	sadd.s32 @!p0 s20, s10;
	s21 =	simm.s32 @!p0 $0x1F300  }
0x1b9: {  	[tilespmem:s21], [sflag:$0x2] =	stream.linear.gather @!p0 [hbm4b:s20+s22], $0x200, $0x38;
	[tilespmem:$0x1F500] =	vst v63  }
.LBB2_28:
0x1ba: {  	s20 =	sshll.u32 s20, $0xC  }
0x1bb: {  	s20 =	sshra.s32 s20, $0x2  }
.Ltmp24:
0x1bc: {  	s20 =	sadd.s32 s20, s4;
	(pc) =	sbr.rel .LBB2_32-.Ltmp24, $4  }
0x1bd: {  	s21 =	sadd.s32 $0xFFFC0000, s20  }
0x1be: {  	[tilespmem:s16], [sflag:$0x1] =	stream.linear.gather [spmem:s21], $0x200, $0x38;
	[tilespmem:$0x1F500] =	vst v63  }
0x1bf: {  	s20 =	sadd.s32 $0xFFFC0200, s20  }
0x1c0: {  	[tilespmem:s17], [sflag:$0x2] =	stream.linear.gather [spmem:s20], $0x200, $0x38;
	[tilespmem:$0x1F500] =	vst v63  }
.LBB2_30:
0x1c1: {  	s20 =	sshll.u32 s20, $0xC  }
0x1c2: {  	s20 =	sshra.s32 s20, $0x2  }
0x1c3: {  	s20 =	sadd.s32 s20, s7  }
0x1c4: {  	s21 =	sadd.s32 $0xFFF60000, s20  }
0x1c5: {  	[tilespmem:s16], [sflag:$0x1] =	stream.linear.gather [spmem:s21], $0x200, $0x38;
	[tilespmem:$0x1F500] =	vst v63  }
0x1c6: {  	s20 =	sadd.s32 $0xFFF60200, s20  }
0x1c7: {  	[tilespmem:s17], [sflag:$0x2] =	stream.linear.gather [spmem:s20], $0x200, $0x38;
	[tilespmem:$0x1F500] =	vst v63  }
.LBB2_32:
0x1c8: {  	_ =	swait.ge [sflag:s18], $0x200  }
0x1c9: {  	[sflag:s18] =	ssyncset.done $0x0  }
0x1ca: {  	s20 =	simm.s32 $0x0;
	p0 =	por $0x1, $0x1;
	v21 =	vimm.f32 $+Inf;
	v20 =	vimm.s32 $0x40000000;
	[sflag:s18] =	ssyncadd.s32 $0xFFFFFE00  }
.LBB2_33:
0x1cb: {  	v22 =	vld [tilespmem:s20+$0x1F100]  }
0x1cc: {  	v23 =	vld [tilespmem:s20+$0x1E900]  }
0x1cd: {  	v24 =	vld [tilespmem:s20+$0x1F110]  }
0x1ce: {  	v25 =	vld [tilespmem:s20+$0x1E910]  }
0x1cf: {  	v26 =	vld [tilespmem:s20+$0x1F120]  }
0x1d0: {  	v27 =	vld [tilespmem:s20+$0x1E920]  }
0x1d1: {  	v28 =	vld [tilespmem:s20+$0x1E930];
	v22 =	vadd.f32 v23, v22  }
0x1d2: {  	v23 =	vld [tilespmem:s20+$0x1F130]  }
0x1d3: {  	v33 =	vld [tilespmem:s20+$0x1F140];
	v24 =	vadd.f32 v25, v24;
	vm1 =	vlt.f32 v22, v21  }
0x1d4: {  	v21 =	vsel vm1, v22, v21;
	v22 =	vld [tilespmem:s20+$0x1E940]  }
0x1d5: {  	v34 =	vld [tilespmem:s20+$0x1F150];
	v26 =	vadd.f32 v27, v26;
	vm2 =	vlt.f32 v24, v21  }
0x1d6: {  	v29 =	vor.u32 s20, v4;
	v35 =	vld [tilespmem:s20+$0x1E950];
	v21 =	vsel vm2, v24, v21  }
0x1d7: {  	s21 =	sor.u32 $0x10, s20;
	v37 =	vld [tilespmem:s20+$0x1F160];
	v20 =	vsel vm1, v29, v20;
	v23 =	vadd.f32 v28, v23;
	vm1 =	vlt.f32 v26, v21  }
0x1d8: {  	v38 =	vld [tilespmem:s20+$0x1E960];
	v36 =	vor.u32 s21, v4;
	v21 =	vsel vm1, v26, v21  }
0x1d9: {  	s26 =	sor.u32 $0x20, s20;
	v40 =	vld [tilespmem:s20+$0x1F170];
	v20 =	vsel vm2, v36, v20;
	vm2 =	vlt.f32 v23, v21;
	v22 =	vadd.f32 v22, v33  }
0x1da: {  	v39 =	vor.u32 s26, v4;
	v21 =	vsel vm2, v23, v21;
	v23 =	vld [tilespmem:s20+$0x1E970]  }
0x1db: {  	s28 =	sor.u32 $0x30, s20;
	v42 =	vld [tilespmem:s20+$0x1F180];
	v24 =	vadd.f32 v35, v34;
	v20 =	vsel vm1, v39, v20;
	vm1 =	vlt.f32 v22, v21  }
0x1dc: {  	v41 =	vor.u32 s28, v4;
	v21 =	vsel vm1, v22, v21;
	v22 =	vld [tilespmem:s20+$0x1E980]  }
0x1dd: {  	s29 =	sor.u32 $0x40, s20;
	v44 =	vld [tilespmem:s20+$0x1F190];
	v26 =	vadd.f32 v38, v37;
	v20 =	vsel vm2, v41, v20;
	vm2 =	vlt.f32 v24, v21  }
0x1de: {  	v45 =	vld [tilespmem:s20+$0x1E990];
	v43 =	vor.u32 s29, v4;
	v21 =	vsel vm2, v24, v21  }
0x1df: {  	s30 =	sor.u32 $0x50, s20;
	v47 =	vld [tilespmem:s20+$0x1F1A0];
	v20 =	vsel vm1, v43, v20;
	vm1 =	vlt.f32 v26, v21;
	v23 =	vadd.f32 v23, v40  }
0x1e0: {  	v48 =	vld [tilespmem:s20+$0x1E9A0];
	v46 =	vor.u32 s30, v4;
	v21 =	vsel vm1, v26, v21  }
0x1e1: {  	s31 =	sor.u32 $0x60, s20;
	v50 =	vld [tilespmem:s20+$0x1F1B0];
	v20 =	vsel vm2, v46, v20;
	vm2 =	vlt.f32 v23, v21;
	v22 =	vadd.f32 v22, v42  }
0x1e2: {  	v49 =	vor.u32 s31, v4;
	v21 =	vsel vm2, v23, v21;
	v23 =	vld [tilespmem:s20+$0x1E9B0]  }
0x1e3: {  	s22 =	sor.u32 $0x70, s20;
	v52 =	vld [tilespmem:s20+$0x1F1C0];
	v24 =	vadd.f32 v45, v44;
	v20 =	vsel vm1, v49, v20;
	vm1 =	vlt.f32 v22, v21  }
0x1e4: {  	v51 =	vor.u32 s22, v4;
	v21 =	vsel vm1, v22, v21;
	v22 =	vld [tilespmem:s20+$0x1E9C0]  }
0x1e5: {  	s23 =	sor.u32 $0x80, s20;
	v54 =	vld [tilespmem:s20+$0x1F1D0];
	v25 =	vadd.f32 v48, v47;
	v20 =	vsel vm2, v51, v20;
	vm2 =	vlt.f32 v24, v21  }
0x1e6: {  	v55 =	vld [tilespmem:s20+$0x1E9D0];
	v53 =	vor.u32 s23, v4;
	v21 =	vsel vm2, v24, v21  }
0x1e7: {  	s24 =	sor.u32 $0x90, s20;
	v57 =	vld [tilespmem:s20+$0x1F1E0];
	v20 =	vsel vm1, v53, v20;
	vm1 =	vlt.f32 v25, v21;
	v23 =	vadd.f32 v23, v50  }
0x1e8: {  	v58 =	vld [tilespmem:s20+$0x1E9E0];
	v56 =	vor.u32 s24, v4;
	v21 =	vsel vm1, v25, v21  }
0x1e9: {  	s25 =	sor.u32 $0xA0, s20;
	v60 =	vld [tilespmem:s20+$0x1F1F0];
	v20 =	vsel vm2, v56, v20;
	vm2 =	vlt.f32 v23, v21;
	v22 =	vadd.f32 v22, v52  }
0x1ea: {  	v59 =	vor.u32 s25, v4;
	v21 =	vsel vm2, v23, v21;
	v23 =	vld [tilespmem:s20+$0x1E9F0]  }
0x1eb: {  	s26 =	sor.u32 $0xB0, s20;
	v24 =	vadd.f32 v55, v54;
	v20 =	vsel vm1, v59, v20;
	vm1 =	vlt.f32 v22, v21  }
0x1ec: {  	v61 =	vor.u32 s26, v4;
	v21 =	vsel vm1, v22, v21  }
0x1ed: {  	p1 =	por p0, p0;
	s28 =	sor.u32 $0xC0, s20;
	s29 =	sor.u32 $0xD0, s20;
	v20 =	vsel vm2, v61, v20;
	v22 =	vadd.f32 v58, v57;
	vm2 =	vlt.f32 v24, v21  }
.Ltmp25:
0x1ee: {  	v62 =	vor.u32 s28, v4;
	v63 =	vor.u32 s29, v4;
	v21 =	vsel vm2, v24, v21;
	(pc) =	sbr.rel @p1 .LBB2_33-.Ltmp25, $4  }
0x1ef: {  	s30 =	sor.u32 $0xE0, s20;
	v20 =	vsel vm1, v62, v20;
	v23 =	vadd.f32 v23, v60;
	vm1 =	vlt.f32 v22, v21  }
0x1f0: {  	s31 =	sor.u32 $0xF0, s20;
	v20 =	vsel vm2, v63, v20;
	v21 =	vsel vm1, v22, v21;
	v22 =	vor.u32 s30, v4  }
0x1f1: {  	v20 =	vsel vm1, v22, v20;
	v22 =	vor.u32 s31, v4;
	vm1 =	vlt.f32 v23, v21  }
0x1f2: {  	p0 =	por $0x0, $0x0;
	s20 =	simm.s32 $0x100;
	v21 =	vsel vm1, v23, v21;
	v20 =	vsel vm1, v22, v20  }
0x1f3: {  	_ =	swait.ge [sflag:s19], $0x200  }
0x1f4: {  	[sflag:s19] =	ssyncset.done $0x0  }
0x1f5: {  	s22 =	simm.s32 $0x1F3F0;
	[sflag:s19] =	ssyncadd.s32 $0xFFFFFE00  }
0x1f6: {  	s20 =	simm.s32 $0x1EBF0;
	v22 =	vld [tilespmem:s22+$0xFFFFFF10]  }
0x1f7: {  	v23 =	vld [tilespmem:s20+$0xFFFFFF10]  }
0x1f8: {  	v24 =	vld [tilespmem:s22+$0xFFFFFF20]  }
0x1f9: {  	v25 =	vld [tilespmem:s20+$0xFFFFFF20]  }
0x1fa: {  	v26 =	vld [tilespmem:s22+$0xFFFFFF30]  }
0x1fb: {  	v27 =	vld [tilespmem:s20+$0xFFFFFF30]  }
0x1fc: {  	v28 =	vld [tilespmem:s20+$0xFFFFFF40];
	v22 =	vadd.f32 v23, v22  }
0x1fd: {  	v23 =	vld [tilespmem:s22+$0xFFFFFF40]  }
0x1fe: {  	v24 =	vadd.f32 v25, v24;
	v25 =	vld [tilespmem:s22+$0xFFFFFF50];
	vm1 =	vlt.f32 v22, v21  }
0x1ff: {  	s21 =	simm.s32 $0x200;
	v21 =	vsel vm1, v22, v21;
	v22 =	vld [tilespmem:s20+$0xFFFFFF50]  }
0x200: {  	v29 =	vor.u32 s21, v4;
	v26 =	vadd.f32 v27, v26;
	v27 =	vld [tilespmem:s22+$0xFFFFFF60];
	vm2 =	vlt.f32 v24, v21  }
0x201: {  	s30 =	simm.s32 $0x210;
	v20 =	vsel vm1, v29, v20;
	v21 =	vsel vm2, v24, v21;
	v24 =	vld [tilespmem:s20+$0xFFFFFF60]  }
0x202: {  	v29 =	vor.u32 s30, v4;
	v23 =	vadd.f32 v28, v23;
	v28 =	vld [tilespmem:s22+$0xFFFFFF70];
	vm1 =	vlt.f32 v26, v21  }
0x203: {  	s31 =	simm.s32 $0x220;
	v20 =	vsel vm2, v29, v20;
	v21 =	vsel vm1, v26, v21;
	v26 =	vld [tilespmem:s20+$0xFFFFFF70]  }
0x204: {  	v29 =	vor.u32 s31, v4;
	vm2 =	vlt.f32 v23, v21;
	v22 =	vadd.f32 v22, v25;
	v25 =	vld [tilespmem:s22+$0xFFFFFF80]  }
0x205: {  	s23 =	simm.s32 $0x230;
	v20 =	vsel vm1, v29, v20;
	v21 =	vsel vm2, v23, v21;
	v23 =	vld [tilespmem:s20+$0xFFFFFF80]  }
0x206: {  	v29 =	vor.u32 s23, v4;
	vm1 =	vlt.f32 v22, v21;
	v24 =	vadd.f32 v24, v27;
	v27 =	vld [tilespmem:s22+$0xFFFFFF90]  }
0x207: {  	s24 =	simm.s32 $0x240;
	v20 =	vsel vm2, v29, v20;
	v21 =	vsel vm1, v22, v21;
	v22 =	vld [tilespmem:s20+$0xFFFFFF90]  }
0x208: {  	v29 =	vor.u32 s24, v4;
	vm2 =	vlt.f32 v24, v21;
	v26 =	vadd.f32 v26, v28;
	v28 =	vld [tilespmem:s22+$0xFFFFFFA0]  }
0x209: {  	s25 =	simm.s32 $0x250;
	v20 =	vsel vm1, v29, v20;
	v21 =	vsel vm2, v24, v21;
	v24 =	vld [tilespmem:s20+$0xFFFFFFA0]  }
0x20a: {  	v29 =	vor.u32 s25, v4;
	vm1 =	vlt.f32 v26, v21;
	v23 =	vadd.f32 v23, v25;
	v25 =	vld [tilespmem:s22+$0xFFFFFFB0]  }
0x20b: {  	s26 =	simm.s32 $0x260;
	v20 =	vsel vm2, v29, v20;
	v21 =	vsel vm1, v26, v21;
	v26 =	vld [tilespmem:s20+$0xFFFFFFB0]  }
0x20c: {  	v29 =	vor.u32 s26, v4;
	vm2 =	vlt.f32 v23, v21;
	v22 =	vadd.f32 v22, v27;
	v27 =	vld [tilespmem:s22+$0xFFFFFFC0]  }
0x20d: {  	s28 =	simm.s32 $0x270;
	v20 =	vsel vm1, v29, v20;
	v21 =	vsel vm2, v23, v21;
	v23 =	vld [tilespmem:s20+$0xFFFFFFC0]  }
0x20e: {  	v30 =	vld [tilespmem:s20+$0xFFFFFFD0];
	v29 =	vor.u32 s28, v4;
	vm1 =	vlt.f32 v22, v21;
	v24 =	vadd.f32 v24, v28  }
0x20f: {  	s29 =	simm.s32 $0x280;
	v29 =	vsel vm2, v29, v20;
	v28 =	vld [tilespmem:s22+$0xFFFFFFD0];
	v21 =	vsel vm1, v22, v21  }
0x210: {  	s30 =	simm.s32 $0x290;
	v20 =	vld [tilespmem:s22+$0xFFFFFFE0];
	v22 =	vor.u32 s29, v4;
	vm2 =	vlt.f32 v24, v21;
	v25 =	vadd.f32 v26, v25  }
0x211: {  	v26 =	vsel vm1, v22, v29;
	v22 =	vld [tilespmem:s20+$0xFFFFFFE0];
	v29 =	vor.u32 s30, v4;
	v24 =	vsel vm2, v24, v21  }
0x212: {  	s31 =	simm.s32 $0x2A0;
	s23 =	simm.s32 $0x2B0;
	v21 =	vld [tilespmem:s22+$0xFFFFFFF0];
	vm1 =	vlt.f32 v25, v24;
	v31 =	vadd.f32 v23, v27;
	v23 =	vsel vm2, v29, v26  }
0x213: {  	v26 =	vor.u32 s31, v4;
	v29 =	vor.u32 s23, v4;
	v25 =	vsel vm1, v25, v24;
	v24 =	vld [tilespmem:s20+$0xFFFFFFF0]  }
0x214: {  	s21 =	simm.s32 $0x2F0;
	v26 =	vsel vm1, v26, v23;
	v23 =	vld [tilespmem:s22+$0x0];
	v27 =	vadd.f32 v30, v28;
	vm1 =	vlt.f32 v31, v25  }
0x215: {  	s24 =	simm.s32 $0x2C0;
	s23 =	simm.s32 $0x1F4F0;
	s22 =	simm.s32 $0x20;
	v28 =	vsel vm1, v31, v25;
	v26 =	vsel vm1, v29, v26;
	v25 =	vld [tilespmem:s20+$0x0]  }
.LBB2_35:
0x216: {  	v29 =	vld [tilespmem:s23+$0xFFFFFF10];
	v30 =	vor.u32 s24, v4;
	vm1 =	vlt.f32 v27, v28;
	v20 =	vadd.f32 v22, v20;
	s20 =	sadd.s32 $0x100, s20  }
0x217: {  	s22 =	sadd.s32 $0x10, s22;
	s24 =	sadd.s32 $0xFFFFFFE0, s21;
	v22 =	vld [tilespmem:s20+$0xFFFFFF10];
	v27 =	vsel vm1, v27, v28;
	v26 =	vsel vm1, v30, v26  }
0x218: {  	p0 =	slt.u32 s22, $0x30;
	v30 =	vor.u32 s24, v4;
	v28 =	vld [tilespmem:s23+$0xFFFFFF20];
	vm1 =	vlt.f32 v20, v27;
	v21 =	vadd.f32 v24, v21  }
0x219: {  	s24 =	sadd.s32 $0xFFFFFFF0, s21;
	v24 =	vld [tilespmem:s20+$0xFFFFFF20];
	v20 =	vsel vm1, v20, v27;
	v26 =	vsel vm1, v30, v26  }
0x21a: {  	v30 =	vor.u32 s24, v4;
	v27 =	vld [tilespmem:s23+$0xFFFFFF30];
	vm1 =	vlt.f32 v21, v20;
	v23 =	vadd.f32 v25, v23  }
0x21b: {  	v25 =	vld [tilespmem:s20+$0xFFFFFF30];
	v20 =	vsel vm1, v21, v20;
	v21 =	vsel vm1, v30, v26  }
0x21c: {  	v22 =	vadd.f32 v22, v29;
	v26 =	vld [tilespmem:s23+$0xFFFFFF40];
	v29 =	vor.u32 s21, v4;
	vm1 =	vlt.f32 v23, v20;
	s21 =	sadd.s32 $0x100, s21  }
0x21d: {  	s24 =	sadd.s32 $0xFFFFFF10, s21;
	v30 =	vld [tilespmem:s20+$0xFFFFFF40];
	v20 =	vsel vm1, v23, v20;
	v21 =	vsel vm1, v29, v21  }
0x21e: {  	v23 =	vor.u32 s24, v4;
	vm1 =	vlt.f32 v22, v20;
	v24 =	vadd.f32 v24, v28;
	v28 =	vld [tilespmem:s23+$0xFFFFFF50]  }
0x21f: {  	s24 =	sadd.s32 $0xFFFFFF20, s21;
	v20 =	vsel vm1, v22, v20;
	v21 =	vsel vm1, v23, v21;
	v22 =	vld [tilespmem:s20+$0xFFFFFF50]  }
0x220: {  	v23 =	vor.u32 s24, v4;
	vm1 =	vlt.f32 v24, v20;
	v25 =	vadd.f32 v25, v27;
	v27 =	vld [tilespmem:s23+$0xFFFFFF60]  }
0x221: {  	s24 =	sadd.s32 $0xFFFFFF30, s21;
	v20 =	vsel vm1, v24, v20;
	v21 =	vsel vm1, v23, v21;
	v23 =	vld [tilespmem:s20+$0xFFFFFF60]  }
0x222: {  	v24 =	vor.u32 s24, v4;
	vm1 =	vlt.f32 v25, v20;
	v26 =	vadd.f32 v30, v26;
	v29 =	vld [tilespmem:s23+$0xFFFFFF70]  }
0x223: {  	s24 =	sadd.s32 $0xFFFFFF40, s21;
	v20 =	vsel vm1, v25, v20;
	v21 =	vsel vm1, v24, v21;
	v24 =	vld [tilespmem:s20+$0xFFFFFF70]  }
0x224: {  	v25 =	vor.u32 s24, v4;
	vm1 =	vlt.f32 v26, v20;
	v22 =	vadd.f32 v22, v28;
	v28 =	vld [tilespmem:s23+$0xFFFFFF80]  }
0x225: {  	s24 =	sadd.s32 $0xFFFFFF50, s21;
	v20 =	vsel vm1, v26, v20;
	v21 =	vsel vm1, v25, v21;
	v25 =	vld [tilespmem:s20+$0xFFFFFF80]  }
0x226: {  	v26 =	vor.u32 s24, v4;
	vm1 =	vlt.f32 v22, v20;
	v23 =	vadd.f32 v23, v27;
	v27 =	vld [tilespmem:s23+$0xFFFFFF90]  }
0x227: {  	s24 =	sadd.s32 $0xFFFFFF60, s21;
	v20 =	vsel vm1, v22, v20;
	v21 =	vsel vm1, v26, v21;
	v22 =	vld [tilespmem:s20+$0xFFFFFF90]  }
0x228: {  	v26 =	vor.u32 s24, v4;
	vm1 =	vlt.f32 v23, v20;
	v24 =	vadd.f32 v24, v29;
	v29 =	vld [tilespmem:s23+$0xFFFFFFA0]  }
0x229: {  	s24 =	sadd.s32 $0xFFFFFF70, s21;
	v20 =	vsel vm1, v23, v20;
	v21 =	vsel vm1, v26, v21;
	v23 =	vld [tilespmem:s20+$0xFFFFFFA0]  }
0x22a: {  	v26 =	vor.u32 s24, v4;
	vm1 =	vlt.f32 v24, v20;
	v25 =	vadd.f32 v25, v28;
	v28 =	vld [tilespmem:s23+$0xFFFFFFB0]  }
0x22b: {  	s24 =	sadd.s32 $0xFFFFFF80, s21;
	v20 =	vsel vm1, v24, v20;
	v21 =	vsel vm1, v26, v21;
	v24 =	vld [tilespmem:s20+$0xFFFFFFB0]  }
0x22c: {  	v26 =	vor.u32 s24, v4;
	vm1 =	vlt.f32 v25, v20;
	v22 =	vadd.f32 v22, v27;
	v27 =	vld [tilespmem:s23+$0xFFFFFFC0]  }
0x22d: {  	s24 =	sadd.s32 $0xFFFFFF90, s21;
	v20 =	vsel vm1, v25, v20;
	v21 =	vsel vm1, v26, v21;
	v25 =	vld [tilespmem:s20+$0xFFFFFFC0]  }
0x22e: {  	v26 =	vor.u32 s24, v4;
	vm1 =	vlt.f32 v22, v20;
	v23 =	vadd.f32 v23, v29;
	v29 =	vld [tilespmem:s23+$0xFFFFFFD0]  }
0x22f: {  	s24 =	sadd.s32 $0xFFFFFFA0, s21;
	v22 =	vsel vm1, v22, v20;
	v21 =	vsel vm1, v26, v21;
	v26 =	vld [tilespmem:s20+$0xFFFFFFD0]  }
0x230: {  	v30 =	vor.u32 s24, v4;
	vm1 =	vlt.f32 v23, v22;
	v24 =	vadd.f32 v24, v28;
	v20 =	vld [tilespmem:s23+$0xFFFFFFE0]  }
.Ltmp26:
0x231: {  	s24 =	sadd.s32 $0xFFFFFFB0, s21;
	v23 =	vsel vm1, v23, v22;
	v28 =	vsel vm1, v30, v21;
	v22 =	vld [tilespmem:s20+$0xFFFFFFE0];
	(pc) =	sbr.rel @p0 .LBB2_35-.Ltmp26, $4  }
0x232: {  	v30 =	vor.u32 s24, v4;
	vm1 =	vlt.f32 v24, v23;
	v25 =	vadd.f32 v25, v27;
	v21 =	vld [tilespmem:s23+$0xFFFFFFF0]  }
0x233: {  	s24 =	sadd.s32 $0xFFFFFFC0, s21;
	v31 =	vsel vm1, v24, v23;
	v30 =	vsel vm1, v30, v28;
	v24 =	vld [tilespmem:s20+$0xFFFFFFF0]  }
0x234: {  	v32 =	vor.u32 s24, v4;
	vm1 =	vlt.f32 v25, v31;
	v27 =	vadd.f32 v26, v29;
	v23 =	vld [tilespmem:s23+$0x0]  }
0x235: {  	s24 =	sadd.s32 $0xFFFFFFD0, s21;
	s23 =	sadd.s32 $0x100, s23;
	v28 =	vsel vm1, v25, v31;
	v26 =	vsel vm1, v32, v30;
	v25 =	vld [tilespmem:s20+$0x0]  }
0x236: {  	vm1 =	vlt.f32 v27, v28;
	v20 =	vadd.f32 v22, v20  }
0x237: {  	v54 =	vsel vm1, v27, v28  }
0x238: {  	vm2 =	vlt.f32 v20, v54;
	v21 =	vadd.f32 v24, v21  }
0x239: {  	v20 =	vsel vm2, v20, v54  }
0x23a: {  	vm3 =	vlt.f32 v21, v20;
	v55 =	vadd.f32 v25, v23  }
0x23b: {  	v20 =	vsel vm3, v21, v20  }
0x23c: {  	vm4 =	vlt.f32 v55, v20  }
0x23d: {  	v20 =	vsel vm4, v55, v20  }
0x23e: {  	v56 =	vperm.xlane v20, v11;
	_ =	sdelay $0x1  }
0x23f: {  	v21 =	vmin.f32 v20, v56  }
0x240: {  	v57 =	vperm.xlane v21, v12;
	_ =	sdelay $0x1  }
0x241: {  	v21 =	vmin.f32 v21, v57  }
0x242: {  	v22 =	vperm.xlane v21, v13;
	_ =	sdelay $0x1  }
0x243: {  	v58 =	vor.u32 s24, v4;
	s20 =	sadd.s32 $0xFFFFFFE0, s21;
	v21 =	vmin.f32 v21, v22  }
0x244: {  	s31 =	sadd.s32 $0xFFFFFFF0, s21;
	v59 =	vsel vm1, v58, v26;
	v60 =	vor.u32 s20, v4;
	v61 =	vperm.xlane v21, v14  }
0x245: {  	v62 =	vor.u32 s31, v4;
	v22 =	vsel vm2, v60, v59  }
0x246: {  	v63 =	vor.u32 s21, v4;
	v22 =	vsel vm3, v62, v22;
	v21 =	vmin.f32 v21, v61  }
0x247: {  	v22 =	vsel vm4, v63, v22;
	vm15 =	veq.f32 v20, v21  }
0x248: {  	v20 =	vnsel vm15, $0x40000000, v22  }
0x249: {  	v22 =	vperm.xlane v20, v11;
	_ =	sdelay $0x1  }
0x24a: {  	vm1 =	vlt.s32 v20, v22  }
0x24b: {  	v20 =	vsel vm1, v20, v22  }
0x24c: {  	v22 =	vperm.xlane v20, v12;
	_ =	sdelay $0x1  }
0x24d: {  	vm1 =	vlt.s32 v20, v22  }
0x24e: {  	v20 =	vsel vm1, v20, v22  }
0x24f: {  	v22 =	vperm.xlane v20, v13;
	_ =	sdelay $0x1  }
0x250: {  	vm1 =	vlt.s32 v20, v22  }
0x251: {  	v20 =	vsel vm1, v20, v22  }
.Ltmp27:
0x252: {  	v22 =	vperm.xlane v20, v14;
	(pc) =	sbr.rel .LBB2_37-.Ltmp27, $4  }
0x253: {  	_ = 	snop  }
0x254: {  	v18 =	vsel vm0, v21, v18;
	vm1 =	vlt.s32 v20, v22  }
0x255: {  	[tilespmem:v17+s12+$0x0] =	vst.idx.msk $0xffff, v18;
	v20 =	vsel vm1, v20, v22  }
0x256: {  	[tilespmem:v19+s13+$0x0] =	vst.idx.msk $0x1, v20  }
.Lfunc_end2:
_tile_overlayer_lowered:
.L_overlay_start_2:
0x257: {  	(tag) =	ssettag $0x2  }
0x258: {  	s0 =	rddreg [dreg:$0x0];
	s2 =	stileid.u32  }
0x259: {  	s1 =	rddreg [dreg:$0x1];
	p0 =	sne.s32 s2, $0x0  }
0x25a: {  	s3 =	rddreg [dreg:$0x2];
	[bflag:$0x3] =	sbarrier.arrive $0xFFFF;
	s2 =	simm.s32 @!p0 $0x1C03  }
0x25b: {  	[timem:s3], [sflag:s2] =	dma.local @!p0 [hbm:s0], s1  }
0x25c: {  	s0 =	simm.s32 @!p0 $0x3  }
0x25d: {  	_ =	swait.ge @!p0 [sflag:s0], s1  }
0x25e: {  	s1 =	ssub.s32 @!p0 $0x0, s1;
	[sflag:s0] =	ssyncset.done @!p0 $0x0  }
0x25f: {  	[sflag:s0] =	ssyncadd.s32 @!p0 s1  }
0x260: {  	[bflag:$0x3] =	sbarrier.arrive $0xFFFF  }
0x261: {  	_ =	shalt  }

</sc_bundles>
